<compile_context>
chip_gen: v7x
topology: tpu7x:2x2x1
jax: 0.10.2.dev20260603
libtpu: 0.0.44.dev20260713+nightly
codegen_flags: <defaults>
</compile_context>

<pallas_src>
import jax
import jax.numpy as jnp
from jax import lax
from jax.experimental import pallas as pl
from jax.experimental.pallas import tpu as pltpu
from jax.experimental.pallas import tpu_sc as plsc

N = 10000
E = 320000
D_IN = 128
D_H = 64
D_OUT = 7
D_OUT_PAD = 16

NC = 2
NS = 16
NW = NC * NS
CHUNK = 100
KSTEPS = 100
EPW = KSTEPS * CHUNK
N_PAD = 10240
STRIPE = N_PAD // NS

assert NW * EPW == E

_MESH = plsc.VectorSubcoreMesh(core_axis_name="c", subcore_axis_name="s")
_SC_PARAMS = pltpu.CompilerParams(use_tc_tiling_on_sc=False)



def _deg_body(ei4, zeros, out, idx_v, ones_v, deg_sh):
    c = lax.axis_index("c")
    s = lax.axis_index("s")
    wid = s * NC + c

    @pl.loop(0, CHUNK)
    def _(i):
        ones_v[i, :] = jnp.ones((16,), jnp.float32)

    pltpu.sync_copy(zeros.at[pl.ds(s * STRIPE, STRIPE)],
                    deg_sh.at[pl.ds(s * STRIPE, STRIPE)])
    plsc.subcore_barrier()

    pltpu.sync_copy(ei4.at[1, wid], idx_v)

    @pl.loop(0, KSTEPS)
    def _(j):
        pltpu.sync_copy(ones_v, deg_sh.at[idx_v.at[j]], add=True)

    plsc.subcore_barrier()
    pltpu.sync_copy(deg_sh.at[pl.ds(s * STRIPE, STRIPE)],
                    out.at[pl.ds(c * N_PAD + s * STRIPE, STRIPE)])


def _deg_counts(ei4, zeros16):
    k = pl.kernel(
        _deg_body,
        out_type=jax.ShapeDtypeStruct((NC * N_PAD, 16), jnp.float32),
        mesh=_MESH,
        scratch_types=[
            pltpu.VMEM((KSTEPS, CHUNK), jnp.int32),
            pltpu.VMEM((CHUNK, 16), jnp.float32),
            pltpu.VMEM_SHARED((N_PAD, 16), jnp.float32),
        ],
        compiler_params=_SC_PARAMS,
    )
    return k(ei4, zeros16)


_DEPTH = 10
_LEAD = 5


def _agg_body(u_hbm, ei4, zeros, out, *scratch):
    isrc, idst = scratch[0], scratch[1]
    rows = list(scratch[2:2 + _DEPTH])
    agg_sh = scratch[2 + _DEPTH]
    gsem = list(scratch[3 + _DEPTH:3 + 2 * _DEPTH])
    ssem = list(scratch[3 + 2 * _DEPTH:3 + 3 * _DEPTH])
    c = lax.axis_index("c")
    s = lax.axis_index("s")
    wid = s * NC + c

    @pl.when(c == 0)
    def _():
        pltpu.sync_copy(u_hbm.at[pl.ds(s * STRIPE, STRIPE)],
                        agg_sh.at[pl.ds(s * STRIPE, STRIPE)])

    @pl.when(c != 0)
    def _():
        pltpu.sync_copy(zeros.at[pl.ds(s * STRIPE, STRIPE)],
                        agg_sh.at[pl.ds(s * STRIPE, STRIPE)])

    plsc.subcore_barrier()

    pltpu.sync_copy(ei4.at[0, wid], isrc)
    pltpu.sync_copy(ei4.at[1, wid], idst)

    def wait_gather(b):
        pltpu.make_async_copy(u_hbm.at[isrc.at[0]], rows[b], gsem[b]).wait()

    def wait_scatter(b):
        pltpu.make_async_copy(rows[b], agg_sh.at[idst.at[0]], ssem[b]).wait()

    for i in range(_LEAD):
        pltpu.async_copy(u_hbm.at[isrc.at[i]], rows[i], gsem[i])

    @pl.loop(0, KSTEPS, step=_DEPTH)
    def _(j):
        for o in range(_DEPTH):
            i = j + o
            b = o
            bn = (o + _LEAD) % _DEPTH
            wait_gather(b)
            pltpu.async_copy(rows[b], agg_sh.at[idst.at[i]], ssem[b],
                             add=True)

            @pl.when(i + _LEAD < KSTEPS)
            def _():
                @pl.when(i >= _DEPTH - _LEAD)
                def _():
                    wait_scatter(bn)
                pltpu.async_copy(u_hbm.at[isrc.at[i + _LEAD]], rows[bn],
                                 gsem[bn])

    for b in range(_DEPTH):
        wait_scatter(b)

    plsc.subcore_barrier()
    pltpu.sync_copy(agg_sh.at[pl.ds(s * STRIPE, STRIPE)],
                    out.at[pl.ds(c * N_PAD + s * STRIPE, STRIPE)])


def _edge_aggregate(u, ei4, zeros, width):
    k = pl.kernel(
        _agg_body,
        out_type=jax.ShapeDtypeStruct((NC * N_PAD, width), jnp.float32),
        mesh=_MESH,
        scratch_types=(
            [pltpu.VMEM((KSTEPS, CHUNK), jnp.int32)] * 2
            + [pltpu.VMEM((CHUNK, width), jnp.float32)] * _DEPTH
            + [pltpu.VMEM_SHARED((N_PAD, width), jnp.float32)]
            + [pltpu.SemaphoreType.DMA] * (2 * _DEPTH)
        ),
        compiler_params=_SC_PARAMS,
    )
    return k(u, ei4, zeros)



def _dinv(deg_ref):
    d = deg_ref[0:N, 0:1] + deg_ref[N_PAD:N_PAD + N, 0:1] + 1.0
    return lax.rsqrt(d)


def _mm1_body(x_ref, w1_ref, h_ref):
    h_ref[...] = jnp.dot(x_ref[...], w1_ref[...],
                         preferred_element_type=jnp.float32)


def _u1_body(h_ref, deg_ref, u1_ref):
    u1_ref[0:N, :] = _dinv(deg_ref) * h_ref[...]
    u1_ref[N:N_PAD, :] = jnp.zeros((N_PAD - N, D_H), jnp.float32)


def _u2_body(agg_ref, deg_ref, b1_ref, w2_ref, u2_ref):
    dinv = _dinv(deg_ref)
    agg = agg_ref[0:N, :] + agg_ref[N_PAD:N_PAD + N, :]
    h1 = jnp.maximum(dinv * agg + b1_ref[...], 0.0)
    u2_ref[0:N, :] = dinv * jnp.dot(h1, w2_ref[...],
                                    preferred_element_type=jnp.float32)
    u2_ref[N:N_PAD, :] = jnp.zeros((N_PAD - N, D_OUT_PAD), jnp.float32)


def _out_body(agg_ref, deg_ref, b2_ref, o_ref):
    agg = agg_ref[0:N, :] + agg_ref[N_PAD:N_PAD + N, :]
    o_ref[...] = _dinv(deg_ref) * agg + b2_ref[...]


def _tc_call(body, out_shape):
    return pl.pallas_call(
        body,
        out_shape=jax.ShapeDtypeStruct(out_shape, jnp.float32),
    )



@jax.jit
def kernel(x, edge_index, W1, b1, W2, b2):
    ei4 = edge_index.astype(jnp.int32).reshape(2, NW, KSTEPS, CHUNK)
    z16 = jnp.zeros((N_PAD, 16), jnp.float32)
    z64 = jnp.zeros((N_PAD, D_H), jnp.float32)
    w2p = jnp.pad(W2, ((0, 0), (0, D_OUT_PAD - D_OUT)))
    b1r = b1.reshape(1, D_H)
    b2r = jnp.pad(b2, (0, D_OUT_PAD - D_OUT)).reshape(1, D_OUT_PAD)

    deg = _deg_counts(ei4, z16)

    h1 = _tc_call(_mm1_body, (N, D_H))(x, W1)
    u1 = _tc_call(_u1_body, (N_PAD, D_H))(h1, deg)
    agg1 = _edge_aggregate(u1, ei4, z64, D_H)
    u2 = _tc_call(_u2_body, (N_PAD, D_OUT_PAD))(agg1, deg, b1r, w2p)
    agg2 = _edge_aggregate(u2, ei4, z16, D_OUT_PAD)
    out = _tc_call(_out_body, (N, D_OUT_PAD))(agg2, deg, b2r)
    return out[:, :D_OUT]

# --- scband reference (transcript-rebuilt; emitter-appended) ---
"""Pipeline reference for scband-gcn-3332894622188 (READ-ONLY COPY).

The authoritative reference and input builder live on the scoring server;
editing this copy changes nothing except your own understanding.
"""

import jax, jax.numpy as jnp
import numpy as np

N_NODES = 10000
N_EDGES = 320000
D_FEAT = 128
HIDDEN = 64
N_CLASSES = 7


def setup_inputs(seed: int = 0) -> dict:
    key = jax.random.key(seed)
    k1, k2, k3, k4, k5, k6 = jax.random.split(key, 6)
    x = jax.random.normal(k1, (N_NODES, D_FEAT), dtype=jnp.float32)
    edge_index = jax.random.randint(k2, (2, N_EDGES), 0, N_NODES, dtype=jnp.int64)
    W1 = jax.random.normal(k3, (D_FEAT, HIDDEN), dtype=jnp.float32) * (1.0 / np.sqrt(D_FEAT))
    b1 = jnp.zeros((HIDDEN,), dtype=jnp.float32)
    W2 = jax.random.normal(k4, (HIDDEN, N_CLASSES), dtype=jnp.float32) * (1.0 / np.sqrt(HIDDEN))
    b2 = jnp.zeros((N_CLASSES,), dtype=jnp.float32)
    return {"x": x, "edge_index": edge_index, "W1": W1, "b1": b1, "W2": W2, "b2": b2}


def _gcn_conv(x, edge_index, W, b):
    n = x.shape[0]
    src = edge_index[0]
    dst = edge_index[1]
    # add self loops (PyG GCNConv default)
    loop = jnp.arange(n, dtype=src.dtype)
    src = jnp.concatenate([src, loop])
    dst = jnp.concatenate([dst, loop])
    # symmetric normalization D^{-1/2} (A+I) D^{-1/2}
    deg = jax.ops.segment_sum(jnp.ones_like(dst, dtype=x.dtype), dst, num_segments=n)
    dinv = jnp.where(deg > 0, jax.lax.rsqrt(deg), 0.0)
    norm = dinv[src] * dinv[dst]
    h = x @ W
    msg = h[src] * norm[:, None]
    out = jax.ops.segment_sum(msg, dst, num_segments=n)
    return out + b


def reference(x, edge_index, W1, b1, W2, b2):
    h = _gcn_conv(x, edge_index, W1, b1)
    h = jax.nn.relu(h)
    # dropout p=0.5 with training=False -> identity (eval mode)
    out = _gcn_conv(h, edge_index, W2, b2)
    return out

if __name__ == "__main__":
    import jax
    _d = setup_inputs()
    print(jax.jit(kernel)(*tuple(_d.values())))

</pallas_src>

<mosaic_0001>
#map = affine_map<(d0, d1) -> (0, 0, 0, 0)>
#map1 = affine_map<(d0, d1) -> (0, 0)>
module attributes {stable_mosaic.version = 14 : i64} {
  func.func @_deg_body(%arg0: i32, %arg1: i32, %arg2: memref<2x32x100x100xi32, #tpu.memory_space<hbm>>, %arg3: memref<10240x16xf32, #tpu.memory_space<hbm>>, %arg4: memref<20480x16xf32, #tpu.memory_space<hbm>>, %arg5: memref<100x100xi32, #tpu.memory_space<vmem>>, %arg6: memref<100x16xf32, #tpu.memory_space<vmem>>, %arg7: memref<10240x16xf32, #tpu.memory_space<vmem_shared>>) attributes {dimension_semantics = [#tpu.dimension_semantics<core_parallel>, #tpu.dimension_semantics<subcore_parallel>], iteration_bounds = array<i64: 2, 16>, scalar_prefetch = 0 : i64, scratch_operands = 3 : i64, tpu.core_type = #tpu.core_type<sc_vector_subcore>, window_params = [{transform_indices = #map}, {transform_indices = #map1}, {transform_indices = #map1}]} {
    %mul3A = arith.constant 2 : i32
    %mul3A_0 = arith.muli %arg1, %mul3A : i32
    %add3A = arith.addi %mul3A_0, %arg0 : i32
    %scan3A = arith.constant 0 : i32
    %scan3A_1 = arith.constant 100 : i32
    %scan3A_2 = arith.addi %scan3A, %scan3A_1 : i32
    %scan3A_3 = arith.constant 1 : i32
    scf.for %scan3A_22 = %scan3A to %scan3A_2 step %scan3A_3  : i32 {
      %mul3A_23 = arith.constant 1 : i32
      %mul3A_24 = arith.muli %scan3A_22, %mul3A_23 : i32
      %add3A_25 = arith.constant 0 : i32
      %add3A_26 = arith.addi %add3A_25, %mul3A_24 : i32
      %broadcast_in_dim3A = arith.constant 1.000000e+00 : f32
      %broadcast_in_dim3A_27 = vector.broadcast %broadcast_in_dim3A : f32 to vector<16xf32>
      %swap3A = arith.index_cast %add3A_26 : i32 to index
      %swap3A_28 = arith.constant 0 : index
      %swap3A_29 = tpu.vector_load %arg6[%swap3A, %swap3A_28] {strides = array<i32>} : memref<100x16xf32, #tpu.memory_space<vmem>>, vector<1x16xf32>,
      %swap3A_30 = vector.shape_cast %swap3A_29 : vector<1x16xf32> to vector<16xf32>
      %swap3A_31 = vector.shape_cast %broadcast_in_dim3A_27 : vector<16xf32> to vector<1x16xf32>
      tpu.vector_store %arg6[%swap3A, %swap3A_28], %swap3A_31 {strides = array<i32>} : memref<100x16xf32, #tpu.memory_space<vmem>>, vector<1x16xf32>,
    }
    %scan3A_4 = arith.constant 100 : i32
    %mul3A_5 = arith.constant 640 : i32
    %mul3A_6 = arith.muli %arg1, %mul3A_5 : i32
    %mul3A_7 = arith.constant 640 : i32
    %mul3A_8 = arith.muli %arg1, %mul3A_7 : i32
    "tpu.region"() ({
      %run_scoped3A_22 = tpu.sem_alloc : memref<!tpu.dma_semaphore, #tpu.memory_space<semaphore_mem>>
      %dma_start3A = arith.constant 0 : i32
      %dma_start3A_23 = tpu.memref_slice %arg7[%mul3A_8, %dma_start3A] : memref<10240x16xf32, #tpu.memory_space<vmem_shared>> -> memref<640x16xf32, #tpu.memory_space<vmem_shared>>
      %dma_start3A_24 = arith.constant 0 : i32
      %dma_start3A_25 = tpu.memref_slice %arg3[%mul3A_6, %dma_start3A_24] : memref<10240x16xf32, #tpu.memory_space<hbm>> -> memref<640x16xf32, #tpu.memory_space<hbm>>
      tpu.enqueue_dma source(%dma_start3A_25 : memref<640x16xf32, #tpu.memory_space<hbm>>) target(%dma_start3A_23 : memref<640x16xf32, #tpu.memory_space<vmem_shared>>) target_semaphore(%run_scoped3A_22 : memref<!tpu.dma_semaphore, #tpu.memory_space<semaphore_mem>>)
      %dma_wait3A = arith.constant 0 : i32
      %dma_wait3A_26 = tpu.memref_slice %arg7[%mul3A_8, %dma_wait3A] : memref<10240x16xf32, #tpu.memory_space<vmem_shared>> -> memref<640x16xf32, #tpu.memory_space<vmem_shared>>
      %dma_wait3A_27 = arith.constant 0 : i32
      %dma_wait3A_28 = tpu.memref_slice %arg3[%mul3A_6, %dma_wait3A_27] : memref<10240x16xf32, #tpu.memory_space<hbm>> -> memref<640x16xf32, #tpu.memory_space<hbm>>
      tpu.wait_dma2 semaphore(%run_scoped3A_22 : memref<!tpu.dma_semaphore, #tpu.memory_space<semaphore_mem>>) src(%dma_wait3A_28 : memref<640x16xf32, #tpu.memory_space<hbm>>) dst(%dma_wait3A_26 : memref<640x16xf32, #tpu.memory_space<vmem_shared>>)
      tpu.yield
    }) : () -> ()
    %barrier3A = arith.constant 0 : index
    tpu.barrier barrier_id(%barrier3A)
    %run_scoped3A = arith.constant 1 : i32
    "tpu.region"() ({
      %run_scoped3A_22 = tpu.sem_alloc : memref<!tpu.dma_semaphore, #tpu.memory_space<semaphore_mem>>
      %dma_start3A = arith.constant 0 : i32
      %dma_start3A_23 = arith.constant 0 : i32
      %dma_start3A_24 = tpu.memref_slice %arg2[%run_scoped3A, %add3A, %dma_start3A, %dma_start3A_23] : memref<2x32x100x100xi32, #tpu.memory_space<hbm>> -> memref<1x1x100x100xi32, #tpu.memory_space<hbm>>
      %dma_start3A_25 = tpu.memref_squeeze %dma_start3A_24 : memref<1x1x100x100xi32, #tpu.memory_space<hbm>> -> memref<100x100xi32, #tpu.memory_space<hbm>>
      %dma_start3A_26 = arith.constant 0 : i32
      %dma_start3A_27 = arith.constant 0 : i32
      %dma_start3A_28 = tpu.memref_slice %arg2[%run_scoped3A, %add3A, %dma_start3A_26, %dma_start3A_27] : memref<2x32x100x100xi32, #tpu.memory_space<hbm>> -> memref<1x1x100x100xi32, #tpu.memory_space<hbm>>
      %dma_start3A_29 = tpu.memref_squeeze %dma_start3A_28 : memref<1x1x100x100xi32, #tpu.memory_space<hbm>> -> memref<100x100xi32, #tpu.memory_space<hbm>>
      tpu.enqueue_dma source(%dma_start3A_29 : memref<100x100xi32, #tpu.memory_space<hbm>>) target(%arg5 : memref<100x100xi32, #tpu.memory_space<vmem>>) target_semaphore(%run_scoped3A_22 : memref<!tpu.dma_semaphore, #tpu.memory_space<semaphore_mem>>)
      %dma_wait3A = arith.constant 0 : i32
      %dma_wait3A_30 = arith.constant 0 : i32
      %dma_wait3A_31 = tpu.memref_slice %arg2[%run_scoped3A, %add3A, %dma_wait3A, %dma_wait3A_30] : memref<2x32x100x100xi32, #tpu.memory_space<hbm>> -> memref<1x1x100x100xi32, #tpu.memory_space<hbm>>
      %dma_wait3A_32 = tpu.memref_squeeze %dma_wait3A_31 : memref<1x1x100x100xi32, #tpu.memory_space<hbm>> -> memref<100x100xi32, #tpu.memory_space<hbm>>
      %dma_wait3A_33 = arith.constant 0 : i32
      %dma_wait3A_34 = arith.constant 0 : i32
      %dma_wait3A_35 = tpu.memref_slice %arg2[%run_scoped3A, %add3A, %dma_wait3A_33, %dma_wait3A_34] : memref<2x32x100x100xi32, #tpu.memory_space<hbm>> -> memref<1x1x100x100xi32, #tpu.memory_space<hbm>>
      %dma_wait3A_36 = tpu.memref_squeeze %dma_wait3A_35 : memref<1x1x100x100xi32, #tpu.memory_space<hbm>> -> memref<100x100xi32, #tpu.memory_space<hbm>>
      tpu.wait_dma2 semaphore(%run_scoped3A_22 : memref<!tpu.dma_semaphore, #tpu.memory_space<semaphore_mem>>) src(%dma_wait3A_36 : memref<100x100xi32, #tpu.memory_space<hbm>>) dst(%arg5 : memref<100x100xi32, #tpu.memory_space<vmem>>)
      tpu.yield
    }) : () -> ()
    %scan3A_9 = arith.constant 0 : i32
    %scan3A_10 = arith.constant 100 : i32
    %scan3A_11 = arith.addi %scan3A_9, %scan3A_10 : i32
    %scan3A_12 = arith.constant 1 : i32
    scf.for %scan3A_22 = %scan3A_9 to %scan3A_11 step %scan3A_12  : i32 {
      %mul3A_23 = arith.constant 1 : i32
      %mul3A_24 = arith.muli %scan3A_22, %mul3A_23 : i32
      %add3A_25 = arith.constant 0 : i32
      %add3A_26 = arith.addi %add3A_25, %mul3A_24 : i32
      "tpu.region"() ({
        %run_scoped3A_27 = tpu.sem_alloc : memref<!tpu.dma_semaphore, #tpu.memory_space<semaphore_mem>>
        %dma_start3A = arith.constant 0 : i32
        %dma_start3A_28 = tpu.memref_slice %arg5[%add3A_26, %dma_start3A] : memref<100x100xi32, #tpu.memory_space<vmem>> -> memref<1x100xi32, #tpu.memory_space<vmem>>
        %dma_start3A_29 = tpu.memref_squeeze %dma_start3A_28 : memref<1x100xi32, #tpu.memory_space<vmem>> -> memref<100xi32, #tpu.memory_space<vmem>>
        %dma_start3A_30 = arith.constant 0 : i32
        %dma_start3A_31 = arith.constant 0 : i32
        %dma_start3A_32 = tpu.memref_slice %arg7[%dma_start3A_30, %dma_start3A_31] : memref<10240x16xf32, #tpu.memory_space<vmem_shared>> -> memref<10240x16xf32, #tpu.memory_space<vmem_shared>>
        tpu.enqueue_indirect_dma source(%arg6 : memref<100x16xf32, #tpu.memory_space<vmem>>) target(%dma_start3A_32 : memref<10240x16xf32, #tpu.memory_space<vmem_shared>>) offsets(%dma_start3A_29 : memref<100xi32, #tpu.memory_space<vmem>>) semaphore(%run_scoped3A_27 : memref<!tpu.dma_semaphore, #tpu.memory_space<semaphore_mem>>) {add = true}
        %dma_wait3A = arith.constant 0 : i32
        %dma_wait3A_33 = tpu.memref_slice %arg5[%add3A_26, %dma_wait3A] : memref<100x100xi32, #tpu.memory_space<vmem>> -> memref<1x100xi32, #tpu.memory_space<vmem>>
        %dma_wait3A_34 = tpu.memref_squeeze %dma_wait3A_33 : memref<1x100xi32, #tpu.memory_space<vmem>> -> memref<100xi32, #tpu.memory_space<vmem>>
        %dma_wait3A_35 = arith.constant 0 : i32
        %dma_wait3A_36 = arith.constant 0 : i32
        %dma_wait3A_37 = tpu.memref_slice %arg7[%dma_wait3A_35, %dma_wait3A_36] : memref<10240x16xf32, #tpu.memory_space<vmem_shared>> -> memref<10240x16xf32, #tpu.memory_space<vmem_shared>>
        tpu.wait_indirect_dma semaphore(%run_scoped3A_27 : memref<!tpu.dma_semaphore, #tpu.memory_space<semaphore_mem>>) src(%arg6 : memref<100x16xf32, #tpu.memory_space<vmem>>) dst(%dma_wait3A_37 : memref<10240x16xf32, #tpu.memory_space<vmem_shared>>)
        tpu.yield
      }) : () -> ()
    }
    %scan3A_13 = arith.constant 100 : i32
    %barrier3A_14 = arith.constant 0 : index
    tpu.barrier barrier_id(%barrier3A_14)
    %mul3A_15 = arith.constant 640 : i32
    %mul3A_16 = arith.muli %arg1, %mul3A_15 : i32
    %mul3A_17 = arith.constant 10240 : i32
    %mul3A_18 = arith.muli %arg0, %mul3A_17 : i32
    %mul3A_19 = arith.constant 640 : i32
    %mul3A_20 = arith.muli %arg1, %mul3A_19 : i32
    %add3A_21 = arith.addi %mul3A_18, %mul3A_20 : i32
    "tpu.region"() ({
      %run_scoped3A_22 = tpu.sem_alloc : memref<!tpu.dma_semaphore, #tpu.memory_space<semaphore_mem>>
      %dma_start3A = arith.constant 0 : i32
      %dma_start3A_23 = tpu.memref_slice %arg4[%add3A_21, %dma_start3A] : memref<20480x16xf32, #tpu.memory_space<hbm>> -> memref<640x16xf32, #tpu.memory_space<hbm>>
      %dma_start3A_24 = arith.constant 0 : i32
      %dma_start3A_25 = tpu.memref_slice %arg7[%mul3A_16, %dma_start3A_24] : memref<10240x16xf32, #tpu.memory_space<vmem_shared>> -> memref<640x16xf32, #tpu.memory_space<vmem_shared>>
      tpu.enqueue_dma source(%dma_start3A_25 : memref<640x16xf32, #tpu.memory_space<vmem_shared>>) target(%dma_start3A_23 : memref<640x16xf32, #tpu.memory_space<hbm>>) target_semaphore(%run_scoped3A_22 : memref<!tpu.dma_semaphore, #tpu.memory_space<semaphore_mem>>)
      %dma_wait3A = arith.constant 0 : i32
      %dma_wait3A_26 = tpu.memref_slice %arg4[%add3A_21, %dma_wait3A] : memref<20480x16xf32, #tpu.memory_space<hbm>> -> memref<640x16xf32, #tpu.memory_space<hbm>>
      %dma_wait3A_27 = arith.constant 0 : i32
      %dma_wait3A_28 = tpu.memref_slice %arg7[%mul3A_16, %dma_wait3A_27] : memref<10240x16xf32, #tpu.memory_space<vmem_shared>> -> memref<640x16xf32, #tpu.memory_space<vmem_shared>>
      tpu.wait_dma2 semaphore(%run_scoped3A_22 : memref<!tpu.dma_semaphore, #tpu.memory_space<semaphore_mem>>) src(%dma_wait3A_28 : memref<640x16xf32, #tpu.memory_space<vmem_shared>>) dst(%dma_wait3A_26 : memref<640x16xf32, #tpu.memory_space<hbm>>)
      tpu.yield
    }) : () -> ()
    return
  }
}

#map = affine_map<(d0, d1) -> (0, 0)>
#map1 = affine_map<(d0, d1) -> (0, 0, 0, 0)>
module attributes {stable_mosaic.version = 14 : i64} {
  func.func @_agg_body(%arg0: i32, %arg1: i32, %arg2: memref<10240x16xf32, #tpu.memory_space<hbm>>, %arg3: memref<2x32x100x100xi32, #tpu.memory_space<hbm>>, %arg4: memref<10240x16xf32, #tpu.memory_space<hbm>>, %arg5: memref<20480x16xf32, #tpu.memory_space<hbm>>, %arg6: memref<100x100xi32, #tpu.memory_space<vmem>>, %arg7: memref<100x100xi32, #tpu.memory_space<vmem>>, %arg8: memref<100x16xf32, #tpu.memory_space<vmem>>, %arg9: memref<100x16xf32, #tpu.memory_space<vmem>>, %arg10: memref<100x16xf32, #tpu.memory_space<vmem>>, %arg11: memref<100x16xf32, #tpu.memory_space<vmem>>, %arg12: memref<100x16xf32, #tpu.memory_space<vmem>>, %arg13: memref<100x16xf32, #tpu.memory_space<vmem>>, %arg14: memref<100x16xf32, #tpu.memory_space<vmem>>, %arg15: memref<100x16xf32, #tpu.memory_space<vmem>>, %arg16: memref<100x16xf32, #tpu.memory_space<vmem>>, %arg17: memref<100x16xf32, #tpu.memory_space<vmem>>, %arg18: memref<10240x16xf32, #tpu.memory_space<vmem_shared>>, %arg19: memref<!tpu.dma_semaphore, #tpu.memory_space<semaphore_mem>>, %arg20: memref<!tpu.dma_semaphore, #tpu.memory_space<semaphore_mem>>, %arg21: memref<!tpu.dma_semaphore, #tpu.memory_space<semaphore_mem>>, %arg22: memref<!tpu.dma_semaphore, #tpu.memory_space<semaphore_mem>>, %arg23: memref<!tpu.dma_semaphore, #tpu.memory_space<semaphore_mem>>, %arg24: memref<!tpu.dma_semaphore, #tpu.memory_space<semaphore_mem>>, %arg25: memref<!tpu.dma_semaphore, #tpu.memory_space<semaphore_mem>>, %arg26: memref<!tpu.dma_semaphore, #tpu.memory_space<semaphore_mem>>, %arg27: memref<!tpu.dma_semaphore, #tpu.memory_space<semaphore_mem>>, %arg28: memref<!tpu.dma_semaphore, #tpu.memory_space<semaphore_mem>>, %arg29: memref<!tpu.dma_semaphore, #tpu.memory_space<semaphore_mem>>, %arg30: memref<!tpu.dma_semaphore, #tpu.memory_space<semaphore_mem>>, %arg31: memref<!tpu.dma_semaphore, #tpu.memory_space<semaphore_mem>>, %arg32: memref<!tpu.dma_semaphore, #tpu.memory_space<semaphore_mem>>, %arg33: memref<!tpu.dma_semaphore, #tpu.memory_space<semaphore_mem>>, %arg34: memref<!tpu.dma_semaphore, #tpu.memory_space<semaphore_mem>>, %arg35: memref<!tpu.dma_semaphore, #tpu.memory_space<semaphore_mem>>, %arg36: memref<!tpu.dma_semaphore, #tpu.memory_space<semaphore_mem>>, %arg37: memref<!tpu.dma_semaphore, #tpu.memory_space<semaphore_mem>>, %arg38: memref<!tpu.dma_semaphore, #tpu.memory_space<semaphore_mem>>) attributes {dimension_semantics = [#tpu.dimension_semantics<core_parallel>, #tpu.dimension_semantics<subcore_parallel>], iteration_bounds = array<i64: 2, 16>, scalar_prefetch = 0 : i64, scratch_operands = 33 : i64, tpu.core_type = #tpu.core_type<sc_vector_subcore>, window_params = [{transform_indices = #map}, {transform_indices = #map1}, {transform_indices = #map}, {transform_indices = #map}]} {
    %mul3A = arith.constant 2 : i32
    %mul3A_0 = arith.muli %arg1, %mul3A : i32
    %add3A = arith.addi %mul3A_0, %arg0 : i32
    %eq3A = arith.constant 0 : i32
    %eq3A_1 = arith.cmpi eq, %arg0, %eq3A : i32
    %convert_element_type3A = arith.extui %eq3A_1 : i1 to i32
    %cond3A = arith.constant 0 : i32
    %cond3A_2 = arith.cmpi ne, %convert_element_type3A, %cond3A : i32
    scf.if %cond3A_2 {
      %mul3A_123 = arith.constant 640 : i32
      %mul3A_124 = arith.muli %arg1, %mul3A_123 : i32
      %mul3A_125 = arith.constant 640 : i32
      %mul3A_126 = arith.muli %arg1, %mul3A_125 : i32
      "tpu.region"() ({
        %run_scoped3A_127 = tpu.sem_alloc : memref<!tpu.dma_semaphore, #tpu.memory_space<semaphore_mem>>
        %dma_start3A_128 = arith.constant 0 : i32
        %dma_start3A_129 = tpu.memref_slice %arg18[%mul3A_126, %dma_start3A_128] : memref<10240x16xf32, #tpu.memory_space<vmem_shared>> -> memref<640x16xf32, #tpu.memory_space<vmem_shared>>
        %dma_start3A_130 = arith.constant 0 : i32
        %dma_start3A_131 = tpu.memref_slice %arg2[%mul3A_124, %dma_start3A_130] : memref<10240x16xf32, #tpu.memory_space<hbm>> -> memref<640x16xf32, #tpu.memory_space<hbm>>
        tpu.enqueue_dma source(%dma_start3A_131 : memref<640x16xf32, #tpu.memory_space<hbm>>) target(%dma_start3A_129 : memref<640x16xf32, #tpu.memory_space<vmem_shared>>) target_semaphore(%run_scoped3A_127 : memref<!tpu.dma_semaphore, #tpu.memory_space<semaphore_mem>>)
        %dma_wait3A_132 = arith.constant 0 : i32
        %dma_wait3A_133 = tpu.memref_slice %arg18[%mul3A_126, %dma_wait3A_132] : memref<10240x16xf32, #tpu.memory_space<vmem_shared>> -> memref<640x16xf32, #tpu.memory_space<vmem_shared>>
        %dma_wait3A_134 = arith.constant 0 : i32
        %dma_wait3A_135 = tpu.memref_slice %arg2[%mul3A_124, %dma_wait3A_134] : memref<10240x16xf32, #tpu.memory_space<hbm>> -> memref<640x16xf32, #tpu.memory_space<hbm>>
        tpu.wait_dma2 semaphore(%run_scoped3A_127 : memref<!tpu.dma_semaphore, #tpu.memory_space<semaphore_mem>>) src(%dma_wait3A_135 : memref<640x16xf32, #tpu.memory_space<hbm>>) dst(%dma_wait3A_133 : memref<640x16xf32, #tpu.memory_space<vmem_shared>>)
        tpu.yield
      }) : () -> ()
    } else {
    }
    %ne3A = arith.constant 0 : i32
    %ne3A_3 = arith.cmpi ne, %arg0, %ne3A : i32
    %convert_element_type3A_4 = arith.extui %ne3A_3 : i1 to i32
    %cond3A_5 = arith.constant 0 : i32
    %cond3A_6 = arith.cmpi ne, %convert_element_type3A_4, %cond3A_5 : i32
    scf.if %cond3A_6 {
      %mul3A_123 = arith.constant 640 : i32
      %mul3A_124 = arith.muli %arg1, %mul3A_123 : i32
      %mul3A_125 = arith.constant 640 : i32
      %mul3A_126 = arith.muli %arg1, %mul3A_125 : i32
      "tpu.region"() ({
        %run_scoped3A_127 = tpu.sem_alloc : memref<!tpu.dma_semaphore, #tpu.memory_space<semaphore_mem>>
        %dma_start3A_128 = arith.constant 0 : i32
        %dma_start3A_129 = tpu.memref_slice %arg18[%mul3A_126, %dma_start3A_128] : memref<10240x16xf32, #tpu.memory_space<vmem_shared>> -> memref<640x16xf32, #tpu.memory_space<vmem_shared>>
        %dma_start3A_130 = arith.constant 0 : i32
        %dma_start3A_131 = tpu.memref_slice %arg4[%mul3A_124, %dma_start3A_130] : memref<10240x16xf32, #tpu.memory_space<hbm>> -> memref<640x16xf32, #tpu.memory_space<hbm>>
        tpu.enqueue_dma source(%dma_start3A_131 : memref<640x16xf32, #tpu.memory_space<hbm>>) target(%dma_start3A_129 : memref<640x16xf32, #tpu.memory_space<vmem_shared>>) target_semaphore(%run_scoped3A_127 : memref<!tpu.dma_semaphore, #tpu.memory_space<semaphore_mem>>)
        %dma_wait3A_132 = arith.constant 0 : i32
        %dma_wait3A_133 = tpu.memref_slice %arg18[%mul3A_126, %dma_wait3A_132] : memref<10240x16xf32, #tpu.memory_space<vmem_shared>> -> memref<640x16xf32, #tpu.memory_space<vmem_shared>>
        %dma_wait3A_134 = arith.constant 0 : i32
        %dma_wait3A_135 = tpu.memref_slice %arg4[%mul3A_124, %dma_wait3A_134] : memref<10240x16xf32, #tpu.memory_space<hbm>> -> memref<640x16xf32, #tpu.memory_space<hbm>>
        tpu.wait_dma2 semaphore(%run_scoped3A_127 : memref<!tpu.dma_semaphore, #tpu.memory_space<semaphore_mem>>) src(%dma_wait3A_135 : memref<640x16xf32, #tpu.memory_space<hbm>>) dst(%dma_wait3A_133 : memref<640x16xf32, #tpu.memory_space<vmem_shared>>)
        tpu.yield
      }) : () -> ()
    } else {
    }
    %barrier3A = arith.constant 0 : index
    tpu.barrier barrier_id(%barrier3A)
    %run_scoped3A = arith.constant 0 : i32
    "tpu.region"() ({
      %run_scoped3A_123 = tpu.sem_alloc : memref<!tpu.dma_semaphore, #tpu.memory_space<semaphore_mem>>
      %dma_start3A_124 = arith.constant 0 : i32
      %dma_start3A_125 = arith.constant 0 : i32
      %dma_start3A_126 = tpu.memref_slice %arg3[%run_scoped3A, %add3A, %dma_start3A_124, %dma_start3A_125] : memref<2x32x100x100xi32, #tpu.memory_space<hbm>> -> memref<1x1x100x100xi32, #tpu.memory_space<hbm>>
      %dma_start3A_127 = tpu.memref_squeeze %dma_start3A_126 : memref<1x1x100x100xi32, #tpu.memory_space<hbm>> -> memref<100x100xi32, #tpu.memory_space<hbm>>
      %dma_start3A_128 = arith.constant 0 : i32
      %dma_start3A_129 = arith.constant 0 : i32
      %dma_start3A_130 = tpu.memref_slice %arg3[%run_scoped3A, %add3A, %dma_start3A_128, %dma_start3A_129] : memref<2x32x100x100xi32, #tpu.memory_space<hbm>> -> memref<1x1x100x100xi32, #tpu.memory_space<hbm>>
      %dma_start3A_131 = tpu.memref_squeeze %dma_start3A_130 : memref<1x1x100x100xi32, #tpu.memory_space<hbm>> -> memref<100x100xi32, #tpu.memory_space<hbm>>
      tpu.enqueue_dma source(%dma_start3A_131 : memref<100x100xi32, #tpu.memory_space<hbm>>) target(%arg6 : memref<100x100xi32, #tpu.memory_space<vmem>>) target_semaphore(%run_scoped3A_123 : memref<!tpu.dma_semaphore, #tpu.memory_space<semaphore_mem>>)
      %dma_wait3A_132 = arith.constant 0 : i32
      %dma_wait3A_133 = arith.constant 0 : i32
      %dma_wait3A_134 = tpu.memref_slice %arg3[%run_scoped3A, %add3A, %dma_wait3A_132, %dma_wait3A_133] : memref<2x32x100x100xi32, #tpu.memory_space<hbm>> -> memref<1x1x100x100xi32, #tpu.memory_space<hbm>>
      %dma_wait3A_135 = tpu.memref_squeeze %dma_wait3A_134 : memref<1x1x100x100xi32, #tpu.memory_space<hbm>> -> memref<100x100xi32, #tpu.memory_space<hbm>>
      %dma_wait3A_136 = arith.constant 0 : i32
      %dma_wait3A_137 = arith.constant 0 : i32
      %dma_wait3A_138 = tpu.memref_slice %arg3[%run_scoped3A, %add3A, %dma_wait3A_136, %dma_wait3A_137] : memref<2x32x100x100xi32, #tpu.memory_space<hbm>> -> memref<1x1x100x100xi32, #tpu.memory_space<hbm>>
      %dma_wait3A_139 = tpu.memref_squeeze %dma_wait3A_138 : memref<1x1x100x100xi32, #tpu.memory_space<hbm>> -> memref<100x100xi32, #tpu.memory_space<hbm>>
      tpu.wait_dma2 semaphore(%run_scoped3A_123 : memref<!tpu.dma_semaphore, #tpu.memory_space<semaphore_mem>>) src(%dma_wait3A_139 : memref<100x100xi32, #tpu.memory_space<hbm>>) dst(%arg6 : memref<100x100xi32, #tpu.memory_space<vmem>>)
      tpu.yield
    }) : () -> ()
    %run_scoped3A_7 = arith.constant 1 : i32
    "tpu.region"() ({
      %run_scoped3A_123 = tpu.sem_alloc : memref<!tpu.dma_semaphore, #tpu.memory_space<semaphore_mem>>
      %dma_start3A_124 = arith.constant 0 : i32
      %dma_start3A_125 = arith.constant 0 : i32
      %dma_start3A_126 = tpu.memref_slice %arg3[%run_scoped3A_7, %add3A, %dma_start3A_124, %dma_start3A_125] : memref<2x32x100x100xi32, #tpu.memory_space<hbm>> -> memref<1x1x100x100xi32, #tpu.memory_space<hbm>>
      %dma_start3A_127 = tpu.memref_squeeze %dma_start3A_126 : memref<1x1x100x100xi32, #tpu.memory_space<hbm>> -> memref<100x100xi32, #tpu.memory_space<hbm>>
      %dma_start3A_128 = arith.constant 0 : i32
      %dma_start3A_129 = arith.constant 0 : i32
      %dma_start3A_130 = tpu.memref_slice %arg3[%run_scoped3A_7, %add3A, %dma_start3A_128, %dma_start3A_129] : memref<2x32x100x100xi32, #tpu.memory_space<hbm>> -> memref<1x1x100x100xi32, #tpu.memory_space<hbm>>
      %dma_start3A_131 = tpu.memref_squeeze %dma_start3A_130 : memref<1x1x100x100xi32, #tpu.memory_space<hbm>> -> memref<100x100xi32, #tpu.memory_space<hbm>>
      tpu.enqueue_dma source(%dma_start3A_131 : memref<100x100xi32, #tpu.memory_space<hbm>>) target(%arg7 : memref<100x100xi32, #tpu.memory_space<vmem>>) target_semaphore(%run_scoped3A_123 : memref<!tpu.dma_semaphore, #tpu.memory_space<semaphore_mem>>)
      %dma_wait3A_132 = arith.constant 0 : i32
      %dma_wait3A_133 = arith.constant 0 : i32
      %dma_wait3A_134 = tpu.memref_slice %arg3[%run_scoped3A_7, %add3A, %dma_wait3A_132, %dma_wait3A_133] : memref<2x32x100x100xi32, #tpu.memory_space<hbm>> -> memref<1x1x100x100xi32, #tpu.memory_space<hbm>>
      %dma_wait3A_135 = tpu.memref_squeeze %dma_wait3A_134 : memref<1x1x100x100xi32, #tpu.memory_space<hbm>> -> memref<100x100xi32, #tpu.memory_space<hbm>>
      %dma_wait3A_136 = arith.constant 0 : i32
      %dma_wait3A_137 = arith.constant 0 : i32
      %dma_wait3A_138 = tpu.memref_slice %arg3[%run_scoped3A_7, %add3A, %dma_wait3A_136, %dma_wait3A_137] : memref<2x32x100x100xi32, #tpu.memory_space<hbm>> -> memref<1x1x100x100xi32, #tpu.memory_space<hbm>>
      %dma_wait3A_139 = tpu.memref_squeeze %dma_wait3A_138 : memref<1x1x100x100xi32, #tpu.memory_space<hbm>> -> memref<100x100xi32, #tpu.memory_space<hbm>>
      tpu.wait_dma2 semaphore(%run_scoped3A_123 : memref<!tpu.dma_semaphore, #tpu.memory_space<semaphore_mem>>) src(%dma_wait3A_139 : memref<100x100xi32, #tpu.memory_space<hbm>>) dst(%arg7 : memref<100x100xi32, #tpu.memory_space<vmem>>)
      tpu.yield
    }) : () -> ()
    %dma_start3A = arith.constant 0 : i32
    %dma_start3A_8 = arith.constant 0 : i32
    %dma_start3A_9 = tpu.memref_slice %arg6[%dma_start3A, %dma_start3A_8] : memref<100x100xi32, #tpu.memory_space<vmem>> -> memref<1x100xi32, #tpu.memory_space<vmem>>
    %dma_start3A_10 = tpu.memref_squeeze %dma_start3A_9 : memref<1x100xi32, #tpu.memory_space<vmem>> -> memref<100xi32, #tpu.memory_space<vmem>>
    %dma_start3A_11 = arith.constant 0 : i32
    %dma_start3A_12 = arith.constant 0 : i32
    %dma_start3A_13 = tpu.memref_slice %arg2[%dma_start3A_11, %dma_start3A_12] : memref<10240x16xf32, #tpu.memory_space<hbm>> -> memref<10240x16xf32, #tpu.memory_space<hbm>>
    tpu.enqueue_indirect_dma source(%dma_start3A_13 : memref<10240x16xf32, #tpu.memory_space<hbm>>) target(%arg8 : memref<100x16xf32, #tpu.memory_space<vmem>>) offsets(%dma_start3A_10 : memref<100xi32, #tpu.memory_space<vmem>>) semaphore(%arg19 : memref<!tpu.dma_semaphore, #tpu.memory_space<semaphore_mem>>)
    %dma_start3A_14 = arith.constant 1 : i32
    %dma_start3A_15 = arith.constant 0 : i32
    %dma_start3A_16 = tpu.memref_slice %arg6[%dma_start3A_14, %dma_start3A_15] : memref<100x100xi32, #tpu.memory_space<vmem>> -> memref<1x100xi32, #tpu.memory_space<vmem>>
    %dma_start3A_17 = tpu.memref_squeeze %dma_start3A_16 : memref<1x100xi32, #tpu.memory_space<vmem>> -> memref<100xi32, #tpu.memory_space<vmem>>
    %dma_start3A_18 = arith.constant 0 : i32
    %dma_start3A_19 = arith.constant 0 : i32
    %dma_start3A_20 = tpu.memref_slice %arg2[%dma_start3A_18, %dma_start3A_19] : memref<10240x16xf32, #tpu.memory_space<hbm>> -> memref<10240x16xf32, #tpu.memory_space<hbm>>
    tpu.enqueue_indirect_dma source(%dma_start3A_20 : memref<10240x16xf32, #tpu.memory_space<hbm>>) target(%arg9 : memref<100x16xf32, #tpu.memory_space<vmem>>) offsets(%dma_start3A_17 : memref<100xi32, #tpu.memory_space<vmem>>) semaphore(%arg20 : memref<!tpu.dma_semaphore, #tpu.memory_space<semaphore_mem>>)
    %dma_start3A_21 = arith.constant 2 : i32
    %dma_start3A_22 = arith.constant 0 : i32
    %dma_start3A_23 = tpu.memref_slice %arg6[%dma_start3A_21, %dma_start3A_22] : memref<100x100xi32, #tpu.memory_space<vmem>> -> memref<1x100xi32, #tpu.memory_space<vmem>>
    %dma_start3A_24 = tpu.memref_squeeze %dma_start3A_23 : memref<1x100xi32, #tpu.memory_space<vmem>> -> memref<100xi32, #tpu.memory_space<vmem>>
    %dma_start3A_25 = arith.constant 0 : i32
    %dma_start3A_26 = arith.constant 0 : i32
    %dma_start3A_27 = tpu.memref_slice %arg2[%dma_start3A_25, %dma_start3A_26] : memref<10240x16xf32, #tpu.memory_space<hbm>> -> memref<10240x16xf32, #tpu.memory_space<hbm>>
    tpu.enqueue_indirect_dma source(%dma_start3A_27 : memref<10240x16xf32, #tpu.memory_space<hbm>>) target(%arg10 : memref<100x16xf32, #tpu.memory_space<vmem>>) offsets(%dma_start3A_24 : memref<100xi32, #tpu.memory_space<vmem>>) semaphore(%arg21 : memref<!tpu.dma_semaphore, #tpu.memory_space<semaphore_mem>>)
    %dma_start3A_28 = arith.constant 3 : i32
    %dma_start3A_29 = arith.constant 0 : i32
    %dma_start3A_30 = tpu.memref_slice %arg6[%dma_start3A_28, %dma_start3A_29] : memref<100x100xi32, #tpu.memory_space<vmem>> -> memref<1x100xi32, #tpu.memory_space<vmem>>
    %dma_start3A_31 = tpu.memref_squeeze %dma_start3A_30 : memref<1x100xi32, #tpu.memory_space<vmem>> -> memref<100xi32, #tpu.memory_space<vmem>>
    %dma_start3A_32 = arith.constant 0 : i32
    %dma_start3A_33 = arith.constant 0 : i32
    %dma_start3A_34 = tpu.memref_slice %arg2[%dma_start3A_32, %dma_start3A_33] : memref<10240x16xf32, #tpu.memory_space<hbm>> -> memref<10240x16xf32, #tpu.memory_space<hbm>>
    tpu.enqueue_indirect_dma source(%dma_start3A_34 : memref<10240x16xf32, #tpu.memory_space<hbm>>) target(%arg11 : memref<100x16xf32, #tpu.memory_space<vmem>>) offsets(%dma_start3A_31 : memref<100xi32, #tpu.memory_space<vmem>>) semaphore(%arg22 : memref<!tpu.dma_semaphore, #tpu.memory_space<semaphore_mem>>)
    %dma_start3A_35 = arith.constant 4 : i32
    %dma_start3A_36 = arith.constant 0 : i32
    %dma_start3A_37 = tpu.memref_slice %arg6[%dma_start3A_35, %dma_start3A_36] : memref<100x100xi32, #tpu.memory_space<vmem>> -> memref<1x100xi32, #tpu.memory_space<vmem>>
    %dma_start3A_38 = tpu.memref_squeeze %dma_start3A_37 : memref<1x100xi32, #tpu.memory_space<vmem>> -> memref<100xi32, #tpu.memory_space<vmem>>
    %dma_start3A_39 = arith.constant 0 : i32
    %dma_start3A_40 = arith.constant 0 : i32
    %dma_start3A_41 = tpu.memref_slice %arg2[%dma_start3A_39, %dma_start3A_40] : memref<10240x16xf32, #tpu.memory_space<hbm>> -> memref<10240x16xf32, #tpu.memory_space<hbm>>
    tpu.enqueue_indirect_dma source(%dma_start3A_41 : memref<10240x16xf32, #tpu.memory_space<hbm>>) target(%arg12 : memref<100x16xf32, #tpu.memory_space<vmem>>) offsets(%dma_start3A_38 : memref<100xi32, #tpu.memory_space<vmem>>) semaphore(%arg23 : memref<!tpu.dma_semaphore, #tpu.memory_space<semaphore_mem>>)
    %scan3A = arith.constant 0 : i32
    %scan3A_42 = arith.constant 10 : i32
    %scan3A_43 = arith.addi %scan3A, %scan3A_42 : i32
    %scan3A_44 = arith.constant 1 : i32
    scf.for %scan3A_123 = %scan3A to %scan3A_43 step %scan3A_44  : i32 {
      %mul3A_124 = arith.constant 10 : i32
      %mul3A_125 = arith.muli %scan3A_123, %mul3A_124 : i32
      %add3A_126 = arith.constant 0 : i32
      %add3A_127 = arith.addi %add3A_126, %mul3A_125 : i32
      %add3A_128 = arith.constant 0 : i32
      %add3A_129 = arith.addi %add3A_127, %add3A_128 : i32
      %dma_wait3A_130 = arith.constant 0 : i32
      %dma_wait3A_131 = arith.constant 0 : i32
      %dma_wait3A_132 = tpu.memref_slice %arg6[%dma_wait3A_130, %dma_wait3A_131] : memref<100x100xi32, #tpu.memory_space<vmem>> -> memref<1x100xi32, #tpu.memory_space<vmem>>
      %dma_wait3A_133 = tpu.memref_squeeze %dma_wait3A_132 : memref<1x100xi32, #tpu.memory_space<vmem>> -> memref<100xi32, #tpu.memory_space<vmem>>
      %dma_wait3A_134 = arith.constant 0 : i32
      %dma_wait3A_135 = arith.constant 0 : i32
      %dma_wait3A_136 = tpu.memref_slice %arg2[%dma_wait3A_134, %dma_wait3A_135] : memref<10240x16xf32, #tpu.memory_space<hbm>> -> memref<10240x16xf32, #tpu.memory_space<hbm>>
      tpu.wait_indirect_dma semaphore(%arg19 : memref<!tpu.dma_semaphore, #tpu.memory_space<semaphore_mem>>) src(%dma_wait3A_136 : memref<10240x16xf32, #tpu.memory_space<hbm>>) dst(%arg8 : memref<100x16xf32, #tpu.memory_space<vmem>>)
      %dma_start3A_137 = arith.constant 0 : i32
      %dma_start3A_138 = tpu.memref_slice %arg7[%add3A_129, %dma_start3A_137] : memref<100x100xi32, #tpu.memory_space<vmem>> -> memref<1x100xi32, #tpu.memory_space<vmem>>
      %dma_start3A_139 = tpu.memref_squeeze %dma_start3A_138 : memref<1x100xi32, #tpu.memory_space<vmem>> -> memref<100xi32, #tpu.memory_space<vmem>>
      %dma_start3A_140 = arith.constant 0 : i32
      %dma_start3A_141 = arith.constant 0 : i32
      %dma_start3A_142 = tpu.memref_slice %arg18[%dma_start3A_140, %dma_start3A_141] : memref<10240x16xf32, #tpu.memory_space<vmem_shared>> -> memref<10240x16xf32, #tpu.memory_space<vmem_shared>>
      tpu.enqueue_indirect_dma source(%arg8 : memref<100x16xf32, #tpu.memory_space<vmem>>) target(%dma_start3A_142 : memref<10240x16xf32, #tpu.memory_space<vmem_shared>>) offsets(%dma_start3A_139 : memref<100xi32, #tpu.memory_space<vmem>>) semaphore(%arg29 : memref<!tpu.dma_semaphore, #tpu.memory_space<semaphore_mem>>) {add = true}
      %add3A_143 = arith.constant 5 : i32
      %add3A_144 = arith.addi %add3A_129, %add3A_143 : i32
      %lt3A = arith.constant 100 : i32
      %lt3A_145 = arith.cmpi slt, %add3A_144, %lt3A : i32
      %convert_element_type3A_146 = arith.extui %lt3A_145 : i1 to i32
      %cond3A_147 = arith.constant 0 : i32
      %cond3A_148 = arith.cmpi ne, %convert_element_type3A_146, %cond3A_147 : i32
      scf.if %cond3A_148 {
        %ge3A = arith.constant 5 : i32
        %ge3A_347 = arith.cmpi sge, %add3A_129, %ge3A : i32
        %convert_element_type3A_348 = arith.extui %ge3A_347 : i1 to i32
        %cond3A_349 = arith.constant 0 : i32
        %cond3A_350 = arith.cmpi ne, %convert_element_type3A_348, %cond3A_349 : i32
        scf.if %cond3A_350 {
          %dma_wait3A_359 = arith.constant 0 : i32
          %dma_wait3A_360 = arith.constant 0 : i32
          %dma_wait3A_361 = tpu.memref_slice %arg7[%dma_wait3A_359, %dma_wait3A_360] : memref<100x100xi32, #tpu.memory_space<vmem>> -> memref<1x100xi32, #tpu.memory_space<vmem>>
          %dma_wait3A_362 = tpu.memref_squeeze %dma_wait3A_361 : memref<1x100xi32, #tpu.memory_space<vmem>> -> memref<100xi32, #tpu.memory_space<vmem>>
          %dma_wait3A_363 = arith.constant 0 : i32
          %dma_wait3A_364 = arith.constant 0 : i32
          %dma_wait3A_365 = tpu.memref_slice %arg18[%dma_wait3A_363, %dma_wait3A_364] : memref<10240x16xf32, #tpu.memory_space<vmem_shared>> -> memref<10240x16xf32, #tpu.memory_space<vmem_shared>>
          tpu.wait_indirect_dma semaphore(%arg34 : memref<!tpu.dma_semaphore, #tpu.memory_space<semaphore_mem>>) src(%arg13 : memref<100x16xf32, #tpu.memory_space<vmem>>) dst(%dma_wait3A_365 : memref<10240x16xf32, #tpu.memory_space<vmem_shared>>)
        } else {
        }
        %add3A_351 = arith.constant 5 : i32
        %add3A_352 = arith.addi %add3A_129, %add3A_351 : i32
        %dma_start3A_353 = arith.constant 0 : i32
        %dma_start3A_354 = tpu.memref_slice %arg6[%add3A_352, %dma_start3A_353] : memref<100x100xi32, #tpu.memory_space<vmem>> -> memref<1x100xi32, #tpu.memory_space<vmem>>
        %dma_start3A_355 = tpu.memref_squeeze %dma_start3A_354 : memref<1x100xi32, #tpu.memory_space<vmem>> -> memref<100xi32, #tpu.memory_space<vmem>>
        %dma_start3A_356 = arith.constant 0 : i32
        %dma_start3A_357 = arith.constant 0 : i32
        %dma_start3A_358 = tpu.memref_slice %arg2[%dma_start3A_356, %dma_start3A_357] : memref<10240x16xf32, #tpu.memory_space<hbm>> -> memref<10240x16xf32, #tpu.memory_space<hbm>>
        tpu.enqueue_indirect_dma source(%dma_start3A_358 : memref<10240x16xf32, #tpu.memory_space<hbm>>) target(%arg13 : memref<100x16xf32, #tpu.memory_space<vmem>>) offsets(%dma_start3A_355 : memref<100xi32, #tpu.memory_space<vmem>>) semaphore(%arg24 : memref<!tpu.dma_semaphore, #tpu.memory_space<semaphore_mem>>)
      } else {
      }
      %add3A_149 = arith.constant 1 : i32
      %add3A_150 = arith.addi %add3A_127, %add3A_149 : i32
      %dma_wait3A_151 = arith.constant 0 : i32
      %dma_wait3A_152 = arith.constant 0 : i32
      %dma_wait3A_153 = tpu.memref_slice %arg6[%dma_wait3A_151, %dma_wait3A_152] : memref<100x100xi32, #tpu.memory_space<vmem>> -> memref<1x100xi32, #tpu.memory_space<vmem>>
      %dma_wait3A_154 = tpu.memref_squeeze %dma_wait3A_153 : memref<1x100xi32, #tpu.memory_space<vmem>> -> memref<100xi32, #tpu.memory_space<vmem>>
      %dma_wait3A_155 = arith.constant 0 : i32
      %dma_wait3A_156 = arith.constant 0 : i32
      %dma_wait3A_157 = tpu.memref_slice %arg2[%dma_wait3A_155, %dma_wait3A_156] : memref<10240x16xf32, #tpu.memory_space<hbm>> -> memref<10240x16xf32, #tpu.memory_space<hbm>>
      tpu.wait_indirect_dma semaphore(%arg20 : memref<!tpu.dma_semaphore, #tpu.memory_space<semaphore_mem>>) src(%dma_wait3A_157 : memref<10240x16xf32, #tpu.memory_space<hbm>>) dst(%arg9 : memref<100x16xf32, #tpu.memory_space<vmem>>)
      %dma_start3A_158 = arith.constant 0 : i32
      %dma_start3A_159 = tpu.memref_slice %arg7[%add3A_150, %dma_start3A_158] : memref<100x100xi32, #tpu.memory_space<vmem>> -> memref<1x100xi32, #tpu.memory_space<vmem>>
      %dma_start3A_160 = tpu.memref_squeeze %dma_start3A_159 : memref<1x100xi32, #tpu.memory_space<vmem>> -> memref<100xi32, #tpu.memory_space<vmem>>
      %dma_start3A_161 = arith.constant 0 : i32
      %dma_start3A_162 = arith.constant 0 : i32
      %dma_start3A_163 = tpu.memref_slice %arg18[%dma_start3A_161, %dma_start3A_162] : memref<10240x16xf32, #tpu.memory_space<vmem_shared>> -> memref<10240x16xf32, #tpu.memory_space<vmem_shared>>
      tpu.enqueue_indirect_dma source(%arg9 : memref<100x16xf32, #tpu.memory_space<vmem>>) target(%dma_start3A_163 : memref<10240x16xf32, #tpu.memory_space<vmem_shared>>) offsets(%dma_start3A_160 : memref<100xi32, #tpu.memory_space<vmem>>) semaphore(%arg30 : memref<!tpu.dma_semaphore, #tpu.memory_space<semaphore_mem>>) {add = true}
      %add3A_164 = arith.constant 5 : i32
      %add3A_165 = arith.addi %add3A_150, %add3A_164 : i32
      %lt3A_166 = arith.constant 100 : i32
      %lt3A_167 = arith.cmpi slt, %add3A_165, %lt3A_166 : i32
      %convert_element_type3A_168 = arith.extui %lt3A_167 : i1 to i32
      %cond3A_169 = arith.constant 0 : i32
      %cond3A_170 = arith.cmpi ne, %convert_element_type3A_168, %cond3A_169 : i32
      scf.if %cond3A_170 {
        %ge3A = arith.constant 5 : i32
        %ge3A_347 = arith.cmpi sge, %add3A_150, %ge3A : i32
        %convert_element_type3A_348 = arith.extui %ge3A_347 : i1 to i32
        %cond3A_349 = arith.constant 0 : i32
        %cond3A_350 = arith.cmpi ne, %convert_element_type3A_348, %cond3A_349 : i32
        scf.if %cond3A_350 {
          %dma_wait3A_359 = arith.constant 0 : i32
          %dma_wait3A_360 = arith.constant 0 : i32
          %dma_wait3A_361 = tpu.memref_slice %arg7[%dma_wait3A_359, %dma_wait3A_360] : memref<100x100xi32, #tpu.memory_space<vmem>> -> memref<1x100xi32, #tpu.memory_space<vmem>>
          %dma_wait3A_362 = tpu.memref_squeeze %dma_wait3A_361 : memref<1x100xi32, #tpu.memory_space<vmem>> -> memref<100xi32, #tpu.memory_space<vmem>>
          %dma_wait3A_363 = arith.constant 0 : i32
          %dma_wait3A_364 = arith.constant 0 : i32
          %dma_wait3A_365 = tpu.memref_slice %arg18[%dma_wait3A_363, %dma_wait3A_364] : memref<10240x16xf32, #tpu.memory_space<vmem_shared>> -> memref<10240x16xf32, #tpu.memory_space<vmem_shared>>
          tpu.wait_indirect_dma semaphore(%arg35 : memref<!tpu.dma_semaphore, #tpu.memory_space<semaphore_mem>>) src(%arg14 : memref<100x16xf32, #tpu.memory_space<vmem>>) dst(%dma_wait3A_365 : memref<10240x16xf32, #tpu.memory_space<vmem_shared>>)
        } else {
        }
        %add3A_351 = arith.constant 5 : i32
        %add3A_352 = arith.addi %add3A_150, %add3A_351 : i32
        %dma_start3A_353 = arith.constant 0 : i32
        %dma_start3A_354 = tpu.memref_slice %arg6[%add3A_352, %dma_start3A_353] : memref<100x100xi32, #tpu.memory_space<vmem>> -> memref<1x100xi32, #tpu.memory_space<vmem>>
        %dma_start3A_355 = tpu.memref_squeeze %dma_start3A_354 : memref<1x100xi32, #tpu.memory_space<vmem>> -> memref<100xi32, #tpu.memory_space<vmem>>
        %dma_start3A_356 = arith.constant 0 : i32
        %dma_start3A_357 = arith.constant 0 : i32
        %dma_start3A_358 = tpu.memref_slice %arg2[%dma_start3A_356, %dma_start3A_357] : memref<10240x16xf32, #tpu.memory_space<hbm>> -> memref<10240x16xf32, #tpu.memory_space<hbm>>
        tpu.enqueue_indirect_dma source(%dma_start3A_358 : memref<10240x16xf32, #tpu.memory_space<hbm>>) target(%arg14 : memref<100x16xf32, #tpu.memory_space<vmem>>) offsets(%dma_start3A_355 : memref<100xi32, #tpu.memory_space<vmem>>) semaphore(%arg25 : memref<!tpu.dma_semaphore, #tpu.memory_space<semaphore_mem>>)
      } else {
      }
      %add3A_171 = arith.constant 2 : i32
      %add3A_172 = arith.addi %add3A_127, %add3A_171 : i32
      %dma_wait3A_173 = arith.constant 0 : i32
      %dma_wait3A_174 = arith.constant 0 : i32
      %dma_wait3A_175 = tpu.memref_slice %arg6[%dma_wait3A_173, %dma_wait3A_174] : memref<100x100xi32, #tpu.memory_space<vmem>> -> memref<1x100xi32, #tpu.memory_space<vmem>>
      %dma_wait3A_176 = tpu.memref_squeeze %dma_wait3A_175 : memref<1x100xi32, #tpu.memory_space<vmem>> -> memref<100xi32, #tpu.memory_space<vmem>>
      %dma_wait3A_177 = arith.constant 0 : i32
      %dma_wait3A_178 = arith.constant 0 : i32
      %dma_wait3A_179 = tpu.memref_slice %arg2[%dma_wait3A_177, %dma_wait3A_178] : memref<10240x16xf32, #tpu.memory_space<hbm>> -> memref<10240x16xf32, #tpu.memory_space<hbm>>
      tpu.wait_indirect_dma semaphore(%arg21 : memref<!tpu.dma_semaphore, #tpu.memory_space<semaphore_mem>>) src(%dma_wait3A_179 : memref<10240x16xf32, #tpu.memory_space<hbm>>) dst(%arg10 : memref<100x16xf32, #tpu.memory_space<vmem>>)
      %dma_start3A_180 = arith.constant 0 : i32
      %dma_start3A_181 = tpu.memref_slice %arg7[%add3A_172, %dma_start3A_180] : memref<100x100xi32, #tpu.memory_space<vmem>> -> memref<1x100xi32, #tpu.memory_space<vmem>>
      %dma_start3A_182 = tpu.memref_squeeze %dma_start3A_181 : memref<1x100xi32, #tpu.memory_space<vmem>> -> memref<100xi32, #tpu.memory_space<vmem>>
      %dma_start3A_183 = arith.constant 0 : i32
      %dma_start3A_184 = arith.constant 0 : i32
      %dma_start3A_185 = tpu.memref_slice %arg18[%dma_start3A_183, %dma_start3A_184] : memref<10240x16xf32, #tpu.memory_space<vmem_shared>> -> memref<10240x16xf32, #tpu.memory_space<vmem_shared>>
      tpu.enqueue_indirect_dma source(%arg10 : memref<100x16xf32, #tpu.memory_space<vmem>>) target(%dma_start3A_185 : memref<10240x16xf32, #tpu.memory_space<vmem_shared>>) offsets(%dma_start3A_182 : memref<100xi32, #tpu.memory_space<vmem>>) semaphore(%arg31 : memref<!tpu.dma_semaphore, #tpu.memory_space<semaphore_mem>>) {add = true}
      %add3A_186 = arith.constant 5 : i32
      %add3A_187 = arith.addi %add3A_172, %add3A_186 : i32
      %lt3A_188 = arith.constant 100 : i32
      %lt3A_189 = arith.cmpi slt, %add3A_187, %lt3A_188 : i32
      %convert_element_type3A_190 = arith.extui %lt3A_189 : i1 to i32
      %cond3A_191 = arith.constant 0 : i32
      %cond3A_192 = arith.cmpi ne, %convert_element_type3A_190, %cond3A_191 : i32
      scf.if %cond3A_192 {
        %ge3A = arith.constant 5 : i32
        %ge3A_347 = arith.cmpi sge, %add3A_172, %ge3A : i32
        %convert_element_type3A_348 = arith.extui %ge3A_347 : i1 to i32
        %cond3A_349 = arith.constant 0 : i32
        %cond3A_350 = arith.cmpi ne, %convert_element_type3A_348, %cond3A_349 : i32
        scf.if %cond3A_350 {
          %dma_wait3A_359 = arith.constant 0 : i32
          %dma_wait3A_360 = arith.constant 0 : i32
          %dma_wait3A_361 = tpu.memref_slice %arg7[%dma_wait3A_359, %dma_wait3A_360] : memref<100x100xi32, #tpu.memory_space<vmem>> -> memref<1x100xi32, #tpu.memory_space<vmem>>
          %dma_wait3A_362 = tpu.memref_squeeze %dma_wait3A_361 : memref<1x100xi32, #tpu.memory_space<vmem>> -> memref<100xi32, #tpu.memory_space<vmem>>
          %dma_wait3A_363 = arith.constant 0 : i32
          %dma_wait3A_364 = arith.constant 0 : i32
          %dma_wait3A_365 = tpu.memref_slice %arg18[%dma_wait3A_363, %dma_wait3A_364] : memref<10240x16xf32, #tpu.memory_space<vmem_shared>> -> memref<10240x16xf32, #tpu.memory_space<vmem_shared>>
          tpu.wait_indirect_dma semaphore(%arg36 : memref<!tpu.dma_semaphore, #tpu.memory_space<semaphore_mem>>) src(%arg15 : memref<100x16xf32, #tpu.memory_space<vmem>>) dst(%dma_wait3A_365 : memref<10240x16xf32, #tpu.memory_space<vmem_shared>>)
        } else {
        }
        %add3A_351 = arith.constant 5 : i32
        %add3A_352 = arith.addi %add3A_172, %add3A_351 : i32
        %dma_start3A_353 = arith.constant 0 : i32
        %dma_start3A_354 = tpu.memref_slice %arg6[%add3A_352, %dma_start3A_353] : memref<100x100xi32, #tpu.memory_space<vmem>> -> memref<1x100xi32, #tpu.memory_space<vmem>>
        %dma_start3A_355 = tpu.memref_squeeze %dma_start3A_354 : memref<1x100xi32, #tpu.memory_space<vmem>> -> memref<100xi32, #tpu.memory_space<vmem>>
        %dma_start3A_356 = arith.constant 0 : i32
        %dma_start3A_357 = arith.constant 0 : i32
        %dma_start3A_358 = tpu.memref_slice %arg2[%dma_start3A_356, %dma_start3A_357] : memref<10240x16xf32, #tpu.memory_space<hbm>> -> memref<10240x16xf32, #tpu.memory_space<hbm>>
        tpu.enqueue_indirect_dma source(%dma_start3A_358 : memref<10240x16xf32, #tpu.memory_space<hbm>>) target(%arg15 : memref<100x16xf32, #tpu.memory_space<vmem>>) offsets(%dma_start3A_355 : memref<100xi32, #tpu.memory_space<vmem>>) semaphore(%arg26 : memref<!tpu.dma_semaphore, #tpu.memory_space<semaphore_mem>>)
      } else {
      }
      %add3A_193 = arith.constant 3 : i32
      %add3A_194 = arith.addi %add3A_127, %add3A_193 : i32
      %dma_wait3A_195 = arith.constant 0 : i32
      %dma_wait3A_196 = arith.constant 0 : i32
      %dma_wait3A_197 = tpu.memref_slice %arg6[%dma_wait3A_195, %dma_wait3A_196] : memref<100x100xi32, #tpu.memory_space<vmem>> -> memref<1x100xi32, #tpu.memory_space<vmem>>
      %dma_wait3A_198 = tpu.memref_squeeze %dma_wait3A_197 : memref<1x100xi32, #tpu.memory_space<vmem>> -> memref<100xi32, #tpu.memory_space<vmem>>
      %dma_wait3A_199 = arith.constant 0 : i32
      %dma_wait3A_200 = arith.constant 0 : i32
      %dma_wait3A_201 = tpu.memref_slice %arg2[%dma_wait3A_199, %dma_wait3A_200] : memref<10240x16xf32, #tpu.memory_space<hbm>> -> memref<10240x16xf32, #tpu.memory_space<hbm>>
      tpu.wait_indirect_dma semaphore(%arg22 : memref<!tpu.dma_semaphore, #tpu.memory_space<semaphore_mem>>) src(%dma_wait3A_201 : memref<10240x16xf32, #tpu.memory_space<hbm>>) dst(%arg11 : memref<100x16xf32, #tpu.memory_space<vmem>>)
      %dma_start3A_202 = arith.constant 0 : i32
      %dma_start3A_203 = tpu.memref_slice %arg7[%add3A_194, %dma_start3A_202] : memref<100x100xi32, #tpu.memory_space<vmem>> -> memref<1x100xi32, #tpu.memory_space<vmem>>
      %dma_start3A_204 = tpu.memref_squeeze %dma_start3A_203 : memref<1x100xi32, #tpu.memory_space<vmem>> -> memref<100xi32, #tpu.memory_space<vmem>>
      %dma_start3A_205 = arith.constant 0 : i32
      %dma_start3A_206 = arith.constant 0 : i32
      %dma_start3A_207 = tpu.memref_slice %arg18[%dma_start3A_205, %dma_start3A_206] : memref<10240x16xf32, #tpu.memory_space<vmem_shared>> -> memref<10240x16xf32, #tpu.memory_space<vmem_shared>>
      tpu.enqueue_indirect_dma source(%arg11 : memref<100x16xf32, #tpu.memory_space<vmem>>) target(%dma_start3A_207 : memref<10240x16xf32, #tpu.memory_space<vmem_shared>>) offsets(%dma_start3A_204 : memref<100xi32, #tpu.memory_space<vmem>>) semaphore(%arg32 : memref<!tpu.dma_semaphore, #tpu.memory_space<semaphore_mem>>) {add = true}
      %add3A_208 = arith.constant 5 : i32
      %add3A_209 = arith.addi %add3A_194, %add3A_208 : i32
      %lt3A_210 = arith.constant 100 : i32
      %lt3A_211 = arith.cmpi slt, %add3A_209, %lt3A_210 : i32
      %convert_element_type3A_212 = arith.extui %lt3A_211 : i1 to i32
      %cond3A_213 = arith.constant 0 : i32
      %cond3A_214 = arith.cmpi ne, %convert_element_type3A_212, %cond3A_213 : i32
      scf.if %cond3A_214 {
        %ge3A = arith.constant 5 : i32
        %ge3A_347 = arith.cmpi sge, %add3A_194, %ge3A : i32
        %convert_element_type3A_348 = arith.extui %ge3A_347 : i1 to i32
        %cond3A_349 = arith.constant 0 : i32
        %cond3A_350 = arith.cmpi ne, %convert_element_type3A_348, %cond3A_349 : i32
        scf.if %cond3A_350 {
          %dma_wait3A_359 = arith.constant 0 : i32
          %dma_wait3A_360 = arith.constant 0 : i32
          %dma_wait3A_361 = tpu.memref_slice %arg7[%dma_wait3A_359, %dma_wait3A_360] : memref<100x100xi32, #tpu.memory_space<vmem>> -> memref<1x100xi32, #tpu.memory_space<vmem>>
          %dma_wait3A_362 = tpu.memref_squeeze %dma_wait3A_361 : memref<1x100xi32, #tpu.memory_space<vmem>> -> memref<100xi32, #tpu.memory_space<vmem>>
          %dma_wait3A_363 = arith.constant 0 : i32
          %dma_wait3A_364 = arith.constant 0 : i32
          %dma_wait3A_365 = tpu.memref_slice %arg18[%dma_wait3A_363, %dma_wait3A_364] : memref<10240x16xf32, #tpu.memory_space<vmem_shared>> -> memref<10240x16xf32, #tpu.memory_space<vmem_shared>>
          tpu.wait_indirect_dma semaphore(%arg37 : memref<!tpu.dma_semaphore, #tpu.memory_space<semaphore_mem>>) src(%arg16 : memref<100x16xf32, #tpu.memory_space<vmem>>) dst(%dma_wait3A_365 : memref<10240x16xf32, #tpu.memory_space<vmem_shared>>)
        } else {
        }
        %add3A_351 = arith.constant 5 : i32
        %add3A_352 = arith.addi %add3A_194, %add3A_351 : i32
        %dma_start3A_353 = arith.constant 0 : i32
        %dma_start3A_354 = tpu.memref_slice %arg6[%add3A_352, %dma_start3A_353] : memref<100x100xi32, #tpu.memory_space<vmem>> -> memref<1x100xi32, #tpu.memory_space<vmem>>
        %dma_start3A_355 = tpu.memref_squeeze %dma_start3A_354 : memref<1x100xi32, #tpu.memory_space<vmem>> -> memref<100xi32, #tpu.memory_space<vmem>>
        %dma_start3A_356 = arith.constant 0 : i32
        %dma_start3A_357 = arith.constant 0 : i32
        %dma_start3A_358 = tpu.memref_slice %arg2[%dma_start3A_356, %dma_start3A_357] : memref<10240x16xf32, #tpu.memory_space<hbm>> -> memref<10240x16xf32, #tpu.memory_space<hbm>>
        tpu.enqueue_indirect_dma source(%dma_start3A_358 : memref<10240x16xf32, #tpu.memory_space<hbm>>) target(%arg16 : memref<100x16xf32, #tpu.memory_space<vmem>>) offsets(%dma_start3A_355 : memref<100xi32, #tpu.memory_space<vmem>>) semaphore(%arg27 : memref<!tpu.dma_semaphore, #tpu.memory_space<semaphore_mem>>)
      } else {
      }
      %add3A_215 = arith.constant 4 : i32
      %add3A_216 = arith.addi %add3A_127, %add3A_215 : i32
      %dma_wait3A_217 = arith.constant 0 : i32
      %dma_wait3A_218 = arith.constant 0 : i32
      %dma_wait3A_219 = tpu.memref_slice %arg6[%dma_wait3A_217, %dma_wait3A_218] : memref<100x100xi32, #tpu.memory_space<vmem>> -> memref<1x100xi32, #tpu.memory_space<vmem>>
      %dma_wait3A_220 = tpu.memref_squeeze %dma_wait3A_219 : memref<1x100xi32, #tpu.memory_space<vmem>> -> memref<100xi32, #tpu.memory_space<vmem>>
      %dma_wait3A_221 = arith.constant 0 : i32
      %dma_wait3A_222 = arith.constant 0 : i32
      %dma_wait3A_223 = tpu.memref_slice %arg2[%dma_wait3A_221, %dma_wait3A_222] : memref<10240x16xf32, #tpu.memory_space<hbm>> -> memref<10240x16xf32, #tpu.memory_space<hbm>>
      tpu.wait_indirect_dma semaphore(%arg23 : memref<!tpu.dma_semaphore, #tpu.memory_space<semaphore_mem>>) src(%dma_wait3A_223 : memref<10240x16xf32, #tpu.memory_space<hbm>>) dst(%arg12 : memref<100x16xf32, #tpu.memory_space<vmem>>)
      %dma_start3A_224 = arith.constant 0 : i32
      %dma_start3A_225 = tpu.memref_slice %arg7[%add3A_216, %dma_start3A_224] : memref<100x100xi32, #tpu.memory_space<vmem>> -> memref<1x100xi32, #tpu.memory_space<vmem>>
      %dma_start3A_226 = tpu.memref_squeeze %dma_start3A_225 : memref<1x100xi32, #tpu.memory_space<vmem>> -> memref<100xi32, #tpu.memory_space<vmem>>
      %dma_start3A_227 = arith.constant 0 : i32
      %dma_start3A_228 = arith.constant 0 : i32
      %dma_start3A_229 = tpu.memref_slice %arg18[%dma_start3A_227, %dma_start3A_228] : memref<10240x16xf32, #tpu.memory_space<vmem_shared>> -> memref<10240x16xf32, #tpu.memory_space<vmem_shared>>
      tpu.enqueue_indirect_dma source(%arg12 : memref<100x16xf32, #tpu.memory_space<vmem>>) target(%dma_start3A_229 : memref<10240x16xf32, #tpu.memory_space<vmem_shared>>) offsets(%dma_start3A_226 : memref<100xi32, #tpu.memory_space<vmem>>) semaphore(%arg33 : memref<!tpu.dma_semaphore, #tpu.memory_space<semaphore_mem>>) {add = true}
      %add3A_230 = arith.constant 5 : i32
      %add3A_231 = arith.addi %add3A_216, %add3A_230 : i32
      %lt3A_232 = arith.constant 100 : i32
      %lt3A_233 = arith.cmpi slt, %add3A_231, %lt3A_232 : i32
      %convert_element_type3A_234 = arith.extui %lt3A_233 : i1 to i32
      %cond3A_235 = arith.constant 0 : i32
      %cond3A_236 = arith.cmpi ne, %convert_element_type3A_234, %cond3A_235 : i32
      scf.if %cond3A_236 {
        %ge3A = arith.constant 5 : i32
        %ge3A_347 = arith.cmpi sge, %add3A_216, %ge3A : i32
        %convert_element_type3A_348 = arith.extui %ge3A_347 : i1 to i32
        %cond3A_349 = arith.constant 0 : i32
        %cond3A_350 = arith.cmpi ne, %convert_element_type3A_348, %cond3A_349 : i32
        scf.if %cond3A_350 {
          %dma_wait3A_359 = arith.constant 0 : i32
          %dma_wait3A_360 = arith.constant 0 : i32
          %dma_wait3A_361 = tpu.memref_slice %arg7[%dma_wait3A_359, %dma_wait3A_360] : memref<100x100xi32, #tpu.memory_space<vmem>> -> memref<1x100xi32, #tpu.memory_space<vmem>>
          %dma_wait3A_362 = tpu.memref_squeeze %dma_wait3A_361 : memref<1x100xi32, #tpu.memory_space<vmem>> -> memref<100xi32, #tpu.memory_space<vmem>>
          %dma_wait3A_363 = arith.constant 0 : i32
          %dma_wait3A_364 = arith.constant 0 : i32
          %dma_wait3A_365 = tpu.memref_slice %arg18[%dma_wait3A_363, %dma_wait3A_364] : memref<10240x16xf32, #tpu.memory_space<vmem_shared>> -> memref<10240x16xf32, #tpu.memory_space<vmem_shared>>
          tpu.wait_indirect_dma semaphore(%arg38 : memref<!tpu.dma_semaphore, #tpu.memory_space<semaphore_mem>>) src(%arg17 : memref<100x16xf32, #tpu.memory_space<vmem>>) dst(%dma_wait3A_365 : memref<10240x16xf32, #tpu.memory_space<vmem_shared>>)
        } else {
        }
        %add3A_351 = arith.constant 5 : i32
        %add3A_352 = arith.addi %add3A_216, %add3A_351 : i32
        %dma_start3A_353 = arith.constant 0 : i32
        %dma_start3A_354 = tpu.memref_slice %arg6[%add3A_352, %dma_start3A_353] : memref<100x100xi32, #tpu.memory_space<vmem>> -> memref<1x100xi32, #tpu.memory_space<vmem>>
        %dma_start3A_355 = tpu.memref_squeeze %dma_start3A_354 : memref<1x100xi32, #tpu.memory_space<vmem>> -> memref<100xi32, #tpu.memory_space<vmem>>
        %dma_start3A_356 = arith.constant 0 : i32
        %dma_start3A_357 = arith.constant 0 : i32
        %dma_start3A_358 = tpu.memref_slice %arg2[%dma_start3A_356, %dma_start3A_357] : memref<10240x16xf32, #tpu.memory_space<hbm>> -> memref<10240x16xf32, #tpu.memory_space<hbm>>
        tpu.enqueue_indirect_dma source(%dma_start3A_358 : memref<10240x16xf32, #tpu.memory_space<hbm>>) target(%arg17 : memref<100x16xf32, #tpu.memory_space<vmem>>) offsets(%dma_start3A_355 : memref<100xi32, #tpu.memory_space<vmem>>) semaphore(%arg28 : memref<!tpu.dma_semaphore, #tpu.memory_space<semaphore_mem>>)
      } else {
      }
      %add3A_237 = arith.constant 5 : i32
      %add3A_238 = arith.addi %add3A_127, %add3A_237 : i32
      %dma_wait3A_239 = arith.constant 0 : i32
      %dma_wait3A_240 = arith.constant 0 : i32
      %dma_wait3A_241 = tpu.memref_slice %arg6[%dma_wait3A_239, %dma_wait3A_240] : memref<100x100xi32, #tpu.memory_space<vmem>> -> memref<1x100xi32, #tpu.memory_space<vmem>>
      %dma_wait3A_242 = tpu.memref_squeeze %dma_wait3A_241 : memref<1x100xi32, #tpu.memory_space<vmem>> -> memref<100xi32, #tpu.memory_space<vmem>>
      %dma_wait3A_243 = arith.constant 0 : i32
      %dma_wait3A_244 = arith.constant 0 : i32
      %dma_wait3A_245 = tpu.memref_slice %arg2[%dma_wait3A_243, %dma_wait3A_244] : memref<10240x16xf32, #tpu.memory_space<hbm>> -> memref<10240x16xf32, #tpu.memory_space<hbm>>
      tpu.wait_indirect_dma semaphore(%arg24 : memref<!tpu.dma_semaphore, #tpu.memory_space<semaphore_mem>>) src(%dma_wait3A_245 : memref<10240x16xf32, #tpu.memory_space<hbm>>) dst(%arg13 : memref<100x16xf32, #tpu.memory_space<vmem>>)
      %dma_start3A_246 = arith.constant 0 : i32
      %dma_start3A_247 = tpu.memref_slice %arg7[%add3A_238, %dma_start3A_246] : memref<100x100xi32, #tpu.memory_space<vmem>> -> memref<1x100xi32, #tpu.memory_space<vmem>>
      %dma_start3A_248 = tpu.memref_squeeze %dma_start3A_247 : memref<1x100xi32, #tpu.memory_space<vmem>> -> memref<100xi32, #tpu.memory_space<vmem>>
      %dma_start3A_249 = arith.constant 0 : i32
      %dma_start3A_250 = arith.constant 0 : i32
      %dma_start3A_251 = tpu.memref_slice %arg18[%dma_start3A_249, %dma_start3A_250] : memref<10240x16xf32, #tpu.memory_space<vmem_shared>> -> memref<10240x16xf32, #tpu.memory_space<vmem_shared>>
      tpu.enqueue_indirect_dma source(%arg13 : memref<100x16xf32, #tpu.memory_space<vmem>>) target(%dma_start3A_251 : memref<10240x16xf32, #tpu.memory_space<vmem_shared>>) offsets(%dma_start3A_248 : memref<100xi32, #tpu.memory_space<vmem>>) semaphore(%arg34 : memref<!tpu.dma_semaphore, #tpu.memory_space<semaphore_mem>>) {add = true}
      %add3A_252 = arith.constant 5 : i32
      %add3A_253 = arith.addi %add3A_238, %add3A_252 : i32
      %lt3A_254 = arith.constant 100 : i32
      %lt3A_255 = arith.cmpi slt, %add3A_253, %lt3A_254 : i32
      %convert_element_type3A_256 = arith.extui %lt3A_255 : i1 to i32
      %cond3A_257 = arith.constant 0 : i32
      %cond3A_258 = arith.cmpi ne, %convert_element_type3A_256, %cond3A_257 : i32
      scf.if %cond3A_258 {
        %ge3A = arith.constant 5 : i32
        %ge3A_347 = arith.cmpi sge, %add3A_238, %ge3A : i32
        %convert_element_type3A_348 = arith.extui %ge3A_347 : i1 to i32
        %cond3A_349 = arith.constant 0 : i32
        %cond3A_350 = arith.cmpi ne, %convert_element_type3A_348, %cond3A_349 : i32
        scf.if %cond3A_350 {
          %dma_wait3A_359 = arith.constant 0 : i32
          %dma_wait3A_360 = arith.constant 0 : i32
          %dma_wait3A_361 = tpu.memref_slice %arg7[%dma_wait3A_359, %dma_wait3A_360] : memref<100x100xi32, #tpu.memory_space<vmem>> -> memref<1x100xi32, #tpu.memory_space<vmem>>
          %dma_wait3A_362 = tpu.memref_squeeze %dma_wait3A_361 : memref<1x100xi32, #tpu.memory_space<vmem>> -> memref<100xi32, #tpu.memory_space<vmem>>
          %dma_wait3A_363 = arith.constant 0 : i32
          %dma_wait3A_364 = arith.constant 0 : i32
          %dma_wait3A_365 = tpu.memref_slice %arg18[%dma_wait3A_363, %dma_wait3A_364] : memref<10240x16xf32, #tpu.memory_space<vmem_shared>> -> memref<10240x16xf32, #tpu.memory_space<vmem_shared>>
          tpu.wait_indirect_dma semaphore(%arg29 : memref<!tpu.dma_semaphore, #tpu.memory_space<semaphore_mem>>) src(%arg8 : memref<100x16xf32, #tpu.memory_space<vmem>>) dst(%dma_wait3A_365 : memref<10240x16xf32, #tpu.memory_space<vmem_shared>>)
        } else {
        }
        %add3A_351 = arith.constant 5 : i32
        %add3A_352 = arith.addi %add3A_238, %add3A_351 : i32
        %dma_start3A_353 = arith.constant 0 : i32
        %dma_start3A_354 = tpu.memref_slice %arg6[%add3A_352, %dma_start3A_353] : memref<100x100xi32, #tpu.memory_space<vmem>> -> memref<1x100xi32, #tpu.memory_space<vmem>>
        %dma_start3A_355 = tpu.memref_squeeze %dma_start3A_354 : memref<1x100xi32, #tpu.memory_space<vmem>> -> memref<100xi32, #tpu.memory_space<vmem>>
        %dma_start3A_356 = arith.constant 0 : i32
        %dma_start3A_357 = arith.constant 0 : i32
        %dma_start3A_358 = tpu.memref_slice %arg2[%dma_start3A_356, %dma_start3A_357] : memref<10240x16xf32, #tpu.memory_space<hbm>> -> memref<10240x16xf32, #tpu.memory_space<hbm>>
        tpu.enqueue_indirect_dma source(%dma_start3A_358 : memref<10240x16xf32, #tpu.memory_space<hbm>>) target(%arg8 : memref<100x16xf32, #tpu.memory_space<vmem>>) offsets(%dma_start3A_355 : memref<100xi32, #tpu.memory_space<vmem>>) semaphore(%arg19 : memref<!tpu.dma_semaphore, #tpu.memory_space<semaphore_mem>>)
      } else {
      }
      %add3A_259 = arith.constant 6 : i32
      %add3A_260 = arith.addi %add3A_127, %add3A_259 : i32
      %dma_wait3A_261 = arith.constant 0 : i32
      %dma_wait3A_262 = arith.constant 0 : i32
      %dma_wait3A_263 = tpu.memref_slice %arg6[%dma_wait3A_261, %dma_wait3A_262] : memref<100x100xi32, #tpu.memory_space<vmem>> -> memref<1x100xi32, #tpu.memory_space<vmem>>
      %dma_wait3A_264 = tpu.memref_squeeze %dma_wait3A_263 : memref<1x100xi32, #tpu.memory_space<vmem>> -> memref<100xi32, #tpu.memory_space<vmem>>
      %dma_wait3A_265 = arith.constant 0 : i32
      %dma_wait3A_266 = arith.constant 0 : i32
      %dma_wait3A_267 = tpu.memref_slice %arg2[%dma_wait3A_265, %dma_wait3A_266] : memref<10240x16xf32, #tpu.memory_space<hbm>> -> memref<10240x16xf32, #tpu.memory_space<hbm>>
      tpu.wait_indirect_dma semaphore(%arg25 : memref<!tpu.dma_semaphore, #tpu.memory_space<semaphore_mem>>) src(%dma_wait3A_267 : memref<10240x16xf32, #tpu.memory_space<hbm>>) dst(%arg14 : memref<100x16xf32, #tpu.memory_space<vmem>>)
      %dma_start3A_268 = arith.constant 0 : i32
      %dma_start3A_269 = tpu.memref_slice %arg7[%add3A_260, %dma_start3A_268] : memref<100x100xi32, #tpu.memory_space<vmem>> -> memref<1x100xi32, #tpu.memory_space<vmem>>
      %dma_start3A_270 = tpu.memref_squeeze %dma_start3A_269 : memref<1x100xi32, #tpu.memory_space<vmem>> -> memref<100xi32, #tpu.memory_space<vmem>>
      %dma_start3A_271 = arith.constant 0 : i32
      %dma_start3A_272 = arith.constant 0 : i32
      %dma_start3A_273 = tpu.memref_slice %arg18[%dma_start3A_271, %dma_start3A_272] : memref<10240x16xf32, #tpu.memory_space<vmem_shared>> -> memref<10240x16xf32, #tpu.memory_space<vmem_shared>>
      tpu.enqueue_indirect_dma source(%arg14 : memref<100x16xf32, #tpu.memory_space<vmem>>) target(%dma_start3A_273 : memref<10240x16xf32, #tpu.memory_space<vmem_shared>>) offsets(%dma_start3A_270 : memref<100xi32, #tpu.memory_space<vmem>>) semaphore(%arg35 : memref<!tpu.dma_semaphore, #tpu.memory_space<semaphore_mem>>) {add = true}
      %add3A_274 = arith.constant 5 : i32
      %add3A_275 = arith.addi %add3A_260, %add3A_274 : i32
      %lt3A_276 = arith.constant 100 : i32
      %lt3A_277 = arith.cmpi slt, %add3A_275, %lt3A_276 : i32
      %convert_element_type3A_278 = arith.extui %lt3A_277 : i1 to i32
      %cond3A_279 = arith.constant 0 : i32
      %cond3A_280 = arith.cmpi ne, %convert_element_type3A_278, %cond3A_279 : i32
      scf.if %cond3A_280 {
        %ge3A = arith.constant 5 : i32
        %ge3A_347 = arith.cmpi sge, %add3A_260, %ge3A : i32
        %convert_element_type3A_348 = arith.extui %ge3A_347 : i1 to i32
        %cond3A_349 = arith.constant 0 : i32
        %cond3A_350 = arith.cmpi ne, %convert_element_type3A_348, %cond3A_349 : i32
        scf.if %cond3A_350 {
          %dma_wait3A_359 = arith.constant 0 : i32
          %dma_wait3A_360 = arith.constant 0 : i32
          %dma_wait3A_361 = tpu.memref_slice %arg7[%dma_wait3A_359, %dma_wait3A_360] : memref<100x100xi32, #tpu.memory_space<vmem>> -> memref<1x100xi32, #tpu.memory_space<vmem>>
          %dma_wait3A_362 = tpu.memref_squeeze %dma_wait3A_361 : memref<1x100xi32, #tpu.memory_space<vmem>> -> memref<100xi32, #tpu.memory_space<vmem>>
          %dma_wait3A_363 = arith.constant 0 : i32
          %dma_wait3A_364 = arith.constant 0 : i32
          %dma_wait3A_365 = tpu.memref_slice %arg18[%dma_wait3A_363, %dma_wait3A_364] : memref<10240x16xf32, #tpu.memory_space<vmem_shared>> -> memref<10240x16xf32, #tpu.memory_space<vmem_shared>>
          tpu.wait_indirect_dma semaphore(%arg30 : memref<!tpu.dma_semaphore, #tpu.memory_space<semaphore_mem>>) src(%arg9 : memref<100x16xf32, #tpu.memory_space<vmem>>) dst(%dma_wait3A_365 : memref<10240x16xf32, #tpu.memory_space<vmem_shared>>)
        } else {
        }
        %add3A_351 = arith.constant 5 : i32
        %add3A_352 = arith.addi %add3A_260, %add3A_351 : i32
        %dma_start3A_353 = arith.constant 0 : i32
        %dma_start3A_354 = tpu.memref_slice %arg6[%add3A_352, %dma_start3A_353] : memref<100x100xi32, #tpu.memory_space<vmem>> -> memref<1x100xi32, #tpu.memory_space<vmem>>
        %dma_start3A_355 = tpu.memref_squeeze %dma_start3A_354 : memref<1x100xi32, #tpu.memory_space<vmem>> -> memref<100xi32, #tpu.memory_space<vmem>>
        %dma_start3A_356 = arith.constant 0 : i32
        %dma_start3A_357 = arith.constant 0 : i32
        %dma_start3A_358 = tpu.memref_slice %arg2[%dma_start3A_356, %dma_start3A_357] : memref<10240x16xf32, #tpu.memory_space<hbm>> -> memref<10240x16xf32, #tpu.memory_space<hbm>>
        tpu.enqueue_indirect_dma source(%dma_start3A_358 : memref<10240x16xf32, #tpu.memory_space<hbm>>) target(%arg9 : memref<100x16xf32, #tpu.memory_space<vmem>>) offsets(%dma_start3A_355 : memref<100xi32, #tpu.memory_space<vmem>>) semaphore(%arg20 : memref<!tpu.dma_semaphore, #tpu.memory_space<semaphore_mem>>)
      } else {
      }
      %add3A_281 = arith.constant 7 : i32
      %add3A_282 = arith.addi %add3A_127, %add3A_281 : i32
      %dma_wait3A_283 = arith.constant 0 : i32
      %dma_wait3A_284 = arith.constant 0 : i32
      %dma_wait3A_285 = tpu.memref_slice %arg6[%dma_wait3A_283, %dma_wait3A_284] : memref<100x100xi32, #tpu.memory_space<vmem>> -> memref<1x100xi32, #tpu.memory_space<vmem>>
      %dma_wait3A_286 = tpu.memref_squeeze %dma_wait3A_285 : memref<1x100xi32, #tpu.memory_space<vmem>> -> memref<100xi32, #tpu.memory_space<vmem>>
      %dma_wait3A_287 = arith.constant 0 : i32
      %dma_wait3A_288 = arith.constant 0 : i32
      %dma_wait3A_289 = tpu.memref_slice %arg2[%dma_wait3A_287, %dma_wait3A_288] : memref<10240x16xf32, #tpu.memory_space<hbm>> -> memref<10240x16xf32, #tpu.memory_space<hbm>>
      tpu.wait_indirect_dma semaphore(%arg26 : memref<!tpu.dma_semaphore, #tpu.memory_space<semaphore_mem>>) src(%dma_wait3A_289 : memref<10240x16xf32, #tpu.memory_space<hbm>>) dst(%arg15 : memref<100x16xf32, #tpu.memory_space<vmem>>)
      %dma_start3A_290 = arith.constant 0 : i32
      %dma_start3A_291 = tpu.memref_slice %arg7[%add3A_282, %dma_start3A_290] : memref<100x100xi32, #tpu.memory_space<vmem>> -> memref<1x100xi32, #tpu.memory_space<vmem>>
      %dma_start3A_292 = tpu.memref_squeeze %dma_start3A_291 : memref<1x100xi32, #tpu.memory_space<vmem>> -> memref<100xi32, #tpu.memory_space<vmem>>
      %dma_start3A_293 = arith.constant 0 : i32
      %dma_start3A_294 = arith.constant 0 : i32
      %dma_start3A_295 = tpu.memref_slice %arg18[%dma_start3A_293, %dma_start3A_294] : memref<10240x16xf32, #tpu.memory_space<vmem_shared>> -> memref<10240x16xf32, #tpu.memory_space<vmem_shared>>
      tpu.enqueue_indirect_dma source(%arg15 : memref<100x16xf32, #tpu.memory_space<vmem>>) target(%dma_start3A_295 : memref<10240x16xf32, #tpu.memory_space<vmem_shared>>) offsets(%dma_start3A_292 : memref<100xi32, #tpu.memory_space<vmem>>) semaphore(%arg36 : memref<!tpu.dma_semaphore, #tpu.memory_space<semaphore_mem>>) {add = true}
      %add3A_296 = arith.constant 5 : i32
      %add3A_297 = arith.addi %add3A_282, %add3A_296 : i32
      %lt3A_298 = arith.constant 100 : i32
      %lt3A_299 = arith.cmpi slt, %add3A_297, %lt3A_298 : i32
      %convert_element_type3A_300 = arith.extui %lt3A_299 : i1 to i32
      %cond3A_301 = arith.constant 0 : i32
      %cond3A_302 = arith.cmpi ne, %convert_element_type3A_300, %cond3A_301 : i32
      scf.if %cond3A_302 {
        %ge3A = arith.constant 5 : i32
        %ge3A_347 = arith.cmpi sge, %add3A_282, %ge3A : i32
        %convert_element_type3A_348 = arith.extui %ge3A_347 : i1 to i32
        %cond3A_349 = arith.constant 0 : i32
        %cond3A_350 = arith.cmpi ne, %convert_element_type3A_348, %cond3A_349 : i32
        scf.if %cond3A_350 {
          %dma_wait3A_359 = arith.constant 0 : i32
          %dma_wait3A_360 = arith.constant 0 : i32
          %dma_wait3A_361 = tpu.memref_slice %arg7[%dma_wait3A_359, %dma_wait3A_360] : memref<100x100xi32, #tpu.memory_space<vmem>> -> memref<1x100xi32, #tpu.memory_space<vmem>>
          %dma_wait3A_362 = tpu.memref_squeeze %dma_wait3A_361 : memref<1x100xi32, #tpu.memory_space<vmem>> -> memref<100xi32, #tpu.memory_space<vmem>>
          %dma_wait3A_363 = arith.constant 0 : i32
          %dma_wait3A_364 = arith.constant 0 : i32
          %dma_wait3A_365 = tpu.memref_slice %arg18[%dma_wait3A_363, %dma_wait3A_364] : memref<10240x16xf32, #tpu.memory_space<vmem_shared>> -> memref<10240x16xf32, #tpu.memory_space<vmem_shared>>
          tpu.wait_indirect_dma semaphore(%arg31 : memref<!tpu.dma_semaphore, #tpu.memory_space<semaphore_mem>>) src(%arg10 : memref<100x16xf32, #tpu.memory_space<vmem>>) dst(%dma_wait3A_365 : memref<10240x16xf32, #tpu.memory_space<vmem_shared>>)
        } else {
        }
        %add3A_351 = arith.constant 5 : i32
        %add3A_352 = arith.addi %add3A_282, %add3A_351 : i32
        %dma_start3A_353 = arith.constant 0 : i32
        %dma_start3A_354 = tpu.memref_slice %arg6[%add3A_352, %dma_start3A_353] : memref<100x100xi32, #tpu.memory_space<vmem>> -> memref<1x100xi32, #tpu.memory_space<vmem>>
        %dma_start3A_355 = tpu.memref_squeeze %dma_start3A_354 : memref<1x100xi32, #tpu.memory_space<vmem>> -> memref<100xi32, #tpu.memory_space<vmem>>
        %dma_start3A_356 = arith.constant 0 : i32
        %dma_start3A_357 = arith.constant 0 : i32
        %dma_start3A_358 = tpu.memref_slice %arg2[%dma_start3A_356, %dma_start3A_357] : memref<10240x16xf32, #tpu.memory_space<hbm>> -> memref<10240x16xf32, #tpu.memory_space<hbm>>
        tpu.enqueue_indirect_dma source(%dma_start3A_358 : memref<10240x16xf32, #tpu.memory_space<hbm>>) target(%arg10 : memref<100x16xf32, #tpu.memory_space<vmem>>) offsets(%dma_start3A_355 : memref<100xi32, #tpu.memory_space<vmem>>) semaphore(%arg21 : memref<!tpu.dma_semaphore, #tpu.memory_space<semaphore_mem>>)
      } else {
      }
      %add3A_303 = arith.constant 8 : i32
      %add3A_304 = arith.addi %add3A_127, %add3A_303 : i32
      %dma_wait3A_305 = arith.constant 0 : i32
      %dma_wait3A_306 = arith.constant 0 : i32
      %dma_wait3A_307 = tpu.memref_slice %arg6[%dma_wait3A_305, %dma_wait3A_306] : memref<100x100xi32, #tpu.memory_space<vmem>> -> memref<1x100xi32, #tpu.memory_space<vmem>>
      %dma_wait3A_308 = tpu.memref_squeeze %dma_wait3A_307 : memref<1x100xi32, #tpu.memory_space<vmem>> -> memref<100xi32, #tpu.memory_space<vmem>>
      %dma_wait3A_309 = arith.constant 0 : i32
      %dma_wait3A_310 = arith.constant 0 : i32
      %dma_wait3A_311 = tpu.memref_slice %arg2[%dma_wait3A_309, %dma_wait3A_310] : memref<10240x16xf32, #tpu.memory_space<hbm>> -> memref<10240x16xf32, #tpu.memory_space<hbm>>
      tpu.wait_indirect_dma semaphore(%arg27 : memref<!tpu.dma_semaphore, #tpu.memory_space<semaphore_mem>>) src(%dma_wait3A_311 : memref<10240x16xf32, #tpu.memory_space<hbm>>) dst(%arg16 : memref<100x16xf32, #tpu.memory_space<vmem>>)
      %dma_start3A_312 = arith.constant 0 : i32
      %dma_start3A_313 = tpu.memref_slice %arg7[%add3A_304, %dma_start3A_312] : memref<100x100xi32, #tpu.memory_space<vmem>> -> memref<1x100xi32, #tpu.memory_space<vmem>>
      %dma_start3A_314 = tpu.memref_squeeze %dma_start3A_313 : memref<1x100xi32, #tpu.memory_space<vmem>> -> memref<100xi32, #tpu.memory_space<vmem>>
      %dma_start3A_315 = arith.constant 0 : i32
      %dma_start3A_316 = arith.constant 0 : i32
      %dma_start3A_317 = tpu.memref_slice %arg18[%dma_start3A_315, %dma_start3A_316] : memref<10240x16xf32, #tpu.memory_space<vmem_shared>> -> memref<10240x16xf32, #tpu.memory_space<vmem_shared>>
      tpu.enqueue_indirect_dma source(%arg16 : memref<100x16xf32, #tpu.memory_space<vmem>>) target(%dma_start3A_317 : memref<10240x16xf32, #tpu.memory_space<vmem_shared>>) offsets(%dma_start3A_314 : memref<100xi32, #tpu.memory_space<vmem>>) semaphore(%arg37 : memref<!tpu.dma_semaphore, #tpu.memory_space<semaphore_mem>>) {add = true}
      %add3A_318 = arith.constant 5 : i32
      %add3A_319 = arith.addi %add3A_304, %add3A_318 : i32
      %lt3A_320 = arith.constant 100 : i32
      %lt3A_321 = arith.cmpi slt, %add3A_319, %lt3A_320 : i32
      %convert_element_type3A_322 = arith.extui %lt3A_321 : i1 to i32
      %cond3A_323 = arith.constant 0 : i32
      %cond3A_324 = arith.cmpi ne, %convert_element_type3A_322, %cond3A_323 : i32
      scf.if %cond3A_324 {
        %ge3A = arith.constant 5 : i32
        %ge3A_347 = arith.cmpi sge, %add3A_304, %ge3A : i32
        %convert_element_type3A_348 = arith.extui %ge3A_347 : i1 to i32
        %cond3A_349 = arith.constant 0 : i32
        %cond3A_350 = arith.cmpi ne, %convert_element_type3A_348, %cond3A_349 : i32
        scf.if %cond3A_350 {
          %dma_wait3A_359 = arith.constant 0 : i32
          %dma_wait3A_360 = arith.constant 0 : i32
          %dma_wait3A_361 = tpu.memref_slice %arg7[%dma_wait3A_359, %dma_wait3A_360] : memref<100x100xi32, #tpu.memory_space<vmem>> -> memref<1x100xi32, #tpu.memory_space<vmem>>
          %dma_wait3A_362 = tpu.memref_squeeze %dma_wait3A_361 : memref<1x100xi32, #tpu.memory_space<vmem>> -> memref<100xi32, #tpu.memory_space<vmem>>
          %dma_wait3A_363 = arith.constant 0 : i32
          %dma_wait3A_364 = arith.constant 0 : i32
          %dma_wait3A_365 = tpu.memref_slice %arg18[%dma_wait3A_363, %dma_wait3A_364] : memref<10240x16xf32, #tpu.memory_space<vmem_shared>> -> memref<10240x16xf32, #tpu.memory_space<vmem_shared>>
          tpu.wait_indirect_dma semaphore(%arg32 : memref<!tpu.dma_semaphore, #tpu.memory_space<semaphore_mem>>) src(%arg11 : memref<100x16xf32, #tpu.memory_space<vmem>>) dst(%dma_wait3A_365 : memref<10240x16xf32, #tpu.memory_space<vmem_shared>>)
        } else {
        }
        %add3A_351 = arith.constant 5 : i32
        %add3A_352 = arith.addi %add3A_304, %add3A_351 : i32
        %dma_start3A_353 = arith.constant 0 : i32
        %dma_start3A_354 = tpu.memref_slice %arg6[%add3A_352, %dma_start3A_353] : memref<100x100xi32, #tpu.memory_space<vmem>> -> memref<1x100xi32, #tpu.memory_space<vmem>>
        %dma_start3A_355 = tpu.memref_squeeze %dma_start3A_354 : memref<1x100xi32, #tpu.memory_space<vmem>> -> memref<100xi32, #tpu.memory_space<vmem>>
        %dma_start3A_356 = arith.constant 0 : i32
        %dma_start3A_357 = arith.constant 0 : i32
        %dma_start3A_358 = tpu.memref_slice %arg2[%dma_start3A_356, %dma_start3A_357] : memref<10240x16xf32, #tpu.memory_space<hbm>> -> memref<10240x16xf32, #tpu.memory_space<hbm>>
        tpu.enqueue_indirect_dma source(%dma_start3A_358 : memref<10240x16xf32, #tpu.memory_space<hbm>>) target(%arg11 : memref<100x16xf32, #tpu.memory_space<vmem>>) offsets(%dma_start3A_355 : memref<100xi32, #tpu.memory_space<vmem>>) semaphore(%arg22 : memref<!tpu.dma_semaphore, #tpu.memory_space<semaphore_mem>>)
      } else {
      }
      %add3A_325 = arith.constant 9 : i32
      %add3A_326 = arith.addi %add3A_127, %add3A_325 : i32
      %dma_wait3A_327 = arith.constant 0 : i32
      %dma_wait3A_328 = arith.constant 0 : i32
      %dma_wait3A_329 = tpu.memref_slice %arg6[%dma_wait3A_327, %dma_wait3A_328] : memref<100x100xi32, #tpu.memory_space<vmem>> -> memref<1x100xi32, #tpu.memory_space<vmem>>
      %dma_wait3A_330 = tpu.memref_squeeze %dma_wait3A_329 : memref<1x100xi32, #tpu.memory_space<vmem>> -> memref<100xi32, #tpu.memory_space<vmem>>
      %dma_wait3A_331 = arith.constant 0 : i32
      %dma_wait3A_332 = arith.constant 0 : i32
      %dma_wait3A_333 = tpu.memref_slice %arg2[%dma_wait3A_331, %dma_wait3A_332] : memref<10240x16xf32, #tpu.memory_space<hbm>> -> memref<10240x16xf32, #tpu.memory_space<hbm>>
      tpu.wait_indirect_dma semaphore(%arg28 : memref<!tpu.dma_semaphore, #tpu.memory_space<semaphore_mem>>) src(%dma_wait3A_333 : memref<10240x16xf32, #tpu.memory_space<hbm>>) dst(%arg17 : memref<100x16xf32, #tpu.memory_space<vmem>>)
      %dma_start3A_334 = arith.constant 0 : i32
      %dma_start3A_335 = tpu.memref_slice %arg7[%add3A_326, %dma_start3A_334] : memref<100x100xi32, #tpu.memory_space<vmem>> -> memref<1x100xi32, #tpu.memory_space<vmem>>
      %dma_start3A_336 = tpu.memref_squeeze %dma_start3A_335 : memref<1x100xi32, #tpu.memory_space<vmem>> -> memref<100xi32, #tpu.memory_space<vmem>>
      %dma_start3A_337 = arith.constant 0 : i32
      %dma_start3A_338 = arith.constant 0 : i32
      %dma_start3A_339 = tpu.memref_slice %arg18[%dma_start3A_337, %dma_start3A_338] : memref<10240x16xf32, #tpu.memory_space<vmem_shared>> -> memref<10240x16xf32, #tpu.memory_space<vmem_shared>>
      tpu.enqueue_indirect_dma source(%arg17 : memref<100x16xf32, #tpu.memory_space<vmem>>) target(%dma_start3A_339 : memref<10240x16xf32, #tpu.memory_space<vmem_shared>>) offsets(%dma_start3A_336 : memref<100xi32, #tpu.memory_space<vmem>>) semaphore(%arg38 : memref<!tpu.dma_semaphore, #tpu.memory_space<semaphore_mem>>) {add = true}
      %add3A_340 = arith.constant 5 : i32
      %add3A_341 = arith.addi %add3A_326, %add3A_340 : i32
      %lt3A_342 = arith.constant 100 : i32
      %lt3A_343 = arith.cmpi slt, %add3A_341, %lt3A_342 : i32
      %convert_element_type3A_344 = arith.extui %lt3A_343 : i1 to i32
      %cond3A_345 = arith.constant 0 : i32
      %cond3A_346 = arith.cmpi ne, %convert_element_type3A_344, %cond3A_345 : i32
      scf.if %cond3A_346 {
        %ge3A = arith.constant 5 : i32
        %ge3A_347 = arith.cmpi sge, %add3A_326, %ge3A : i32
        %convert_element_type3A_348 = arith.extui %ge3A_347 : i1 to i32
        %cond3A_349 = arith.constant 0 : i32
        %cond3A_350 = arith.cmpi ne, %convert_element_type3A_348, %cond3A_349 : i32
        scf.if %cond3A_350 {
          %dma_wait3A_359 = arith.constant 0 : i32
          %dma_wait3A_360 = arith.constant 0 : i32
          %dma_wait3A_361 = tpu.memref_slice %arg7[%dma_wait3A_359, %dma_wait3A_360] : memref<100x100xi32, #tpu.memory_space<vmem>> -> memref<1x100xi32, #tpu.memory_space<vmem>>
          %dma_wait3A_362 = tpu.memref_squeeze %dma_wait3A_361 : memref<1x100xi32, #tpu.memory_space<vmem>> -> memref<100xi32, #tpu.memory_space<vmem>>
          %dma_wait3A_363 = arith.constant 0 : i32
          %dma_wait3A_364 = arith.constant 0 : i32
          %dma_wait3A_365 = tpu.memref_slice %arg18[%dma_wait3A_363, %dma_wait3A_364] : memref<10240x16xf32, #tpu.memory_space<vmem_shared>> -> memref<10240x16xf32, #tpu.memory_space<vmem_shared>>
          tpu.wait_indirect_dma semaphore(%arg33 : memref<!tpu.dma_semaphore, #tpu.memory_space<semaphore_mem>>) src(%arg12 : memref<100x16xf32, #tpu.memory_space<vmem>>) dst(%dma_wait3A_365 : memref<10240x16xf32, #tpu.memory_space<vmem_shared>>)
        } else {
        }
        %add3A_351 = arith.constant 5 : i32
        %add3A_352 = arith.addi %add3A_326, %add3A_351 : i32
        %dma_start3A_353 = arith.constant 0 : i32
        %dma_start3A_354 = tpu.memref_slice %arg6[%add3A_352, %dma_start3A_353] : memref<100x100xi32, #tpu.memory_space<vmem>> -> memref<1x100xi32, #tpu.memory_space<vmem>>
        %dma_start3A_355 = tpu.memref_squeeze %dma_start3A_354 : memref<1x100xi32, #tpu.memory_space<vmem>> -> memref<100xi32, #tpu.memory_space<vmem>>
        %dma_start3A_356 = arith.constant 0 : i32
        %dma_start3A_357 = arith.constant 0 : i32
        %dma_start3A_358 = tpu.memref_slice %arg2[%dma_start3A_356, %dma_start3A_357] : memref<10240x16xf32, #tpu.memory_space<hbm>> -> memref<10240x16xf32, #tpu.memory_space<hbm>>
        tpu.enqueue_indirect_dma source(%dma_start3A_358 : memref<10240x16xf32, #tpu.memory_space<hbm>>) target(%arg12 : memref<100x16xf32, #tpu.memory_space<vmem>>) offsets(%dma_start3A_355 : memref<100xi32, #tpu.memory_space<vmem>>) semaphore(%arg23 : memref<!tpu.dma_semaphore, #tpu.memory_space<semaphore_mem>>)
      } else {
      }
    }
    %scan3A_45 = arith.constant 10 : i32
    %dma_wait3A = arith.constant 0 : i32
    %dma_wait3A_46 = arith.constant 0 : i32
    %dma_wait3A_47 = tpu.memref_slice %arg7[%dma_wait3A, %dma_wait3A_46] : memref<100x100xi32, #tpu.memory_space<vmem>> -> memref<1x100xi32, #tpu.memory_space<vmem>>
    %dma_wait3A_48 = tpu.memref_squeeze %dma_wait3A_47 : memref<1x100xi32, #tpu.memory_space<vmem>> -> memref<100xi32, #tpu.memory_space<vmem>>
    %dma_wait3A_49 = arith.constant 0 : i32
    %dma_wait3A_50 = arith.constant 0 : i32
    %dma_wait3A_51 = tpu.memref_slice %arg18[%dma_wait3A_49, %dma_wait3A_50] : memref<10240x16xf32, #tpu.memory_space<vmem_shared>> -> memref<10240x16xf32, #tpu.memory_space<vmem_shared>>
    tpu.wait_indirect_dma semaphore(%arg29 : memref<!tpu.dma_semaphore, #tpu.memory_space<semaphore_mem>>) src(%arg8 : memref<100x16xf32, #tpu.memory_space<vmem>>) dst(%dma_wait3A_51 : memref<10240x16xf32, #tpu.memory_space<vmem_shared>>)
    %dma_wait3A_52 = arith.constant 0 : i32
    %dma_wait3A_53 = arith.constant 0 : i32
    %dma_wait3A_54 = tpu.memref_slice %arg7[%dma_wait3A_52, %dma_wait3A_53] : memref<100x100xi32, #tpu.memory_space<vmem>> -> memref<1x100xi32, #tpu.memory_space<vmem>>
    %dma_wait3A_55 = tpu.memref_squeeze %dma_wait3A_54 : memref<1x100xi32, #tpu.memory_space<vmem>> -> memref<100xi32, #tpu.memory_space<vmem>>
    %dma_wait3A_56 = arith.constant 0 : i32
    %dma_wait3A_57 = arith.constant 0 : i32
    %dma_wait3A_58 = tpu.memref_slice %arg18[%dma_wait3A_56, %dma_wait3A_57] : memref<10240x16xf32, #tpu.memory_space<vmem_shared>> -> memref<10240x16xf32, #tpu.memory_space<vmem_shared>>
    tpu.wait_indirect_dma semaphore(%arg30 : memref<!tpu.dma_semaphore, #tpu.memory_space<semaphore_mem>>) src(%arg9 : memref<100x16xf32, #tpu.memory_space<vmem>>) dst(%dma_wait3A_58 : memref<10240x16xf32, #tpu.memory_space<vmem_shared>>)
    %dma_wait3A_59 = arith.constant 0 : i32
    %dma_wait3A_60 = arith.constant 0 : i32
    %dma_wait3A_61 = tpu.memref_slice %arg7[%dma_wait3A_59, %dma_wait3A_60] : memref<100x100xi32, #tpu.memory_space<vmem>> -> memref<1x100xi32, #tpu.memory_space<vmem>>
    %dma_wait3A_62 = tpu.memref_squeeze %dma_wait3A_61 : memref<1x100xi32, #tpu.memory_space<vmem>> -> memref<100xi32, #tpu.memory_space<vmem>>
    %dma_wait3A_63 = arith.constant 0 : i32
    %dma_wait3A_64 = arith.constant 0 : i32
    %dma_wait3A_65 = tpu.memref_slice %arg18[%dma_wait3A_63, %dma_wait3A_64] : memref<10240x16xf32, #tpu.memory_space<vmem_shared>> -> memref<10240x16xf32, #tpu.memory_space<vmem_shared>>
    tpu.wait_indirect_dma semaphore(%arg31 : memref<!tpu.dma_semaphore, #tpu.memory_space<semaphore_mem>>) src(%arg10 : memref<100x16xf32, #tpu.memory_space<vmem>>) dst(%dma_wait3A_65 : memref<10240x16xf32, #tpu.memory_space<vmem_shared>>)
    %dma_wait3A_66 = arith.constant 0 : i32
    %dma_wait3A_67 = arith.constant 0 : i32
    %dma_wait3A_68 = tpu.memref_slice %arg7[%dma_wait3A_66, %dma_wait3A_67] : memref<100x100xi32, #tpu.memory_space<vmem>> -> memref<1x100xi32, #tpu.memory_space<vmem>>
    %dma_wait3A_69 = tpu.memref_squeeze %dma_wait3A_68 : memref<1x100xi32, #tpu.memory_space<vmem>> -> memref<100xi32, #tpu.memory_space<vmem>>
    %dma_wait3A_70 = arith.constant 0 : i32
    %dma_wait3A_71 = arith.constant 0 : i32
    %dma_wait3A_72 = tpu.memref_slice %arg18[%dma_wait3A_70, %dma_wait3A_71] : memref<10240x16xf32, #tpu.memory_space<vmem_shared>> -> memref<10240x16xf32, #tpu.memory_space<vmem_shared>>
    tpu.wait_indirect_dma semaphore(%arg32 : memref<!tpu.dma_semaphore, #tpu.memory_space<semaphore_mem>>) src(%arg11 : memref<100x16xf32, #tpu.memory_space<vmem>>) dst(%dma_wait3A_72 : memref<10240x16xf32, #tpu.memory_space<vmem_shared>>)
    %dma_wait3A_73 = arith.constant 0 : i32
    %dma_wait3A_74 = arith.constant 0 : i32
    %dma_wait3A_75 = tpu.memref_slice %arg7[%dma_wait3A_73, %dma_wait3A_74] : memref<100x100xi32, #tpu.memory_space<vmem>> -> memref<1x100xi32, #tpu.memory_space<vmem>>
    %dma_wait3A_76 = tpu.memref_squeeze %dma_wait3A_75 : memref<1x100xi32, #tpu.memory_space<vmem>> -> memref<100xi32, #tpu.memory_space<vmem>>
    %dma_wait3A_77 = arith.constant 0 : i32
    %dma_wait3A_78 = arith.constant 0 : i32
    %dma_wait3A_79 = tpu.memref_slice %arg18[%dma_wait3A_77, %dma_wait3A_78] : memref<10240x16xf32, #tpu.memory_space<vmem_shared>> -> memref<10240x16xf32, #tpu.memory_space<vmem_shared>>
    tpu.wait_indirect_dma semaphore(%arg33 : memref<!tpu.dma_semaphore, #tpu.memory_space<semaphore_mem>>) src(%arg12 : memref<100x16xf32, #tpu.memory_space<vmem>>) dst(%dma_wait3A_79 : memref<10240x16xf32, #tpu.memory_space<vmem_shared>>)
    %dma_wait3A_80 = arith.constant 0 : i32
    %dma_wait3A_81 = arith.constant 0 : i32
    %dma_wait3A_82 = tpu.memref_slice %arg7[%dma_wait3A_80, %dma_wait3A_81] : memref<100x100xi32, #tpu.memory_space<vmem>> -> memref<1x100xi32, #tpu.memory_space<vmem>>
    %dma_wait3A_83 = tpu.memref_squeeze %dma_wait3A_82 : memref<1x100xi32, #tpu.memory_space<vmem>> -> memref<100xi32, #tpu.memory_space<vmem>>
    %dma_wait3A_84 = arith.constant 0 : i32
    %dma_wait3A_85 = arith.constant 0 : i32
    %dma_wait3A_86 = tpu.memref_slice %arg18[%dma_wait3A_84, %dma_wait3A_85] : memref<10240x16xf32, #tpu.memory_space<vmem_shared>> -> memref<10240x16xf32, #tpu.memory_space<vmem_shared>>
    tpu.wait_indirect_dma semaphore(%arg34 : memref<!tpu.dma_semaphore, #tpu.memory_space<semaphore_mem>>) src(%arg13 : memref<100x16xf32, #tpu.memory_space<vmem>>) dst(%dma_wait3A_86 : memref<10240x16xf32, #tpu.memory_space<vmem_shared>>)
    %dma_wait3A_87 = arith.constant 0 : i32
    %dma_wait3A_88 = arith.constant 0 : i32
    %dma_wait3A_89 = tpu.memref_slice %arg7[%dma_wait3A_87, %dma_wait3A_88] : memref<100x100xi32, #tpu.memory_space<vmem>> -> memref<1x100xi32, #tpu.memory_space<vmem>>
    %dma_wait3A_90 = tpu.memref_squeeze %dma_wait3A_89 : memref<1x100xi32, #tpu.memory_space<vmem>> -> memref<100xi32, #tpu.memory_space<vmem>>
    %dma_wait3A_91 = arith.constant 0 : i32
    %dma_wait3A_92 = arith.constant 0 : i32
    %dma_wait3A_93 = tpu.memref_slice %arg18[%dma_wait3A_91, %dma_wait3A_92] : memref<10240x16xf32, #tpu.memory_space<vmem_shared>> -> memref<10240x16xf32, #tpu.memory_space<vmem_shared>>
    tpu.wait_indirect_dma semaphore(%arg35 : memref<!tpu.dma_semaphore, #tpu.memory_space<semaphore_mem>>) src(%arg14 : memref<100x16xf32, #tpu.memory_space<vmem>>) dst(%dma_wait3A_93 : memref<10240x16xf32, #tpu.memory_space<vmem_shared>>)
    %dma_wait3A_94 = arith.constant 0 : i32
    %dma_wait3A_95 = arith.constant 0 : i32
    %dma_wait3A_96 = tpu.memref_slice %arg7[%dma_wait3A_94, %dma_wait3A_95] : memref<100x100xi32, #tpu.memory_space<vmem>> -> memref<1x100xi32, #tpu.memory_space<vmem>>
    %dma_wait3A_97 = tpu.memref_squeeze %dma_wait3A_96 : memref<1x100xi32, #tpu.memory_space<vmem>> -> memref<100xi32, #tpu.memory_space<vmem>>
    %dma_wait3A_98 = arith.constant 0 : i32
    %dma_wait3A_99 = arith.constant 0 : i32
    %dma_wait3A_100 = tpu.memref_slice %arg18[%dma_wait3A_98, %dma_wait3A_99] : memref<10240x16xf32, #tpu.memory_space<vmem_shared>> -> memref<10240x16xf32, #tpu.memory_space<vmem_shared>>
    tpu.wait_indirect_dma semaphore(%arg36 : memref<!tpu.dma_semaphore, #tpu.memory_space<semaphore_mem>>) src(%arg15 : memref<100x16xf32, #tpu.memory_space<vmem>>) dst(%dma_wait3A_100 : memref<10240x16xf32, #tpu.memory_space<vmem_shared>>)
    %dma_wait3A_101 = arith.constant 0 : i32
    %dma_wait3A_102 = arith.constant 0 : i32
    %dma_wait3A_103 = tpu.memref_slice %arg7[%dma_wait3A_101, %dma_wait3A_102] : memref<100x100xi32, #tpu.memory_space<vmem>> -> memref<1x100xi32, #tpu.memory_space<vmem>>
    %dma_wait3A_104 = tpu.memref_squeeze %dma_wait3A_103 : memref<1x100xi32, #tpu.memory_space<vmem>> -> memref<100xi32, #tpu.memory_space<vmem>>
    %dma_wait3A_105 = arith.constant 0 : i32
    %dma_wait3A_106 = arith.constant 0 : i32
    %dma_wait3A_107 = tpu.memref_slice %arg18[%dma_wait3A_105, %dma_wait3A_106] : memref<10240x16xf32, #tpu.memory_space<vmem_shared>> -> memref<10240x16xf32, #tpu.memory_space<vmem_shared>>
    tpu.wait_indirect_dma semaphore(%arg37 : memref<!tpu.dma_semaphore, #tpu.memory_space<semaphore_mem>>) src(%arg16 : memref<100x16xf32, #tpu.memory_space<vmem>>) dst(%dma_wait3A_107 : memref<10240x16xf32, #tpu.memory_space<vmem_shared>>)
    %dma_wait3A_108 = arith.constant 0 : i32
    %dma_wait3A_109 = arith.constant 0 : i32
    %dma_wait3A_110 = tpu.memref_slice %arg7[%dma_wait3A_108, %dma_wait3A_109] : memref<100x100xi32, #tpu.memory_space<vmem>> -> memref<1x100xi32, #tpu.memory_space<vmem>>
    %dma_wait3A_111 = tpu.memref_squeeze %dma_wait3A_110 : memref<1x100xi32, #tpu.memory_space<vmem>> -> memref<100xi32, #tpu.memory_space<vmem>>
    %dma_wait3A_112 = arith.constant 0 : i32
    %dma_wait3A_113 = arith.constant 0 : i32
    %dma_wait3A_114 = tpu.memref_slice %arg18[%dma_wait3A_112, %dma_wait3A_113] : memref<10240x16xf32, #tpu.memory_space<vmem_shared>> -> memref<10240x16xf32, #tpu.memory_space<vmem_shared>>
    tpu.wait_indirect_dma semaphore(%arg38 : memref<!tpu.dma_semaphore, #tpu.memory_space<semaphore_mem>>) src(%arg17 : memref<100x16xf32, #tpu.memory_space<vmem>>) dst(%dma_wait3A_114 : memref<10240x16xf32, #tpu.memory_space<vmem_shared>>)
    %barrier3A_115 = arith.constant 0 : index
    tpu.barrier barrier_id(%barrier3A_115)
    %mul3A_116 = arith.constant 640 : i32
    %mul3A_117 = arith.muli %arg1, %mul3A_116 : i32
    %mul3A_118 = arith.constant 10240 : i32
    %mul3A_119 = arith.muli %arg0, %mul3A_118 : i32
    %mul3A_120 = arith.constant 640 : i32
    %mul3A_121 = arith.muli %arg1, %mul3A_120 : i32
    %add3A_122 = arith.addi %mul3A_119, %mul3A_121 : i32
    "tpu.region"() ({
      %run_scoped3A_123 = tpu.sem_alloc : memref<!tpu.dma_semaphore, #tpu.memory_space<semaphore_mem>>
      %dma_start3A_124 = arith.constant 0 : i32
      %dma_start3A_125 = tpu.memref_slice %arg5[%add3A_122, %dma_start3A_124] : memref<20480x16xf32, #tpu.memory_space<hbm>> -> memref<640x16xf32, #tpu.memory_space<hbm>>
      %dma_start3A_126 = arith.constant 0 : i32
      %dma_start3A_127 = tpu.memref_slice %arg18[%mul3A_117, %dma_start3A_126] : memref<10240x16xf32, #tpu.memory_space<vmem_shared>> -> memref<640x16xf32, #tpu.memory_space<vmem_shared>>
      tpu.enqueue_dma source(%dma_start3A_127 : memref<640x16xf32, #tpu.memory_space<vmem_shared>>) target(%dma_start3A_125 : memref<640x16xf32, #tpu.memory_space<hbm>>) target_semaphore(%run_scoped3A_123 : memref<!tpu.dma_semaphore, #tpu.memory_space<semaphore_mem>>)
      %dma_wait3A_128 = arith.constant 0 : i32
      %dma_wait3A_129 = tpu.memref_slice %arg5[%add3A_122, %dma_wait3A_128] : memref<20480x16xf32, #tpu.memory_space<hbm>> -> memref<640x16xf32, #tpu.memory_space<hbm>>
      %dma_wait3A_130 = arith.constant 0 : i32
      %dma_wait3A_131 = tpu.memref_slice %arg18[%mul3A_117, %dma_wait3A_130] : memref<10240x16xf32, #tpu.memory_space<vmem_shared>> -> memref<640x16xf32, #tpu.memory_space<vmem_shared>>
      tpu.wait_dma2 semaphore(%run_scoped3A_123 : memref<!tpu.dma_semaphore, #tpu.memory_space<semaphore_mem>>) src(%dma_wait3A_131 : memref<640x16xf32, #tpu.memory_space<vmem_shared>>) dst(%dma_wait3A_129 : memref<640x16xf32, #tpu.memory_space<hbm>>)
      tpu.yield
    }) : () -> ()
    return
  }
}

#map = affine_map<(d0, d1) -> (0, 0)>
#map1 = affine_map<(d0, d1) -> (0, 0, 0, 0)>
module attributes {stable_mosaic.version = 14 : i64} {
  func.func @_agg_body(%arg0: i32, %arg1: i32, %arg2: memref<10240x64xf32, #tpu.memory_space<hbm>>, %arg3: memref<2x32x100x100xi32, #tpu.memory_space<hbm>>, %arg4: memref<10240x64xf32, #tpu.memory_space<hbm>>, %arg5: memref<20480x64xf32, #tpu.memory_space<hbm>>, %arg6: memref<100x100xi32, #tpu.memory_space<vmem>>, %arg7: memref<100x100xi32, #tpu.memory_space<vmem>>, %arg8: memref<100x64xf32, #tpu.memory_space<vmem>>, %arg9: memref<100x64xf32, #tpu.memory_space<vmem>>, %arg10: memref<100x64xf32, #tpu.memory_space<vmem>>, %arg11: memref<100x64xf32, #tpu.memory_space<vmem>>, %arg12: memref<100x64xf32, #tpu.memory_space<vmem>>, %arg13: memref<100x64xf32, #tpu.memory_space<vmem>>, %arg14: memref<100x64xf32, #tpu.memory_space<vmem>>, %arg15: memref<100x64xf32, #tpu.memory_space<vmem>>, %arg16: memref<100x64xf32, #tpu.memory_space<vmem>>, %arg17: memref<100x64xf32, #tpu.memory_space<vmem>>, %arg18: memref<10240x64xf32, #tpu.memory_space<vmem_shared>>, %arg19: memref<!tpu.dma_semaphore, #tpu.memory_space<semaphore_mem>>, %arg20: memref<!tpu.dma_semaphore, #tpu.memory_space<semaphore_mem>>, %arg21: memref<!tpu.dma_semaphore, #tpu.memory_space<semaphore_mem>>, %arg22: memref<!tpu.dma_semaphore, #tpu.memory_space<semaphore_mem>>, %arg23: memref<!tpu.dma_semaphore, #tpu.memory_space<semaphore_mem>>, %arg24: memref<!tpu.dma_semaphore, #tpu.memory_space<semaphore_mem>>, %arg25: memref<!tpu.dma_semaphore, #tpu.memory_space<semaphore_mem>>, %arg26: memref<!tpu.dma_semaphore, #tpu.memory_space<semaphore_mem>>, %arg27: memref<!tpu.dma_semaphore, #tpu.memory_space<semaphore_mem>>, %arg28: memref<!tpu.dma_semaphore, #tpu.memory_space<semaphore_mem>>, %arg29: memref<!tpu.dma_semaphore, #tpu.memory_space<semaphore_mem>>, %arg30: memref<!tpu.dma_semaphore, #tpu.memory_space<semaphore_mem>>, %arg31: memref<!tpu.dma_semaphore, #tpu.memory_space<semaphore_mem>>, %arg32: memref<!tpu.dma_semaphore, #tpu.memory_space<semaphore_mem>>, %arg33: memref<!tpu.dma_semaphore, #tpu.memory_space<semaphore_mem>>, %arg34: memref<!tpu.dma_semaphore, #tpu.memory_space<semaphore_mem>>, %arg35: memref<!tpu.dma_semaphore, #tpu.memory_space<semaphore_mem>>, %arg36: memref<!tpu.dma_semaphore, #tpu.memory_space<semaphore_mem>>, %arg37: memref<!tpu.dma_semaphore, #tpu.memory_space<semaphore_mem>>, %arg38: memref<!tpu.dma_semaphore, #tpu.memory_space<semaphore_mem>>) attributes {dimension_semantics = [#tpu.dimension_semantics<core_parallel>, #tpu.dimension_semantics<subcore_parallel>], iteration_bounds = array<i64: 2, 16>, scalar_prefetch = 0 : i64, scratch_operands = 33 : i64, tpu.core_type = #tpu.core_type<sc_vector_subcore>, window_params = [{transform_indices = #map}, {transform_indices = #map1}, {transform_indices = #map}, {transform_indices = #map}]} {
    %mul3A = arith.constant 2 : i32
    %mul3A_0 = arith.muli %arg1, %mul3A : i32
    %add3A = arith.addi %mul3A_0, %arg0 : i32
    %eq3A = arith.constant 0 : i32
    %eq3A_1 = arith.cmpi eq, %arg0, %eq3A : i32
    %convert_element_type3A = arith.extui %eq3A_1 : i1 to i32
    %cond3A = arith.constant 0 : i32
    %cond3A_2 = arith.cmpi ne, %convert_element_type3A, %cond3A : i32
    scf.if %cond3A_2 {
      %mul3A_123 = arith.constant 640 : i32
      %mul3A_124 = arith.muli %arg1, %mul3A_123 : i32
      %mul3A_125 = arith.constant 640 : i32
      %mul3A_126 = arith.muli %arg1, %mul3A_125 : i32
      "tpu.region"() ({
        %run_scoped3A_127 = tpu.sem_alloc : memref<!tpu.dma_semaphore, #tpu.memory_space<semaphore_mem>>
        %dma_start3A_128 = arith.constant 0 : i32
        %dma_start3A_129 = tpu.memref_slice %arg18[%mul3A_126, %dma_start3A_128] : memref<10240x64xf32, #tpu.memory_space<vmem_shared>> -> memref<640x64xf32, #tpu.memory_space<vmem_shared>>
        %dma_start3A_130 = arith.constant 0 : i32
        %dma_start3A_131 = tpu.memref_slice %arg2[%mul3A_124, %dma_start3A_130] : memref<10240x64xf32, #tpu.memory_space<hbm>> -> memref<640x64xf32, #tpu.memory_space<hbm>>
        tpu.enqueue_dma source(%dma_start3A_131 : memref<640x64xf32, #tpu.memory_space<hbm>>) target(%dma_start3A_129 : memref<640x64xf32, #tpu.memory_space<vmem_shared>>) target_semaphore(%run_scoped3A_127 : memref<!tpu.dma_semaphore, #tpu.memory_space<semaphore_mem>>)
        %dma_wait3A_132 = arith.constant 0 : i32
        %dma_wait3A_133 = tpu.memref_slice %arg18[%mul3A_126, %dma_wait3A_132] : memref<10240x64xf32, #tpu.memory_space<vmem_shared>> -> memref<640x64xf32, #tpu.memory_space<vmem_shared>>
        %dma_wait3A_134 = arith.constant 0 : i32
        %dma_wait3A_135 = tpu.memref_slice %arg2[%mul3A_124, %dma_wait3A_134] : memref<10240x64xf32, #tpu.memory_space<hbm>> -> memref<640x64xf32, #tpu.memory_space<hbm>>
        tpu.wait_dma2 semaphore(%run_scoped3A_127 : memref<!tpu.dma_semaphore, #tpu.memory_space<semaphore_mem>>) src(%dma_wait3A_135 : memref<640x64xf32, #tpu.memory_space<hbm>>) dst(%dma_wait3A_133 : memref<640x64xf32, #tpu.memory_space<vmem_shared>>)
        tpu.yield
      }) : () -> ()
    } else {
    }
    %ne3A = arith.constant 0 : i32
    %ne3A_3 = arith.cmpi ne, %arg0, %ne3A : i32
    %convert_element_type3A_4 = arith.extui %ne3A_3 : i1 to i32
    %cond3A_5 = arith.constant 0 : i32
    %cond3A_6 = arith.cmpi ne, %convert_element_type3A_4, %cond3A_5 : i32
    scf.if %cond3A_6 {
      %mul3A_123 = arith.constant 640 : i32
      %mul3A_124 = arith.muli %arg1, %mul3A_123 : i32
      %mul3A_125 = arith.constant 640 : i32
      %mul3A_126 = arith.muli %arg1, %mul3A_125 : i32
      "tpu.region"() ({
        %run_scoped3A_127 = tpu.sem_alloc : memref<!tpu.dma_semaphore, #tpu.memory_space<semaphore_mem>>
        %dma_start3A_128 = arith.constant 0 : i32
        %dma_start3A_129 = tpu.memref_slice %arg18[%mul3A_126, %dma_start3A_128] : memref<10240x64xf32, #tpu.memory_space<vmem_shared>> -> memref<640x64xf32, #tpu.memory_space<vmem_shared>>
        %dma_start3A_130 = arith.constant 0 : i32
        %dma_start3A_131 = tpu.memref_slice %arg4[%mul3A_124, %dma_start3A_130] : memref<10240x64xf32, #tpu.memory_space<hbm>> -> memref<640x64xf32, #tpu.memory_space<hbm>>
        tpu.enqueue_dma source(%dma_start3A_131 : memref<640x64xf32, #tpu.memory_space<hbm>>) target(%dma_start3A_129 : memref<640x64xf32, #tpu.memory_space<vmem_shared>>) target_semaphore(%run_scoped3A_127 : memref<!tpu.dma_semaphore, #tpu.memory_space<semaphore_mem>>)
        %dma_wait3A_132 = arith.constant 0 : i32
        %dma_wait3A_133 = tpu.memref_slice %arg18[%mul3A_126, %dma_wait3A_132] : memref<10240x64xf32, #tpu.memory_space<vmem_shared>> -> memref<640x64xf32, #tpu.memory_space<vmem_shared>>
        %dma_wait3A_134 = arith.constant 0 : i32
        %dma_wait3A_135 = tpu.memref_slice %arg4[%mul3A_124, %dma_wait3A_134] : memref<10240x64xf32, #tpu.memory_space<hbm>> -> memref<640x64xf32, #tpu.memory_space<hbm>>
        tpu.wait_dma2 semaphore(%run_scoped3A_127 : memref<!tpu.dma_semaphore, #tpu.memory_space<semaphore_mem>>) src(%dma_wait3A_135 : memref<640x64xf32, #tpu.memory_space<hbm>>) dst(%dma_wait3A_133 : memref<640x64xf32, #tpu.memory_space<vmem_shared>>)
        tpu.yield
      }) : () -> ()
    } else {
    }
    %barrier3A = arith.constant 0 : index
    tpu.barrier barrier_id(%barrier3A)
    %run_scoped3A = arith.constant 0 : i32
    "tpu.region"() ({
      %run_scoped3A_123 = tpu.sem_alloc : memref<!tpu.dma_semaphore, #tpu.memory_space<semaphore_mem>>
      %dma_start3A_124 = arith.constant 0 : i32
      %dma_start3A_125 = arith.constant 0 : i32
      %dma_start3A_126 = tpu.memref_slice %arg3[%run_scoped3A, %add3A, %dma_start3A_124, %dma_start3A_125] : memref<2x32x100x100xi32, #tpu.memory_space<hbm>> -> memref<1x1x100x100xi32, #tpu.memory_space<hbm>>
      %dma_start3A_127 = tpu.memref_squeeze %dma_start3A_126 : memref<1x1x100x100xi32, #tpu.memory_space<hbm>> -> memref<100x100xi32, #tpu.memory_space<hbm>>
      %dma_start3A_128 = arith.constant 0 : i32
      %dma_start3A_129 = arith.constant 0 : i32
      %dma_start3A_130 = tpu.memref_slice %arg3[%run_scoped3A, %add3A, %dma_start3A_128, %dma_start3A_129] : memref<2x32x100x100xi32, #tpu.memory_space<hbm>> -> memref<1x1x100x100xi32, #tpu.memory_space<hbm>>
      %dma_start3A_131 = tpu.memref_squeeze %dma_start3A_130 : memref<1x1x100x100xi32, #tpu.memory_space<hbm>> -> memref<100x100xi32, #tpu.memory_space<hbm>>
      tpu.enqueue_dma source(%dma_start3A_131 : memref<100x100xi32, #tpu.memory_space<hbm>>) target(%arg6 : memref<100x100xi32, #tpu.memory_space<vmem>>) target_semaphore(%run_scoped3A_123 : memref<!tpu.dma_semaphore, #tpu.memory_space<semaphore_mem>>)
      %dma_wait3A_132 = arith.constant 0 : i32
      %dma_wait3A_133 = arith.constant 0 : i32
      %dma_wait3A_134 = tpu.memref_slice %arg3[%run_scoped3A, %add3A, %dma_wait3A_132, %dma_wait3A_133] : memref<2x32x100x100xi32, #tpu.memory_space<hbm>> -> memref<1x1x100x100xi32, #tpu.memory_space<hbm>>
      %dma_wait3A_135 = tpu.memref_squeeze %dma_wait3A_134 : memref<1x1x100x100xi32, #tpu.memory_space<hbm>> -> memref<100x100xi32, #tpu.memory_space<hbm>>
      %dma_wait3A_136 = arith.constant 0 : i32
      %dma_wait3A_137 = arith.constant 0 : i32
      %dma_wait3A_138 = tpu.memref_slice %arg3[%run_scoped3A, %add3A, %dma_wait3A_136, %dma_wait3A_137] : memref<2x32x100x100xi32, #tpu.memory_space<hbm>> -> memref<1x1x100x100xi32, #tpu.memory_space<hbm>>
      %dma_wait3A_139 = tpu.memref_squeeze %dma_wait3A_138 : memref<1x1x100x100xi32, #tpu.memory_space<hbm>> -> memref<100x100xi32, #tpu.memory_space<hbm>>
      tpu.wait_dma2 semaphore(%run_scoped3A_123 : memref<!tpu.dma_semaphore, #tpu.memory_space<semaphore_mem>>) src(%dma_wait3A_139 : memref<100x100xi32, #tpu.memory_space<hbm>>) dst(%arg6 : memref<100x100xi32, #tpu.memory_space<vmem>>)
      tpu.yield
    }) : () -> ()
    %run_scoped3A_7 = arith.constant 1 : i32
    "tpu.region"() ({
      %run_scoped3A_123 = tpu.sem_alloc : memref<!tpu.dma_semaphore, #tpu.memory_space<semaphore_mem>>
      %dma_start3A_124 = arith.constant 0 : i32
      %dma_start3A_125 = arith.constant 0 : i32
      %dma_start3A_126 = tpu.memref_slice %arg3[%run_scoped3A_7, %add3A, %dma_start3A_124, %dma_start3A_125] : memref<2x32x100x100xi32, #tpu.memory_space<hbm>> -> memref<1x1x100x100xi32, #tpu.memory_space<hbm>>
      %dma_start3A_127 = tpu.memref_squeeze %dma_start3A_126 : memref<1x1x100x100xi32, #tpu.memory_space<hbm>> -> memref<100x100xi32, #tpu.memory_space<hbm>>
      %dma_start3A_128 = arith.constant 0 : i32
      %dma_start3A_129 = arith.constant 0 : i32
      %dma_start3A_130 = tpu.memref_slice %arg3[%run_scoped3A_7, %add3A, %dma_start3A_128, %dma_start3A_129] : memref<2x32x100x100xi32, #tpu.memory_space<hbm>> -> memref<1x1x100x100xi32, #tpu.memory_space<hbm>>
      %dma_start3A_131 = tpu.memref_squeeze %dma_start3A_130 : memref<1x1x100x100xi32, #tpu.memory_space<hbm>> -> memref<100x100xi32, #tpu.memory_space<hbm>>
      tpu.enqueue_dma source(%dma_start3A_131 : memref<100x100xi32, #tpu.memory_space<hbm>>) target(%arg7 : memref<100x100xi32, #tpu.memory_space<vmem>>) target_semaphore(%run_scoped3A_123 : memref<!tpu.dma_semaphore, #tpu.memory_space<semaphore_mem>>)
      %dma_wait3A_132 = arith.constant 0 : i32
      %dma_wait3A_133 = arith.constant 0 : i32
      %dma_wait3A_134 = tpu.memref_slice %arg3[%run_scoped3A_7, %add3A, %dma_wait3A_132, %dma_wait3A_133] : memref<2x32x100x100xi32, #tpu.memory_space<hbm>> -> memref<1x1x100x100xi32, #tpu.memory_space<hbm>>
      %dma_wait3A_135 = tpu.memref_squeeze %dma_wait3A_134 : memref<1x1x100x100xi32, #tpu.memory_space<hbm>> -> memref<100x100xi32, #tpu.memory_space<hbm>>
      %dma_wait3A_136 = arith.constant 0 : i32
      %dma_wait3A_137 = arith.constant 0 : i32
      %dma_wait3A_138 = tpu.memref_slice %arg3[%run_scoped3A_7, %add3A, %dma_wait3A_136, %dma_wait3A_137] : memref<2x32x100x100xi32, #tpu.memory_space<hbm>> -> memref<1x1x100x100xi32, #tpu.memory_space<hbm>>
      %dma_wait3A_139 = tpu.memref_squeeze %dma_wait3A_138 : memref<1x1x100x100xi32, #tpu.memory_space<hbm>> -> memref<100x100xi32, #tpu.memory_space<hbm>>
      tpu.wait_dma2 semaphore(%run_scoped3A_123 : memref<!tpu.dma_semaphore, #tpu.memory_space<semaphore_mem>>) src(%dma_wait3A_139 : memref<100x100xi32, #tpu.memory_space<hbm>>) dst(%arg7 : memref<100x100xi32, #tpu.memory_space<vmem>>)
      tpu.yield
    }) : () -> ()
    %dma_start3A = arith.constant 0 : i32
    %dma_start3A_8 = arith.constant 0 : i32
    %dma_start3A_9 = tpu.memref_slice %arg6[%dma_start3A, %dma_start3A_8] : memref<100x100xi32, #tpu.memory_space<vmem>> -> memref<1x100xi32, #tpu.memory_space<vmem>>
    %dma_start3A_10 = tpu.memref_squeeze %dma_start3A_9 : memref<1x100xi32, #tpu.memory_space<vmem>> -> memref<100xi32, #tpu.memory_space<vmem>>
    %dma_start3A_11 = arith.constant 0 : i32
    %dma_start3A_12 = arith.constant 0 : i32
    %dma_start3A_13 = tpu.memref_slice %arg2[%dma_start3A_11, %dma_start3A_12] : memref<10240x64xf32, #tpu.memory_space<hbm>> -> memref<10240x64xf32, #tpu.memory_space<hbm>>
    tpu.enqueue_indirect_dma source(%dma_start3A_13 : memref<10240x64xf32, #tpu.memory_space<hbm>>) target(%arg8 : memref<100x64xf32, #tpu.memory_space<vmem>>) offsets(%dma_start3A_10 : memref<100xi32, #tpu.memory_space<vmem>>) semaphore(%arg19 : memref<!tpu.dma_semaphore, #tpu.memory_space<semaphore_mem>>)
    %dma_start3A_14 = arith.constant 1 : i32
    %dma_start3A_15 = arith.constant 0 : i32
    %dma_start3A_16 = tpu.memref_slice %arg6[%dma_start3A_14, %dma_start3A_15] : memref<100x100xi32, #tpu.memory_space<vmem>> -> memref<1x100xi32, #tpu.memory_space<vmem>>
    %dma_start3A_17 = tpu.memref_squeeze %dma_start3A_16 : memref<1x100xi32, #tpu.memory_space<vmem>> -> memref<100xi32, #tpu.memory_space<vmem>>
    %dma_start3A_18 = arith.constant 0 : i32
    %dma_start3A_19 = arith.constant 0 : i32
    %dma_start3A_20 = tpu.memref_slice %arg2[%dma_start3A_18, %dma_start3A_19] : memref<10240x64xf32, #tpu.memory_space<hbm>> -> memref<10240x64xf32, #tpu.memory_space<hbm>>
    tpu.enqueue_indirect_dma source(%dma_start3A_20 : memref<10240x64xf32, #tpu.memory_space<hbm>>) target(%arg9 : memref<100x64xf32, #tpu.memory_space<vmem>>) offsets(%dma_start3A_17 : memref<100xi32, #tpu.memory_space<vmem>>) semaphore(%arg20 : memref<!tpu.dma_semaphore, #tpu.memory_space<semaphore_mem>>)
    %dma_start3A_21 = arith.constant 2 : i32
    %dma_start3A_22 = arith.constant 0 : i32
    %dma_start3A_23 = tpu.memref_slice %arg6[%dma_start3A_21, %dma_start3A_22] : memref<100x100xi32, #tpu.memory_space<vmem>> -> memref<1x100xi32, #tpu.memory_space<vmem>>
    %dma_start3A_24 = tpu.memref_squeeze %dma_start3A_23 : memref<1x100xi32, #tpu.memory_space<vmem>> -> memref<100xi32, #tpu.memory_space<vmem>>
    %dma_start3A_25 = arith.constant 0 : i32
    %dma_start3A_26 = arith.constant 0 : i32
    %dma_start3A_27 = tpu.memref_slice %arg2[%dma_start3A_25, %dma_start3A_26] : memref<10240x64xf32, #tpu.memory_space<hbm>> -> memref<10240x64xf32, #tpu.memory_space<hbm>>
    tpu.enqueue_indirect_dma source(%dma_start3A_27 : memref<10240x64xf32, #tpu.memory_space<hbm>>) target(%arg10 : memref<100x64xf32, #tpu.memory_space<vmem>>) offsets(%dma_start3A_24 : memref<100xi32, #tpu.memory_space<vmem>>) semaphore(%arg21 : memref<!tpu.dma_semaphore, #tpu.memory_space<semaphore_mem>>)
    %dma_start3A_28 = arith.constant 3 : i32
    %dma_start3A_29 = arith.constant 0 : i32
    %dma_start3A_30 = tpu.memref_slice %arg6[%dma_start3A_28, %dma_start3A_29] : memref<100x100xi32, #tpu.memory_space<vmem>> -> memref<1x100xi32, #tpu.memory_space<vmem>>
    %dma_start3A_31 = tpu.memref_squeeze %dma_start3A_30 : memref<1x100xi32, #tpu.memory_space<vmem>> -> memref<100xi32, #tpu.memory_space<vmem>>
    %dma_start3A_32 = arith.constant 0 : i32
    %dma_start3A_33 = arith.constant 0 : i32
    %dma_start3A_34 = tpu.memref_slice %arg2[%dma_start3A_32, %dma_start3A_33] : memref<10240x64xf32, #tpu.memory_space<hbm>> -> memref<10240x64xf32, #tpu.memory_space<hbm>>
    tpu.enqueue_indirect_dma source(%dma_start3A_34 : memref<10240x64xf32, #tpu.memory_space<hbm>>) target(%arg11 : memref<100x64xf32, #tpu.memory_space<vmem>>) offsets(%dma_start3A_31 : memref<100xi32, #tpu.memory_space<vmem>>) semaphore(%arg22 : memref<!tpu.dma_semaphore, #tpu.memory_space<semaphore_mem>>)
    %dma_start3A_35 = arith.constant 4 : i32
    %dma_start3A_36 = arith.constant 0 : i32
    %dma_start3A_37 = tpu.memref_slice %arg6[%dma_start3A_35, %dma_start3A_36] : memref<100x100xi32, #tpu.memory_space<vmem>> -> memref<1x100xi32, #tpu.memory_space<vmem>>
    %dma_start3A_38 = tpu.memref_squeeze %dma_start3A_37 : memref<1x100xi32, #tpu.memory_space<vmem>> -> memref<100xi32, #tpu.memory_space<vmem>>
    %dma_start3A_39 = arith.constant 0 : i32
    %dma_start3A_40 = arith.constant 0 : i32
    %dma_start3A_41 = tpu.memref_slice %arg2[%dma_start3A_39, %dma_start3A_40] : memref<10240x64xf32, #tpu.memory_space<hbm>> -> memref<10240x64xf32, #tpu.memory_space<hbm>>
    tpu.enqueue_indirect_dma source(%dma_start3A_41 : memref<10240x64xf32, #tpu.memory_space<hbm>>) target(%arg12 : memref<100x64xf32, #tpu.memory_space<vmem>>) offsets(%dma_start3A_38 : memref<100xi32, #tpu.memory_space<vmem>>) semaphore(%arg23 : memref<!tpu.dma_semaphore, #tpu.memory_space<semaphore_mem>>)
    %scan3A = arith.constant 0 : i32
    %scan3A_42 = arith.constant 10 : i32
    %scan3A_43 = arith.addi %scan3A, %scan3A_42 : i32
    %scan3A_44 = arith.constant 1 : i32
    scf.for %scan3A_123 = %scan3A to %scan3A_43 step %scan3A_44  : i32 {
      %mul3A_124 = arith.constant 10 : i32
      %mul3A_125 = arith.muli %scan3A_123, %mul3A_124 : i32
      %add3A_126 = arith.constant 0 : i32
      %add3A_127 = arith.addi %add3A_126, %mul3A_125 : i32
      %add3A_128 = arith.constant 0 : i32
      %add3A_129 = arith.addi %add3A_127, %add3A_128 : i32
      %dma_wait3A_130 = arith.constant 0 : i32
      %dma_wait3A_131 = arith.constant 0 : i32
      %dma_wait3A_132 = tpu.memref_slice %arg6[%dma_wait3A_130, %dma_wait3A_131] : memref<100x100xi32, #tpu.memory_space<vmem>> -> memref<1x100xi32, #tpu.memory_space<vmem>>
      %dma_wait3A_133 = tpu.memref_squeeze %dma_wait3A_132 : memref<1x100xi32, #tpu.memory_space<vmem>> -> memref<100xi32, #tpu.memory_space<vmem>>
      %dma_wait3A_134 = arith.constant 0 : i32
      %dma_wait3A_135 = arith.constant 0 : i32
      %dma_wait3A_136 = tpu.memref_slice %arg2[%dma_wait3A_134, %dma_wait3A_135] : memref<10240x64xf32, #tpu.memory_space<hbm>> -> memref<10240x64xf32, #tpu.memory_space<hbm>>
      tpu.wait_indirect_dma semaphore(%arg19 : memref<!tpu.dma_semaphore, #tpu.memory_space<semaphore_mem>>) src(%dma_wait3A_136 : memref<10240x64xf32, #tpu.memory_space<hbm>>) dst(%arg8 : memref<100x64xf32, #tpu.memory_space<vmem>>)
      %dma_start3A_137 = arith.constant 0 : i32
      %dma_start3A_138 = tpu.memref_slice %arg7[%add3A_129, %dma_start3A_137] : memref<100x100xi32, #tpu.memory_space<vmem>> -> memref<1x100xi32, #tpu.memory_space<vmem>>
      %dma_start3A_139 = tpu.memref_squeeze %dma_start3A_138 : memref<1x100xi32, #tpu.memory_space<vmem>> -> memref<100xi32, #tpu.memory_space<vmem>>
      %dma_start3A_140 = arith.constant 0 : i32
      %dma_start3A_141 = arith.constant 0 : i32
      %dma_start3A_142 = tpu.memref_slice %arg18[%dma_start3A_140, %dma_start3A_141] : memref<10240x64xf32, #tpu.memory_space<vmem_shared>> -> memref<10240x64xf32, #tpu.memory_space<vmem_shared>>
      tpu.enqueue_indirect_dma source(%arg8 : memref<100x64xf32, #tpu.memory_space<vmem>>) target(%dma_start3A_142 : memref<10240x64xf32, #tpu.memory_space<vmem_shared>>) offsets(%dma_start3A_139 : memref<100xi32, #tpu.memory_space<vmem>>) semaphore(%arg29 : memref<!tpu.dma_semaphore, #tpu.memory_space<semaphore_mem>>) {add = true}
      %add3A_143 = arith.constant 5 : i32
      %add3A_144 = arith.addi %add3A_129, %add3A_143 : i32
      %lt3A = arith.constant 100 : i32
      %lt3A_145 = arith.cmpi slt, %add3A_144, %lt3A : i32
      %convert_element_type3A_146 = arith.extui %lt3A_145 : i1 to i32
      %cond3A_147 = arith.constant 0 : i32
      %cond3A_148 = arith.cmpi ne, %convert_element_type3A_146, %cond3A_147 : i32
      scf.if %cond3A_148 {
        %ge3A = arith.constant 5 : i32
        %ge3A_347 = arith.cmpi sge, %add3A_129, %ge3A : i32
        %convert_element_type3A_348 = arith.extui %ge3A_347 : i1 to i32
        %cond3A_349 = arith.constant 0 : i32
        %cond3A_350 = arith.cmpi ne, %convert_element_type3A_348, %cond3A_349 : i32
        scf.if %cond3A_350 {
          %dma_wait3A_359 = arith.constant 0 : i32
          %dma_wait3A_360 = arith.constant 0 : i32
          %dma_wait3A_361 = tpu.memref_slice %arg7[%dma_wait3A_359, %dma_wait3A_360] : memref<100x100xi32, #tpu.memory_space<vmem>> -> memref<1x100xi32, #tpu.memory_space<vmem>>
          %dma_wait3A_362 = tpu.memref_squeeze %dma_wait3A_361 : memref<1x100xi32, #tpu.memory_space<vmem>> -> memref<100xi32, #tpu.memory_space<vmem>>
          %dma_wait3A_363 = arith.constant 0 : i32
          %dma_wait3A_364 = arith.constant 0 : i32
          %dma_wait3A_365 = tpu.memref_slice %arg18[%dma_wait3A_363, %dma_wait3A_364] : memref<10240x64xf32, #tpu.memory_space<vmem_shared>> -> memref<10240x64xf32, #tpu.memory_space<vmem_shared>>
          tpu.wait_indirect_dma semaphore(%arg34 : memref<!tpu.dma_semaphore, #tpu.memory_space<semaphore_mem>>) src(%arg13 : memref<100x64xf32, #tpu.memory_space<vmem>>) dst(%dma_wait3A_365 : memref<10240x64xf32, #tpu.memory_space<vmem_shared>>)
        } else {
        }
        %add3A_351 = arith.constant 5 : i32
        %add3A_352 = arith.addi %add3A_129, %add3A_351 : i32
        %dma_start3A_353 = arith.constant 0 : i32
        %dma_start3A_354 = tpu.memref_slice %arg6[%add3A_352, %dma_start3A_353] : memref<100x100xi32, #tpu.memory_space<vmem>> -> memref<1x100xi32, #tpu.memory_space<vmem>>
        %dma_start3A_355 = tpu.memref_squeeze %dma_start3A_354 : memref<1x100xi32, #tpu.memory_space<vmem>> -> memref<100xi32, #tpu.memory_space<vmem>>
        %dma_start3A_356 = arith.constant 0 : i32
        %dma_start3A_357 = arith.constant 0 : i32
        %dma_start3A_358 = tpu.memref_slice %arg2[%dma_start3A_356, %dma_start3A_357] : memref<10240x64xf32, #tpu.memory_space<hbm>> -> memref<10240x64xf32, #tpu.memory_space<hbm>>
        tpu.enqueue_indirect_dma source(%dma_start3A_358 : memref<10240x64xf32, #tpu.memory_space<hbm>>) target(%arg13 : memref<100x64xf32, #tpu.memory_space<vmem>>) offsets(%dma_start3A_355 : memref<100xi32, #tpu.memory_space<vmem>>) semaphore(%arg24 : memref<!tpu.dma_semaphore, #tpu.memory_space<semaphore_mem>>)
      } else {
      }
      %add3A_149 = arith.constant 1 : i32
      %add3A_150 = arith.addi %add3A_127, %add3A_149 : i32
      %dma_wait3A_151 = arith.constant 0 : i32
      %dma_wait3A_152 = arith.constant 0 : i32
      %dma_wait3A_153 = tpu.memref_slice %arg6[%dma_wait3A_151, %dma_wait3A_152] : memref<100x100xi32, #tpu.memory_space<vmem>> -> memref<1x100xi32, #tpu.memory_space<vmem>>
      %dma_wait3A_154 = tpu.memref_squeeze %dma_wait3A_153 : memref<1x100xi32, #tpu.memory_space<vmem>> -> memref<100xi32, #tpu.memory_space<vmem>>
      %dma_wait3A_155 = arith.constant 0 : i32
      %dma_wait3A_156 = arith.constant 0 : i32
      %dma_wait3A_157 = tpu.memref_slice %arg2[%dma_wait3A_155, %dma_wait3A_156] : memref<10240x64xf32, #tpu.memory_space<hbm>> -> memref<10240x64xf32, #tpu.memory_space<hbm>>
      tpu.wait_indirect_dma semaphore(%arg20 : memref<!tpu.dma_semaphore, #tpu.memory_space<semaphore_mem>>) src(%dma_wait3A_157 : memref<10240x64xf32, #tpu.memory_space<hbm>>) dst(%arg9 : memref<100x64xf32, #tpu.memory_space<vmem>>)
      %dma_start3A_158 = arith.constant 0 : i32
      %dma_start3A_159 = tpu.memref_slice %arg7[%add3A_150, %dma_start3A_158] : memref<100x100xi32, #tpu.memory_space<vmem>> -> memref<1x100xi32, #tpu.memory_space<vmem>>
      %dma_start3A_160 = tpu.memref_squeeze %dma_start3A_159 : memref<1x100xi32, #tpu.memory_space<vmem>> -> memref<100xi32, #tpu.memory_space<vmem>>
      %dma_start3A_161 = arith.constant 0 : i32
      %dma_start3A_162 = arith.constant 0 : i32
      %dma_start3A_163 = tpu.memref_slice %arg18[%dma_start3A_161, %dma_start3A_162] : memref<10240x64xf32, #tpu.memory_space<vmem_shared>> -> memref<10240x64xf32, #tpu.memory_space<vmem_shared>>
      tpu.enqueue_indirect_dma source(%arg9 : memref<100x64xf32, #tpu.memory_space<vmem>>) target(%dma_start3A_163 : memref<10240x64xf32, #tpu.memory_space<vmem_shared>>) offsets(%dma_start3A_160 : memref<100xi32, #tpu.memory_space<vmem>>) semaphore(%arg30 : memref<!tpu.dma_semaphore, #tpu.memory_space<semaphore_mem>>) {add = true}
      %add3A_164 = arith.constant 5 : i32
      %add3A_165 = arith.addi %add3A_150, %add3A_164 : i32
      %lt3A_166 = arith.constant 100 : i32
      %lt3A_167 = arith.cmpi slt, %add3A_165, %lt3A_166 : i32
      %convert_element_type3A_168 = arith.extui %lt3A_167 : i1 to i32
      %cond3A_169 = arith.constant 0 : i32
      %cond3A_170 = arith.cmpi ne, %convert_element_type3A_168, %cond3A_169 : i32
      scf.if %cond3A_170 {
        %ge3A = arith.constant 5 : i32
        %ge3A_347 = arith.cmpi sge, %add3A_150, %ge3A : i32
        %convert_element_type3A_348 = arith.extui %ge3A_347 : i1 to i32
        %cond3A_349 = arith.constant 0 : i32
        %cond3A_350 = arith.cmpi ne, %convert_element_type3A_348, %cond3A_349 : i32
        scf.if %cond3A_350 {
          %dma_wait3A_359 = arith.constant 0 : i32
          %dma_wait3A_360 = arith.constant 0 : i32
          %dma_wait3A_361 = tpu.memref_slice %arg7[%dma_wait3A_359, %dma_wait3A_360] : memref<100x100xi32, #tpu.memory_space<vmem>> -> memref<1x100xi32, #tpu.memory_space<vmem>>
          %dma_wait3A_362 = tpu.memref_squeeze %dma_wait3A_361 : memref<1x100xi32, #tpu.memory_space<vmem>> -> memref<100xi32, #tpu.memory_space<vmem>>
          %dma_wait3A_363 = arith.constant 0 : i32
          %dma_wait3A_364 = arith.constant 0 : i32
          %dma_wait3A_365 = tpu.memref_slice %arg18[%dma_wait3A_363, %dma_wait3A_364] : memref<10240x64xf32, #tpu.memory_space<vmem_shared>> -> memref<10240x64xf32, #tpu.memory_space<vmem_shared>>
          tpu.wait_indirect_dma semaphore(%arg35 : memref<!tpu.dma_semaphore, #tpu.memory_space<semaphore_mem>>) src(%arg14 : memref<100x64xf32, #tpu.memory_space<vmem>>) dst(%dma_wait3A_365 : memref<10240x64xf32, #tpu.memory_space<vmem_shared>>)
        } else {
        }
        %add3A_351 = arith.constant 5 : i32
        %add3A_352 = arith.addi %add3A_150, %add3A_351 : i32
        %dma_start3A_353 = arith.constant 0 : i32
        %dma_start3A_354 = tpu.memref_slice %arg6[%add3A_352, %dma_start3A_353] : memref<100x100xi32, #tpu.memory_space<vmem>> -> memref<1x100xi32, #tpu.memory_space<vmem>>
        %dma_start3A_355 = tpu.memref_squeeze %dma_start3A_354 : memref<1x100xi32, #tpu.memory_space<vmem>> -> memref<100xi32, #tpu.memory_space<vmem>>
        %dma_start3A_356 = arith.constant 0 : i32
        %dma_start3A_357 = arith.constant 0 : i32
        %dma_start3A_358 = tpu.memref_slice %arg2[%dma_start3A_356, %dma_start3A_357] : memref<10240x64xf32, #tpu.memory_space<hbm>> -> memref<10240x64xf32, #tpu.memory_space<hbm>>
        tpu.enqueue_indirect_dma source(%dma_start3A_358 : memref<10240x64xf32, #tpu.memory_space<hbm>>) target(%arg14 : memref<100x64xf32, #tpu.memory_space<vmem>>) offsets(%dma_start3A_355 : memref<100xi32, #tpu.memory_space<vmem>>) semaphore(%arg25 : memref<!tpu.dma_semaphore, #tpu.memory_space<semaphore_mem>>)
      } else {
      }
      %add3A_171 = arith.constant 2 : i32
      %add3A_172 = arith.addi %add3A_127, %add3A_171 : i32
      %dma_wait3A_173 = arith.constant 0 : i32
      %dma_wait3A_174 = arith.constant 0 : i32
      %dma_wait3A_175 = tpu.memref_slice %arg6[%dma_wait3A_173, %dma_wait3A_174] : memref<100x100xi32, #tpu.memory_space<vmem>> -> memref<1x100xi32, #tpu.memory_space<vmem>>
      %dma_wait3A_176 = tpu.memref_squeeze %dma_wait3A_175 : memref<1x100xi32, #tpu.memory_space<vmem>> -> memref<100xi32, #tpu.memory_space<vmem>>
      %dma_wait3A_177 = arith.constant 0 : i32
      %dma_wait3A_178 = arith.constant 0 : i32
      %dma_wait3A_179 = tpu.memref_slice %arg2[%dma_wait3A_177, %dma_wait3A_178] : memref<10240x64xf32, #tpu.memory_space<hbm>> -> memref<10240x64xf32, #tpu.memory_space<hbm>>
      tpu.wait_indirect_dma semaphore(%arg21 : memref<!tpu.dma_semaphore, #tpu.memory_space<semaphore_mem>>) src(%dma_wait3A_179 : memref<10240x64xf32, #tpu.memory_space<hbm>>) dst(%arg10 : memref<100x64xf32, #tpu.memory_space<vmem>>)
      %dma_start3A_180 = arith.constant 0 : i32
      %dma_start3A_181 = tpu.memref_slice %arg7[%add3A_172, %dma_start3A_180] : memref<100x100xi32, #tpu.memory_space<vmem>> -> memref<1x100xi32, #tpu.memory_space<vmem>>
      %dma_start3A_182 = tpu.memref_squeeze %dma_start3A_181 : memref<1x100xi32, #tpu.memory_space<vmem>> -> memref<100xi32, #tpu.memory_space<vmem>>
      %dma_start3A_183 = arith.constant 0 : i32
      %dma_start3A_184 = arith.constant 0 : i32
      %dma_start3A_185 = tpu.memref_slice %arg18[%dma_start3A_183, %dma_start3A_184] : memref<10240x64xf32, #tpu.memory_space<vmem_shared>> -> memref<10240x64xf32, #tpu.memory_space<vmem_shared>>
      tpu.enqueue_indirect_dma source(%arg10 : memref<100x64xf32, #tpu.memory_space<vmem>>) target(%dma_start3A_185 : memref<10240x64xf32, #tpu.memory_space<vmem_shared>>) offsets(%dma_start3A_182 : memref<100xi32, #tpu.memory_space<vmem>>) semaphore(%arg31 : memref<!tpu.dma_semaphore, #tpu.memory_space<semaphore_mem>>) {add = true}
      %add3A_186 = arith.constant 5 : i32
      %add3A_187 = arith.addi %add3A_172, %add3A_186 : i32
      %lt3A_188 = arith.constant 100 : i32
      %lt3A_189 = arith.cmpi slt, %add3A_187, %lt3A_188 : i32
      %convert_element_type3A_190 = arith.extui %lt3A_189 : i1 to i32
      %cond3A_191 = arith.constant 0 : i32
      %cond3A_192 = arith.cmpi ne, %convert_element_type3A_190, %cond3A_191 : i32
      scf.if %cond3A_192 {
        %ge3A = arith.constant 5 : i32
        %ge3A_347 = arith.cmpi sge, %add3A_172, %ge3A : i32
        %convert_element_type3A_348 = arith.extui %ge3A_347 : i1 to i32
        %cond3A_349 = arith.constant 0 : i32
        %cond3A_350 = arith.cmpi ne, %convert_element_type3A_348, %cond3A_349 : i32
        scf.if %cond3A_350 {
          %dma_wait3A_359 = arith.constant 0 : i32
          %dma_wait3A_360 = arith.constant 0 : i32
          %dma_wait3A_361 = tpu.memref_slice %arg7[%dma_wait3A_359, %dma_wait3A_360] : memref<100x100xi32, #tpu.memory_space<vmem>> -> memref<1x100xi32, #tpu.memory_space<vmem>>
          %dma_wait3A_362 = tpu.memref_squeeze %dma_wait3A_361 : memref<1x100xi32, #tpu.memory_space<vmem>> -> memref<100xi32, #tpu.memory_space<vmem>>
          %dma_wait3A_363 = arith.constant 0 : i32
          %dma_wait3A_364 = arith.constant 0 : i32
          %dma_wait3A_365 = tpu.memref_slice %arg18[%dma_wait3A_363, %dma_wait3A_364] : memref<10240x64xf32, #tpu.memory_space<vmem_shared>> -> memref<10240x64xf32, #tpu.memory_space<vmem_shared>>
          tpu.wait_indirect_dma semaphore(%arg36 : memref<!tpu.dma_semaphore, #tpu.memory_space<semaphore_mem>>) src(%arg15 : memref<100x64xf32, #tpu.memory_space<vmem>>) dst(%dma_wait3A_365 : memref<10240x64xf32, #tpu.memory_space<vmem_shared>>)
        } else {
        }
        %add3A_351 = arith.constant 5 : i32
        %add3A_352 = arith.addi %add3A_172, %add3A_351 : i32
        %dma_start3A_353 = arith.constant 0 : i32
        %dma_start3A_354 = tpu.memref_slice %arg6[%add3A_352, %dma_start3A_353] : memref<100x100xi32, #tpu.memory_space<vmem>> -> memref<1x100xi32, #tpu.memory_space<vmem>>
        %dma_start3A_355 = tpu.memref_squeeze %dma_start3A_354 : memref<1x100xi32, #tpu.memory_space<vmem>> -> memref<100xi32, #tpu.memory_space<vmem>>
        %dma_start3A_356 = arith.constant 0 : i32
        %dma_start3A_357 = arith.constant 0 : i32
        %dma_start3A_358 = tpu.memref_slice %arg2[%dma_start3A_356, %dma_start3A_357] : memref<10240x64xf32, #tpu.memory_space<hbm>> -> memref<10240x64xf32, #tpu.memory_space<hbm>>
        tpu.enqueue_indirect_dma source(%dma_start3A_358 : memref<10240x64xf32, #tpu.memory_space<hbm>>) target(%arg15 : memref<100x64xf32, #tpu.memory_space<vmem>>) offsets(%dma_start3A_355 : memref<100xi32, #tpu.memory_space<vmem>>) semaphore(%arg26 : memref<!tpu.dma_semaphore, #tpu.memory_space<semaphore_mem>>)
      } else {
      }
      %add3A_193 = arith.constant 3 : i32
      %add3A_194 = arith.addi %add3A_127, %add3A_193 : i32
      %dma_wait3A_195 = arith.constant 0 : i32
      %dma_wait3A_196 = arith.constant 0 : i32
      %dma_wait3A_197 = tpu.memref_slice %arg6[%dma_wait3A_195, %dma_wait3A_196] : memref<100x100xi32, #tpu.memory_space<vmem>> -> memref<1x100xi32, #tpu.memory_space<vmem>>
      %dma_wait3A_198 = tpu.memref_squeeze %dma_wait3A_197 : memref<1x100xi32, #tpu.memory_space<vmem>> -> memref<100xi32, #tpu.memory_space<vmem>>
      %dma_wait3A_199 = arith.constant 0 : i32
      %dma_wait3A_200 = arith.constant 0 : i32
      %dma_wait3A_201 = tpu.memref_slice %arg2[%dma_wait3A_199, %dma_wait3A_200] : memref<10240x64xf32, #tpu.memory_space<hbm>> -> memref<10240x64xf32, #tpu.memory_space<hbm>>
      tpu.wait_indirect_dma semaphore(%arg22 : memref<!tpu.dma_semaphore, #tpu.memory_space<semaphore_mem>>) src(%dma_wait3A_201 : memref<10240x64xf32, #tpu.memory_space<hbm>>) dst(%arg11 : memref<100x64xf32, #tpu.memory_space<vmem>>)
      %dma_start3A_202 = arith.constant 0 : i32
      %dma_start3A_203 = tpu.memref_slice %arg7[%add3A_194, %dma_start3A_202] : memref<100x100xi32, #tpu.memory_space<vmem>> -> memref<1x100xi32, #tpu.memory_space<vmem>>
      %dma_start3A_204 = tpu.memref_squeeze %dma_start3A_203 : memref<1x100xi32, #tpu.memory_space<vmem>> -> memref<100xi32, #tpu.memory_space<vmem>>
      %dma_start3A_205 = arith.constant 0 : i32
      %dma_start3A_206 = arith.constant 0 : i32
      %dma_start3A_207 = tpu.memref_slice %arg18[%dma_start3A_205, %dma_start3A_206] : memref<10240x64xf32, #tpu.memory_space<vmem_shared>> -> memref<10240x64xf32, #tpu.memory_space<vmem_shared>>
      tpu.enqueue_indirect_dma source(%arg11 : memref<100x64xf32, #tpu.memory_space<vmem>>) target(%dma_start3A_207 : memref<10240x64xf32, #tpu.memory_space<vmem_shared>>) offsets(%dma_start3A_204 : memref<100xi32, #tpu.memory_space<vmem>>) semaphore(%arg32 : memref<!tpu.dma_semaphore, #tpu.memory_space<semaphore_mem>>) {add = true}
      %add3A_208 = arith.constant 5 : i32
      %add3A_209 = arith.addi %add3A_194, %add3A_208 : i32
      %lt3A_210 = arith.constant 100 : i32
      %lt3A_211 = arith.cmpi slt, %add3A_209, %lt3A_210 : i32
      %convert_element_type3A_212 = arith.extui %lt3A_211 : i1 to i32
      %cond3A_213 = arith.constant 0 : i32
      %cond3A_214 = arith.cmpi ne, %convert_element_type3A_212, %cond3A_213 : i32
      scf.if %cond3A_214 {
        %ge3A = arith.constant 5 : i32
        %ge3A_347 = arith.cmpi sge, %add3A_194, %ge3A : i32
        %convert_element_type3A_348 = arith.extui %ge3A_347 : i1 to i32
        %cond3A_349 = arith.constant 0 : i32
        %cond3A_350 = arith.cmpi ne, %convert_element_type3A_348, %cond3A_349 : i32
        scf.if %cond3A_350 {
          %dma_wait3A_359 = arith.constant 0 : i32
          %dma_wait3A_360 = arith.constant 0 : i32
          %dma_wait3A_361 = tpu.memref_slice %arg7[%dma_wait3A_359, %dma_wait3A_360] : memref<100x100xi32, #tpu.memory_space<vmem>> -> memref<1x100xi32, #tpu.memory_space<vmem>>
          %dma_wait3A_362 = tpu.memref_squeeze %dma_wait3A_361 : memref<1x100xi32, #tpu.memory_space<vmem>> -> memref<100xi32, #tpu.memory_space<vmem>>
          %dma_wait3A_363 = arith.constant 0 : i32
          %dma_wait3A_364 = arith.constant 0 : i32
          %dma_wait3A_365 = tpu.memref_slice %arg18[%dma_wait3A_363, %dma_wait3A_364] : memref<10240x64xf32, #tpu.memory_space<vmem_shared>> -> memref<10240x64xf32, #tpu.memory_space<vmem_shared>>
          tpu.wait_indirect_dma semaphore(%arg37 : memref<!tpu.dma_semaphore, #tpu.memory_space<semaphore_mem>>) src(%arg16 : memref<100x64xf32, #tpu.memory_space<vmem>>) dst(%dma_wait3A_365 : memref<10240x64xf32, #tpu.memory_space<vmem_shared>>)
        } else {
        }
        %add3A_351 = arith.constant 5 : i32
        %add3A_352 = arith.addi %add3A_194, %add3A_351 : i32
        %dma_start3A_353 = arith.constant 0 : i32
        %dma_start3A_354 = tpu.memref_slice %arg6[%add3A_352, %dma_start3A_353] : memref<100x100xi32, #tpu.memory_space<vmem>> -> memref<1x100xi32, #tpu.memory_space<vmem>>
        %dma_start3A_355 = tpu.memref_squeeze %dma_start3A_354 : memref<1x100xi32, #tpu.memory_space<vmem>> -> memref<100xi32, #tpu.memory_space<vmem>>
        %dma_start3A_356 = arith.constant 0 : i32
        %dma_start3A_357 = arith.constant 0 : i32
        %dma_start3A_358 = tpu.memref_slice %arg2[%dma_start3A_356, %dma_start3A_357] : memref<10240x64xf32, #tpu.memory_space<hbm>> -> memref<10240x64xf32, #tpu.memory_space<hbm>>
        tpu.enqueue_indirect_dma source(%dma_start3A_358 : memref<10240x64xf32, #tpu.memory_space<hbm>>) target(%arg16 : memref<100x64xf32, #tpu.memory_space<vmem>>) offsets(%dma_start3A_355 : memref<100xi32, #tpu.memory_space<vmem>>) semaphore(%arg27 : memref<!tpu.dma_semaphore, #tpu.memory_space<semaphore_mem>>)
      } else {
      }
      %add3A_215 = arith.constant 4 : i32
      %add3A_216 = arith.addi %add3A_127, %add3A_215 : i32
      %dma_wait3A_217 = arith.constant 0 : i32
      %dma_wait3A_218 = arith.constant 0 : i32
      %dma_wait3A_219 = tpu.memref_slice %arg6[%dma_wait3A_217, %dma_wait3A_218] : memref<100x100xi32, #tpu.memory_space<vmem>> -> memref<1x100xi32, #tpu.memory_space<vmem>>
      %dma_wait3A_220 = tpu.memref_squeeze %dma_wait3A_219 : memref<1x100xi32, #tpu.memory_space<vmem>> -> memref<100xi32, #tpu.memory_space<vmem>>
      %dma_wait3A_221 = arith.constant 0 : i32
      %dma_wait3A_222 = arith.constant 0 : i32
      %dma_wait3A_223 = tpu.memref_slice %arg2[%dma_wait3A_221, %dma_wait3A_222] : memref<10240x64xf32, #tpu.memory_space<hbm>> -> memref<10240x64xf32, #tpu.memory_space<hbm>>
      tpu.wait_indirect_dma semaphore(%arg23 : memref<!tpu.dma_semaphore, #tpu.memory_space<semaphore_mem>>) src(%dma_wait3A_223 : memref<10240x64xf32, #tpu.memory_space<hbm>>) dst(%arg12 : memref<100x64xf32, #tpu.memory_space<vmem>>)
      %dma_start3A_224 = arith.constant 0 : i32
      %dma_start3A_225 = tpu.memref_slice %arg7[%add3A_216, %dma_start3A_224] : memref<100x100xi32, #tpu.memory_space<vmem>> -> memref<1x100xi32, #tpu.memory_space<vmem>>
      %dma_start3A_226 = tpu.memref_squeeze %dma_start3A_225 : memref<1x100xi32, #tpu.memory_space<vmem>> -> memref<100xi32, #tpu.memory_space<vmem>>
      %dma_start3A_227 = arith.constant 0 : i32
      %dma_start3A_228 = arith.constant 0 : i32
      %dma_start3A_229 = tpu.memref_slice %arg18[%dma_start3A_227, %dma_start3A_228] : memref<10240x64xf32, #tpu.memory_space<vmem_shared>> -> memref<10240x64xf32, #tpu.memory_space<vmem_shared>>
      tpu.enqueue_indirect_dma source(%arg12 : memref<100x64xf32, #tpu.memory_space<vmem>>) target(%dma_start3A_229 : memref<10240x64xf32, #tpu.memory_space<vmem_shared>>) offsets(%dma_start3A_226 : memref<100xi32, #tpu.memory_space<vmem>>) semaphore(%arg33 : memref<!tpu.dma_semaphore, #tpu.memory_space<semaphore_mem>>) {add = true}
      %add3A_230 = arith.constant 5 : i32
      %add3A_231 = arith.addi %add3A_216, %add3A_230 : i32
      %lt3A_232 = arith.constant 100 : i32
      %lt3A_233 = arith.cmpi slt, %add3A_231, %lt3A_232 : i32
      %convert_element_type3A_234 = arith.extui %lt3A_233 : i1 to i32
      %cond3A_235 = arith.constant 0 : i32
      %cond3A_236 = arith.cmpi ne, %convert_element_type3A_234, %cond3A_235 : i32
      scf.if %cond3A_236 {
        %ge3A = arith.constant 5 : i32
        %ge3A_347 = arith.cmpi sge, %add3A_216, %ge3A : i32
        %convert_element_type3A_348 = arith.extui %ge3A_347 : i1 to i32
        %cond3A_349 = arith.constant 0 : i32
        %cond3A_350 = arith.cmpi ne, %convert_element_type3A_348, %cond3A_349 : i32
        scf.if %cond3A_350 {
          %dma_wait3A_359 = arith.constant 0 : i32
          %dma_wait3A_360 = arith.constant 0 : i32
          %dma_wait3A_361 = tpu.memref_slice %arg7[%dma_wait3A_359, %dma_wait3A_360] : memref<100x100xi32, #tpu.memory_space<vmem>> -> memref<1x100xi32, #tpu.memory_space<vmem>>
          %dma_wait3A_362 = tpu.memref_squeeze %dma_wait3A_361 : memref<1x100xi32, #tpu.memory_space<vmem>> -> memref<100xi32, #tpu.memory_space<vmem>>
          %dma_wait3A_363 = arith.constant 0 : i32
          %dma_wait3A_364 = arith.constant 0 : i32
          %dma_wait3A_365 = tpu.memref_slice %arg18[%dma_wait3A_363, %dma_wait3A_364] : memref<10240x64xf32, #tpu.memory_space<vmem_shared>> -> memref<10240x64xf32, #tpu.memory_space<vmem_shared>>
          tpu.wait_indirect_dma semaphore(%arg38 : memref<!tpu.dma_semaphore, #tpu.memory_space<semaphore_mem>>) src(%arg17 : memref<100x64xf32, #tpu.memory_space<vmem>>) dst(%dma_wait3A_365 : memref<10240x64xf32, #tpu.memory_space<vmem_shared>>)
        } else {
        }
        %add3A_351 = arith.constant 5 : i32
        %add3A_352 = arith.addi %add3A_216, %add3A_351 : i32
        %dma_start3A_353 = arith.constant 0 : i32
        %dma_start3A_354 = tpu.memref_slice %arg6[%add3A_352, %dma_start3A_353] : memref<100x100xi32, #tpu.memory_space<vmem>> -> memref<1x100xi32, #tpu.memory_space<vmem>>
        %dma_start3A_355 = tpu.memref_squeeze %dma_start3A_354 : memref<1x100xi32, #tpu.memory_space<vmem>> -> memref<100xi32, #tpu.memory_space<vmem>>
        %dma_start3A_356 = arith.constant 0 : i32
        %dma_start3A_357 = arith.constant 0 : i32
        %dma_start3A_358 = tpu.memref_slice %arg2[%dma_start3A_356, %dma_start3A_357] : memref<10240x64xf32, #tpu.memory_space<hbm>> -> memref<10240x64xf32, #tpu.memory_space<hbm>>
        tpu.enqueue_indirect_dma source(%dma_start3A_358 : memref<10240x64xf32, #tpu.memory_space<hbm>>) target(%arg17 : memref<100x64xf32, #tpu.memory_space<vmem>>) offsets(%dma_start3A_355 : memref<100xi32, #tpu.memory_space<vmem>>) semaphore(%arg28 : memref<!tpu.dma_semaphore, #tpu.memory_space<semaphore_mem>>)
      } else {
      }
      %add3A_237 = arith.constant 5 : i32
      %add3A_238 = arith.addi %add3A_127, %add3A_237 : i32
      %dma_wait3A_239 = arith.constant 0 : i32
      %dma_wait3A_240 = arith.constant 0 : i32
      %dma_wait3A_241 = tpu.memref_slice %arg6[%dma_wait3A_239, %dma_wait3A_240] : memref<100x100xi32, #tpu.memory_space<vmem>> -> memref<1x100xi32, #tpu.memory_space<vmem>>
      %dma_wait3A_242 = tpu.memref_squeeze %dma_wait3A_241 : memref<1x100xi32, #tpu.memory_space<vmem>> -> memref<100xi32, #tpu.memory_space<vmem>>
      %dma_wait3A_243 = arith.constant 0 : i32
      %dma_wait3A_244 = arith.constant 0 : i32
      %dma_wait3A_245 = tpu.memref_slice %arg2[%dma_wait3A_243, %dma_wait3A_244] : memref<10240x64xf32, #tpu.memory_space<hbm>> -> memref<10240x64xf32, #tpu.memory_space<hbm>>
      tpu.wait_indirect_dma semaphore(%arg24 : memref<!tpu.dma_semaphore, #tpu.memory_space<semaphore_mem>>) src(%dma_wait3A_245 : memref<10240x64xf32, #tpu.memory_space<hbm>>) dst(%arg13 : memref<100x64xf32, #tpu.memory_space<vmem>>)
      %dma_start3A_246 = arith.constant 0 : i32
      %dma_start3A_247 = tpu.memref_slice %arg7[%add3A_238, %dma_start3A_246] : memref<100x100xi32, #tpu.memory_space<vmem>> -> memref<1x100xi32, #tpu.memory_space<vmem>>
      %dma_start3A_248 = tpu.memref_squeeze %dma_start3A_247 : memref<1x100xi32, #tpu.memory_space<vmem>> -> memref<100xi32, #tpu.memory_space<vmem>>
      %dma_start3A_249 = arith.constant 0 : i32
      %dma_start3A_250 = arith.constant 0 : i32
      %dma_start3A_251 = tpu.memref_slice %arg18[%dma_start3A_249, %dma_start3A_250] : memref<10240x64xf32, #tpu.memory_space<vmem_shared>> -> memref<10240x64xf32, #tpu.memory_space<vmem_shared>>
      tpu.enqueue_indirect_dma source(%arg13 : memref<100x64xf32, #tpu.memory_space<vmem>>) target(%dma_start3A_251 : memref<10240x64xf32, #tpu.memory_space<vmem_shared>>) offsets(%dma_start3A_248 : memref<100xi32, #tpu.memory_space<vmem>>) semaphore(%arg34 : memref<!tpu.dma_semaphore, #tpu.memory_space<semaphore_mem>>) {add = true}
      %add3A_252 = arith.constant 5 : i32
      %add3A_253 = arith.addi %add3A_238, %add3A_252 : i32
      %lt3A_254 = arith.constant 100 : i32
      %lt3A_255 = arith.cmpi slt, %add3A_253, %lt3A_254 : i32
      %convert_element_type3A_256 = arith.extui %lt3A_255 : i1 to i32
      %cond3A_257 = arith.constant 0 : i32
      %cond3A_258 = arith.cmpi ne, %convert_element_type3A_256, %cond3A_257 : i32
      scf.if %cond3A_258 {
        %ge3A = arith.constant 5 : i32
        %ge3A_347 = arith.cmpi sge, %add3A_238, %ge3A : i32
        %convert_element_type3A_348 = arith.extui %ge3A_347 : i1 to i32
        %cond3A_349 = arith.constant 0 : i32
        %cond3A_350 = arith.cmpi ne, %convert_element_type3A_348, %cond3A_349 : i32
        scf.if %cond3A_350 {
          %dma_wait3A_359 = arith.constant 0 : i32
          %dma_wait3A_360 = arith.constant 0 : i32
          %dma_wait3A_361 = tpu.memref_slice %arg7[%dma_wait3A_359, %dma_wait3A_360] : memref<100x100xi32, #tpu.memory_space<vmem>> -> memref<1x100xi32, #tpu.memory_space<vmem>>
          %dma_wait3A_362 = tpu.memref_squeeze %dma_wait3A_361 : memref<1x100xi32, #tpu.memory_space<vmem>> -> memref<100xi32, #tpu.memory_space<vmem>>
          %dma_wait3A_363 = arith.constant 0 : i32
          %dma_wait3A_364 = arith.constant 0 : i32
          %dma_wait3A_365 = tpu.memref_slice %arg18[%dma_wait3A_363, %dma_wait3A_364] : memref<10240x64xf32, #tpu.memory_space<vmem_shared>> -> memref<10240x64xf32, #tpu.memory_space<vmem_shared>>
          tpu.wait_indirect_dma semaphore(%arg29 : memref<!tpu.dma_semaphore, #tpu.memory_space<semaphore_mem>>) src(%arg8 : memref<100x64xf32, #tpu.memory_space<vmem>>) dst(%dma_wait3A_365 : memref<10240x64xf32, #tpu.memory_space<vmem_shared>>)
        } else {
        }
        %add3A_351 = arith.constant 5 : i32
        %add3A_352 = arith.addi %add3A_238, %add3A_351 : i32
        %dma_start3A_353 = arith.constant 0 : i32
        %dma_start3A_354 = tpu.memref_slice %arg6[%add3A_352, %dma_start3A_353] : memref<100x100xi32, #tpu.memory_space<vmem>> -> memref<1x100xi32, #tpu.memory_space<vmem>>
        %dma_start3A_355 = tpu.memref_squeeze %dma_start3A_354 : memref<1x100xi32, #tpu.memory_space<vmem>> -> memref<100xi32, #tpu.memory_space<vmem>>
        %dma_start3A_356 = arith.constant 0 : i32
        %dma_start3A_357 = arith.constant 0 : i32
        %dma_start3A_358 = tpu.memref_slice %arg2[%dma_start3A_356, %dma_start3A_357] : memref<10240x64xf32, #tpu.memory_space<hbm>> -> memref<10240x64xf32, #tpu.memory_space<hbm>>
        tpu.enqueue_indirect_dma source(%dma_start3A_358 : memref<10240x64xf32, #tpu.memory_space<hbm>>) target(%arg8 : memref<100x64xf32, #tpu.memory_space<vmem>>) offsets(%dma_start3A_355 : memref<100xi32, #tpu.memory_space<vmem>>) semaphore(%arg19 : memref<!tpu.dma_semaphore, #tpu.memory_space<semaphore_mem>>)
      } else {
      }
      %add3A_259 = arith.constant 6 : i32
      %add3A_260 = arith.addi %add3A_127, %add3A_259 : i32
      %dma_wait3A_261 = arith.constant 0 : i32
      %dma_wait3A_262 = arith.constant 0 : i32
      %dma_wait3A_263 = tpu.memref_slice %arg6[%dma_wait3A_261, %dma_wait3A_262] : memref<100x100xi32, #tpu.memory_space<vmem>> -> memref<1x100xi32, #tpu.memory_space<vmem>>
      %dma_wait3A_264 = tpu.memref_squeeze %dma_wait3A_263 : memref<1x100xi32, #tpu.memory_space<vmem>> -> memref<100xi32, #tpu.memory_space<vmem>>
      %dma_wait3A_265 = arith.constant 0 : i32
      %dma_wait3A_266 = arith.constant 0 : i32
      %dma_wait3A_267 = tpu.memref_slice %arg2[%dma_wait3A_265, %dma_wait3A_266] : memref<10240x64xf32, #tpu.memory_space<hbm>> -> memref<10240x64xf32, #tpu.memory_space<hbm>>
      tpu.wait_indirect_dma semaphore(%arg25 : memref<!tpu.dma_semaphore, #tpu.memory_space<semaphore_mem>>) src(%dma_wait3A_267 : memref<10240x64xf32, #tpu.memory_space<hbm>>) dst(%arg14 : memref<100x64xf32, #tpu.memory_space<vmem>>)
      %dma_start3A_268 = arith.constant 0 : i32
      %dma_start3A_269 = tpu.memref_slice %arg7[%add3A_260, %dma_start3A_268] : memref<100x100xi32, #tpu.memory_space<vmem>> -> memref<1x100xi32, #tpu.memory_space<vmem>>
      %dma_start3A_270 = tpu.memref_squeeze %dma_start3A_269 : memref<1x100xi32, #tpu.memory_space<vmem>> -> memref<100xi32, #tpu.memory_space<vmem>>
      %dma_start3A_271 = arith.constant 0 : i32
      %dma_start3A_272 = arith.constant 0 : i32
      %dma_start3A_273 = tpu.memref_slice %arg18[%dma_start3A_271, %dma_start3A_272] : memref<10240x64xf32, #tpu.memory_space<vmem_shared>> -> memref<10240x64xf32, #tpu.memory_space<vmem_shared>>
      tpu.enqueue_indirect_dma source(%arg14 : memref<100x64xf32, #tpu.memory_space<vmem>>) target(%dma_start3A_273 : memref<10240x64xf32, #tpu.memory_space<vmem_shared>>) offsets(%dma_start3A_270 : memref<100xi32, #tpu.memory_space<vmem>>) semaphore(%arg35 : memref<!tpu.dma_semaphore, #tpu.memory_space<semaphore_mem>>) {add = true}
      %add3A_274 = arith.constant 5 : i32
      %add3A_275 = arith.addi %add3A_260, %add3A_274 : i32
      %lt3A_276 = arith.constant 100 : i32
      %lt3A_277 = arith.cmpi slt, %add3A_275, %lt3A_276 : i32
      %convert_element_type3A_278 = arith.extui %lt3A_277 : i1 to i32
      %cond3A_279 = arith.constant 0 : i32
      %cond3A_280 = arith.cmpi ne, %convert_element_type3A_278, %cond3A_279 : i32
      scf.if %cond3A_280 {
        %ge3A = arith.constant 5 : i32
        %ge3A_347 = arith.cmpi sge, %add3A_260, %ge3A : i32
        %convert_element_type3A_348 = arith.extui %ge3A_347 : i1 to i32
        %cond3A_349 = arith.constant 0 : i32
        %cond3A_350 = arith.cmpi ne, %convert_element_type3A_348, %cond3A_349 : i32
        scf.if %cond3A_350 {
          %dma_wait3A_359 = arith.constant 0 : i32
          %dma_wait3A_360 = arith.constant 0 : i32
          %dma_wait3A_361 = tpu.memref_slice %arg7[%dma_wait3A_359, %dma_wait3A_360] : memref<100x100xi32, #tpu.memory_space<vmem>> -> memref<1x100xi32, #tpu.memory_space<vmem>>
          %dma_wait3A_362 = tpu.memref_squeeze %dma_wait3A_361 : memref<1x100xi32, #tpu.memory_space<vmem>> -> memref<100xi32, #tpu.memory_space<vmem>>
          %dma_wait3A_363 = arith.constant 0 : i32
          %dma_wait3A_364 = arith.constant 0 : i32
          %dma_wait3A_365 = tpu.memref_slice %arg18[%dma_wait3A_363, %dma_wait3A_364] : memref<10240x64xf32, #tpu.memory_space<vmem_shared>> -> memref<10240x64xf32, #tpu.memory_space<vmem_shared>>
          tpu.wait_indirect_dma semaphore(%arg30 : memref<!tpu.dma_semaphore, #tpu.memory_space<semaphore_mem>>) src(%arg9 : memref<100x64xf32, #tpu.memory_space<vmem>>) dst(%dma_wait3A_365 : memref<10240x64xf32, #tpu.memory_space<vmem_shared>>)
        } else {
        }
        %add3A_351 = arith.constant 5 : i32
        %add3A_352 = arith.addi %add3A_260, %add3A_351 : i32
        %dma_start3A_353 = arith.constant 0 : i32
        %dma_start3A_354 = tpu.memref_slice %arg6[%add3A_352, %dma_start3A_353] : memref<100x100xi32, #tpu.memory_space<vmem>> -> memref<1x100xi32, #tpu.memory_space<vmem>>
        %dma_start3A_355 = tpu.memref_squeeze %dma_start3A_354 : memref<1x100xi32, #tpu.memory_space<vmem>> -> memref<100xi32, #tpu.memory_space<vmem>>
        %dma_start3A_356 = arith.constant 0 : i32
        %dma_start3A_357 = arith.constant 0 : i32
        %dma_start3A_358 = tpu.memref_slice %arg2[%dma_start3A_356, %dma_start3A_357] : memref<10240x64xf32, #tpu.memory_space<hbm>> -> memref<10240x64xf32, #tpu.memory_space<hbm>>
        tpu.enqueue_indirect_dma source(%dma_start3A_358 : memref<10240x64xf32, #tpu.memory_space<hbm>>) target(%arg9 : memref<100x64xf32, #tpu.memory_space<vmem>>) offsets(%dma_start3A_355 : memref<100xi32, #tpu.memory_space<vmem>>) semaphore(%arg20 : memref<!tpu.dma_semaphore, #tpu.memory_space<semaphore_mem>>)
      } else {
      }
      %add3A_281 = arith.constant 7 : i32
      %add3A_282 = arith.addi %add3A_127, %add3A_281 : i32
      %dma_wait3A_283 = arith.constant 0 : i32
      %dma_wait3A_284 = arith.constant 0 : i32
      %dma_wait3A_285 = tpu.memref_slice %arg6[%dma_wait3A_283, %dma_wait3A_284] : memref<100x100xi32, #tpu.memory_space<vmem>> -> memref<1x100xi32, #tpu.memory_space<vmem>>
      %dma_wait3A_286 = tpu.memref_squeeze %dma_wait3A_285 : memref<1x100xi32, #tpu.memory_space<vmem>> -> memref<100xi32, #tpu.memory_space<vmem>>
      %dma_wait3A_287 = arith.constant 0 : i32
      %dma_wait3A_288 = arith.constant 0 : i32
      %dma_wait3A_289 = tpu.memref_slice %arg2[%dma_wait3A_287, %dma_wait3A_288] : memref<10240x64xf32, #tpu.memory_space<hbm>> -> memref<10240x64xf32, #tpu.memory_space<hbm>>
      tpu.wait_indirect_dma semaphore(%arg26 : memref<!tpu.dma_semaphore, #tpu.memory_space<semaphore_mem>>) src(%dma_wait3A_289 : memref<10240x64xf32, #tpu.memory_space<hbm>>) dst(%arg15 : memref<100x64xf32, #tpu.memory_space<vmem>>)
      %dma_start3A_290 = arith.constant 0 : i32
      %dma_start3A_291 = tpu.memref_slice %arg7[%add3A_282, %dma_start3A_290] : memref<100x100xi32, #tpu.memory_space<vmem>> -> memref<1x100xi32, #tpu.memory_space<vmem>>
      %dma_start3A_292 = tpu.memref_squeeze %dma_start3A_291 : memref<1x100xi32, #tpu.memory_space<vmem>> -> memref<100xi32, #tpu.memory_space<vmem>>
      %dma_start3A_293 = arith.constant 0 : i32
      %dma_start3A_294 = arith.constant 0 : i32
      %dma_start3A_295 = tpu.memref_slice %arg18[%dma_start3A_293, %dma_start3A_294] : memref<10240x64xf32, #tpu.memory_space<vmem_shared>> -> memref<10240x64xf32, #tpu.memory_space<vmem_shared>>
      tpu.enqueue_indirect_dma source(%arg15 : memref<100x64xf32, #tpu.memory_space<vmem>>) target(%dma_start3A_295 : memref<10240x64xf32, #tpu.memory_space<vmem_shared>>) offsets(%dma_start3A_292 : memref<100xi32, #tpu.memory_space<vmem>>) semaphore(%arg36 : memref<!tpu.dma_semaphore, #tpu.memory_space<semaphore_mem>>) {add = true}
      %add3A_296 = arith.constant 5 : i32
      %add3A_297 = arith.addi %add3A_282, %add3A_296 : i32
      %lt3A_298 = arith.constant 100 : i32
      %lt3A_299 = arith.cmpi slt, %add3A_297, %lt3A_298 : i32
      %convert_element_type3A_300 = arith.extui %lt3A_299 : i1 to i32
      %cond3A_301 = arith.constant 0 : i32
      %cond3A_302 = arith.cmpi ne, %convert_element_type3A_300, %cond3A_301 : i32
      scf.if %cond3A_302 {
        %ge3A = arith.constant 5 : i32
        %ge3A_347 = arith.cmpi sge, %add3A_282, %ge3A : i32
        %convert_element_type3A_348 = arith.extui %ge3A_347 : i1 to i32
        %cond3A_349 = arith.constant 0 : i32
        %cond3A_350 = arith.cmpi ne, %convert_element_type3A_348, %cond3A_349 : i32
        scf.if %cond3A_350 {
          %dma_wait3A_359 = arith.constant 0 : i32
          %dma_wait3A_360 = arith.constant 0 : i32
          %dma_wait3A_361 = tpu.memref_slice %arg7[%dma_wait3A_359, %dma_wait3A_360] : memref<100x100xi32, #tpu.memory_space<vmem>> -> memref<1x100xi32, #tpu.memory_space<vmem>>
          %dma_wait3A_362 = tpu.memref_squeeze %dma_wait3A_361 : memref<1x100xi32, #tpu.memory_space<vmem>> -> memref<100xi32, #tpu.memory_space<vmem>>
          %dma_wait3A_363 = arith.constant 0 : i32
          %dma_wait3A_364 = arith.constant 0 : i32
          %dma_wait3A_365 = tpu.memref_slice %arg18[%dma_wait3A_363, %dma_wait3A_364] : memref<10240x64xf32, #tpu.memory_space<vmem_shared>> -> memref<10240x64xf32, #tpu.memory_space<vmem_shared>>
          tpu.wait_indirect_dma semaphore(%arg31 : memref<!tpu.dma_semaphore, #tpu.memory_space<semaphore_mem>>) src(%arg10 : memref<100x64xf32, #tpu.memory_space<vmem>>) dst(%dma_wait3A_365 : memref<10240x64xf32, #tpu.memory_space<vmem_shared>>)
        } else {
        }
        %add3A_351 = arith.constant 5 : i32
        %add3A_352 = arith.addi %add3A_282, %add3A_351 : i32
        %dma_start3A_353 = arith.constant 0 : i32
        %dma_start3A_354 = tpu.memref_slice %arg6[%add3A_352, %dma_start3A_353] : memref<100x100xi32, #tpu.memory_space<vmem>> -> memref<1x100xi32, #tpu.memory_space<vmem>>
        %dma_start3A_355 = tpu.memref_squeeze %dma_start3A_354 : memref<1x100xi32, #tpu.memory_space<vmem>> -> memref<100xi32, #tpu.memory_space<vmem>>
        %dma_start3A_356 = arith.constant 0 : i32
        %dma_start3A_357 = arith.constant 0 : i32
        %dma_start3A_358 = tpu.memref_slice %arg2[%dma_start3A_356, %dma_start3A_357] : memref<10240x64xf32, #tpu.memory_space<hbm>> -> memref<10240x64xf32, #tpu.memory_space<hbm>>
        tpu.enqueue_indirect_dma source(%dma_start3A_358 : memref<10240x64xf32, #tpu.memory_space<hbm>>) target(%arg10 : memref<100x64xf32, #tpu.memory_space<vmem>>) offsets(%dma_start3A_355 : memref<100xi32, #tpu.memory_space<vmem>>) semaphore(%arg21 : memref<!tpu.dma_semaphore, #tpu.memory_space<semaphore_mem>>)
      } else {
      }
      %add3A_303 = arith.constant 8 : i32
      %add3A_304 = arith.addi %add3A_127, %add3A_303 : i32
      %dma_wait3A_305 = arith.constant 0 : i32
      %dma_wait3A_306 = arith.constant 0 : i32
      %dma_wait3A_307 = tpu.memref_slice %arg6[%dma_wait3A_305, %dma_wait3A_306] : memref<100x100xi32, #tpu.memory_space<vmem>> -> memref<1x100xi32, #tpu.memory_space<vmem>>
      %dma_wait3A_308 = tpu.memref_squeeze %dma_wait3A_307 : memref<1x100xi32, #tpu.memory_space<vmem>> -> memref<100xi32, #tpu.memory_space<vmem>>
      %dma_wait3A_309 = arith.constant 0 : i32
      %dma_wait3A_310 = arith.constant 0 : i32
      %dma_wait3A_311 = tpu.memref_slice %arg2[%dma_wait3A_309, %dma_wait3A_310] : memref<10240x64xf32, #tpu.memory_space<hbm>> -> memref<10240x64xf32, #tpu.memory_space<hbm>>
      tpu.wait_indirect_dma semaphore(%arg27 : memref<!tpu.dma_semaphore, #tpu.memory_space<semaphore_mem>>) src(%dma_wait3A_311 : memref<10240x64xf32, #tpu.memory_space<hbm>>) dst(%arg16 : memref<100x64xf32, #tpu.memory_space<vmem>>)
      %dma_start3A_312 = arith.constant 0 : i32
      %dma_start3A_313 = tpu.memref_slice %arg7[%add3A_304, %dma_start3A_312] : memref<100x100xi32, #tpu.memory_space<vmem>> -> memref<1x100xi32, #tpu.memory_space<vmem>>
      %dma_start3A_314 = tpu.memref_squeeze %dma_start3A_313 : memref<1x100xi32, #tpu.memory_space<vmem>> -> memref<100xi32, #tpu.memory_space<vmem>>
      %dma_start3A_315 = arith.constant 0 : i32
      %dma_start3A_316 = arith.constant 0 : i32
      %dma_start3A_317 = tpu.memref_slice %arg18[%dma_start3A_315, %dma_start3A_316] : memref<10240x64xf32, #tpu.memory_space<vmem_shared>> -> memref<10240x64xf32, #tpu.memory_space<vmem_shared>>
      tpu.enqueue_indirect_dma source(%arg16 : memref<100x64xf32, #tpu.memory_space<vmem>>) target(%dma_start3A_317 : memref<10240x64xf32, #tpu.memory_space<vmem_shared>>) offsets(%dma_start3A_314 : memref<100xi32, #tpu.memory_space<vmem>>) semaphore(%arg37 : memref<!tpu.dma_semaphore, #tpu.memory_space<semaphore_mem>>) {add = true}
      %add3A_318 = arith.constant 5 : i32
      %add3A_319 = arith.addi %add3A_304, %add3A_318 : i32
      %lt3A_320 = arith.constant 100 : i32
      %lt3A_321 = arith.cmpi slt, %add3A_319, %lt3A_320 : i32
      %convert_element_type3A_322 = arith.extui %lt3A_321 : i1 to i32
      %cond3A_323 = arith.constant 0 : i32
      %cond3A_324 = arith.cmpi ne, %convert_element_type3A_322, %cond3A_323 : i32
      scf.if %cond3A_324 {
        %ge3A = arith.constant 5 : i32
        %ge3A_347 = arith.cmpi sge, %add3A_304, %ge3A : i32
        %convert_element_type3A_348 = arith.extui %ge3A_347 : i1 to i32
        %cond3A_349 = arith.constant 0 : i32
        %cond3A_350 = arith.cmpi ne, %convert_element_type3A_348, %cond3A_349 : i32
        scf.if %cond3A_350 {
          %dma_wait3A_359 = arith.constant 0 : i32
          %dma_wait3A_360 = arith.constant 0 : i32
          %dma_wait3A_361 = tpu.memref_slice %arg7[%dma_wait3A_359, %dma_wait3A_360] : memref<100x100xi32, #tpu.memory_space<vmem>> -> memref<1x100xi32, #tpu.memory_space<vmem>>
          %dma_wait3A_362 = tpu.memref_squeeze %dma_wait3A_361 : memref<1x100xi32, #tpu.memory_space<vmem>> -> memref<100xi32, #tpu.memory_space<vmem>>
          %dma_wait3A_363 = arith.constant 0 : i32
          %dma_wait3A_364 = arith.constant 0 : i32
          %dma_wait3A_365 = tpu.memref_slice %arg18[%dma_wait3A_363, %dma_wait3A_364] : memref<10240x64xf32, #tpu.memory_space<vmem_shared>> -> memref<10240x64xf32, #tpu.memory_space<vmem_shared>>
          tpu.wait_indirect_dma semaphore(%arg32 : memref<!tpu.dma_semaphore, #tpu.memory_space<semaphore_mem>>) src(%arg11 : memref<100x64xf32, #tpu.memory_space<vmem>>) dst(%dma_wait3A_365 : memref<10240x64xf32, #tpu.memory_space<vmem_shared>>)
        } else {
        }
        %add3A_351 = arith.constant 5 : i32
        %add3A_352 = arith.addi %add3A_304, %add3A_351 : i32
        %dma_start3A_353 = arith.constant 0 : i32
        %dma_start3A_354 = tpu.memref_slice %arg6[%add3A_352, %dma_start3A_353] : memref<100x100xi32, #tpu.memory_space<vmem>> -> memref<1x100xi32, #tpu.memory_space<vmem>>
        %dma_start3A_355 = tpu.memref_squeeze %dma_start3A_354 : memref<1x100xi32, #tpu.memory_space<vmem>> -> memref<100xi32, #tpu.memory_space<vmem>>
        %dma_start3A_356 = arith.constant 0 : i32
        %dma_start3A_357 = arith.constant 0 : i32
        %dma_start3A_358 = tpu.memref_slice %arg2[%dma_start3A_356, %dma_start3A_357] : memref<10240x64xf32, #tpu.memory_space<hbm>> -> memref<10240x64xf32, #tpu.memory_space<hbm>>
        tpu.enqueue_indirect_dma source(%dma_start3A_358 : memref<10240x64xf32, #tpu.memory_space<hbm>>) target(%arg11 : memref<100x64xf32, #tpu.memory_space<vmem>>) offsets(%dma_start3A_355 : memref<100xi32, #tpu.memory_space<vmem>>) semaphore(%arg22 : memref<!tpu.dma_semaphore, #tpu.memory_space<semaphore_mem>>)
      } else {
      }
      %add3A_325 = arith.constant 9 : i32
      %add3A_326 = arith.addi %add3A_127, %add3A_325 : i32
      %dma_wait3A_327 = arith.constant 0 : i32
      %dma_wait3A_328 = arith.constant 0 : i32
      %dma_wait3A_329 = tpu.memref_slice %arg6[%dma_wait3A_327, %dma_wait3A_328] : memref<100x100xi32, #tpu.memory_space<vmem>> -> memref<1x100xi32, #tpu.memory_space<vmem>>
      %dma_wait3A_330 = tpu.memref_squeeze %dma_wait3A_329 : memref<1x100xi32, #tpu.memory_space<vmem>> -> memref<100xi32, #tpu.memory_space<vmem>>
      %dma_wait3A_331 = arith.constant 0 : i32
      %dma_wait3A_332 = arith.constant 0 : i32
      %dma_wait3A_333 = tpu.memref_slice %arg2[%dma_wait3A_331, %dma_wait3A_332] : memref<10240x64xf32, #tpu.memory_space<hbm>> -> memref<10240x64xf32, #tpu.memory_space<hbm>>
      tpu.wait_indirect_dma semaphore(%arg28 : memref<!tpu.dma_semaphore, #tpu.memory_space<semaphore_mem>>) src(%dma_wait3A_333 : memref<10240x64xf32, #tpu.memory_space<hbm>>) dst(%arg17 : memref<100x64xf32, #tpu.memory_space<vmem>>)
      %dma_start3A_334 = arith.constant 0 : i32
      %dma_start3A_335 = tpu.memref_slice %arg7[%add3A_326, %dma_start3A_334] : memref<100x100xi32, #tpu.memory_space<vmem>> -> memref<1x100xi32, #tpu.memory_space<vmem>>
      %dma_start3A_336 = tpu.memref_squeeze %dma_start3A_335 : memref<1x100xi32, #tpu.memory_space<vmem>> -> memref<100xi32, #tpu.memory_space<vmem>>
      %dma_start3A_337 = arith.constant 0 : i32
      %dma_start3A_338 = arith.constant 0 : i32
      %dma_start3A_339 = tpu.memref_slice %arg18[%dma_start3A_337, %dma_start3A_338] : memref<10240x64xf32, #tpu.memory_space<vmem_shared>> -> memref<10240x64xf32, #tpu.memory_space<vmem_shared>>
      tpu.enqueue_indirect_dma source(%arg17 : memref<100x64xf32, #tpu.memory_space<vmem>>) target(%dma_start3A_339 : memref<10240x64xf32, #tpu.memory_space<vmem_shared>>) offsets(%dma_start3A_336 : memref<100xi32, #tpu.memory_space<vmem>>) semaphore(%arg38 : memref<!tpu.dma_semaphore, #tpu.memory_space<semaphore_mem>>) {add = true}
      %add3A_340 = arith.constant 5 : i32
      %add3A_341 = arith.addi %add3A_326, %add3A_340 : i32
      %lt3A_342 = arith.constant 100 : i32
      %lt3A_343 = arith.cmpi slt, %add3A_341, %lt3A_342 : i32
      %convert_element_type3A_344 = arith.extui %lt3A_343 : i1 to i32
      %cond3A_345 = arith.constant 0 : i32
      %cond3A_346 = arith.cmpi ne, %convert_element_type3A_344, %cond3A_345 : i32
      scf.if %cond3A_346 {
        %ge3A = arith.constant 5 : i32
        %ge3A_347 = arith.cmpi sge, %add3A_326, %ge3A : i32
        %convert_element_type3A_348 = arith.extui %ge3A_347 : i1 to i32
        %cond3A_349 = arith.constant 0 : i32
        %cond3A_350 = arith.cmpi ne, %convert_element_type3A_348, %cond3A_349 : i32
        scf.if %cond3A_350 {
          %dma_wait3A_359 = arith.constant 0 : i32
          %dma_wait3A_360 = arith.constant 0 : i32
          %dma_wait3A_361 = tpu.memref_slice %arg7[%dma_wait3A_359, %dma_wait3A_360] : memref<100x100xi32, #tpu.memory_space<vmem>> -> memref<1x100xi32, #tpu.memory_space<vmem>>
          %dma_wait3A_362 = tpu.memref_squeeze %dma_wait3A_361 : memref<1x100xi32, #tpu.memory_space<vmem>> -> memref<100xi32, #tpu.memory_space<vmem>>
          %dma_wait3A_363 = arith.constant 0 : i32
          %dma_wait3A_364 = arith.constant 0 : i32
          %dma_wait3A_365 = tpu.memref_slice %arg18[%dma_wait3A_363, %dma_wait3A_364] : memref<10240x64xf32, #tpu.memory_space<vmem_shared>> -> memref<10240x64xf32, #tpu.memory_space<vmem_shared>>
          tpu.wait_indirect_dma semaphore(%arg33 : memref<!tpu.dma_semaphore, #tpu.memory_space<semaphore_mem>>) src(%arg12 : memref<100x64xf32, #tpu.memory_space<vmem>>) dst(%dma_wait3A_365 : memref<10240x64xf32, #tpu.memory_space<vmem_shared>>)
        } else {
        }
        %add3A_351 = arith.constant 5 : i32
        %add3A_352 = arith.addi %add3A_326, %add3A_351 : i32
        %dma_start3A_353 = arith.constant 0 : i32
        %dma_start3A_354 = tpu.memref_slice %arg6[%add3A_352, %dma_start3A_353] : memref<100x100xi32, #tpu.memory_space<vmem>> -> memref<1x100xi32, #tpu.memory_space<vmem>>
        %dma_start3A_355 = tpu.memref_squeeze %dma_start3A_354 : memref<1x100xi32, #tpu.memory_space<vmem>> -> memref<100xi32, #tpu.memory_space<vmem>>
        %dma_start3A_356 = arith.constant 0 : i32
        %dma_start3A_357 = arith.constant 0 : i32
        %dma_start3A_358 = tpu.memref_slice %arg2[%dma_start3A_356, %dma_start3A_357] : memref<10240x64xf32, #tpu.memory_space<hbm>> -> memref<10240x64xf32, #tpu.memory_space<hbm>>
        tpu.enqueue_indirect_dma source(%dma_start3A_358 : memref<10240x64xf32, #tpu.memory_space<hbm>>) target(%arg12 : memref<100x64xf32, #tpu.memory_space<vmem>>) offsets(%dma_start3A_355 : memref<100xi32, #tpu.memory_space<vmem>>) semaphore(%arg23 : memref<!tpu.dma_semaphore, #tpu.memory_space<semaphore_mem>>)
      } else {
      }
    }
    %scan3A_45 = arith.constant 10 : i32
    %dma_wait3A = arith.constant 0 : i32
    %dma_wait3A_46 = arith.constant 0 : i32
    %dma_wait3A_47 = tpu.memref_slice %arg7[%dma_wait3A, %dma_wait3A_46] : memref<100x100xi32, #tpu.memory_space<vmem>> -> memref<1x100xi32, #tpu.memory_space<vmem>>
    %dma_wait3A_48 = tpu.memref_squeeze %dma_wait3A_47 : memref<1x100xi32, #tpu.memory_space<vmem>> -> memref<100xi32, #tpu.memory_space<vmem>>
    %dma_wait3A_49 = arith.constant 0 : i32
    %dma_wait3A_50 = arith.constant 0 : i32
    %dma_wait3A_51 = tpu.memref_slice %arg18[%dma_wait3A_49, %dma_wait3A_50] : memref<10240x64xf32, #tpu.memory_space<vmem_shared>> -> memref<10240x64xf32, #tpu.memory_space<vmem_shared>>
    tpu.wait_indirect_dma semaphore(%arg29 : memref<!tpu.dma_semaphore, #tpu.memory_space<semaphore_mem>>) src(%arg8 : memref<100x64xf32, #tpu.memory_space<vmem>>) dst(%dma_wait3A_51 : memref<10240x64xf32, #tpu.memory_space<vmem_shared>>)
    %dma_wait3A_52 = arith.constant 0 : i32
    %dma_wait3A_53 = arith.constant 0 : i32
    %dma_wait3A_54 = tpu.memref_slice %arg7[%dma_wait3A_52, %dma_wait3A_53] : memref<100x100xi32, #tpu.memory_space<vmem>> -> memref<1x100xi32, #tpu.memory_space<vmem>>
    %dma_wait3A_55 = tpu.memref_squeeze %dma_wait3A_54 : memref<1x100xi32, #tpu.memory_space<vmem>> -> memref<100xi32, #tpu.memory_space<vmem>>
    %dma_wait3A_56 = arith.constant 0 : i32
    %dma_wait3A_57 = arith.constant 0 : i32
    %dma_wait3A_58 = tpu.memref_slice %arg18[%dma_wait3A_56, %dma_wait3A_57] : memref<10240x64xf32, #tpu.memory_space<vmem_shared>> -> memref<10240x64xf32, #tpu.memory_space<vmem_shared>>
    tpu.wait_indirect_dma semaphore(%arg30 : memref<!tpu.dma_semaphore, #tpu.memory_space<semaphore_mem>>) src(%arg9 : memref<100x64xf32, #tpu.memory_space<vmem>>) dst(%dma_wait3A_58 : memref<10240x64xf32, #tpu.memory_space<vmem_shared>>)
    %dma_wait3A_59 = arith.constant 0 : i32
    %dma_wait3A_60 = arith.constant 0 : i32
    %dma_wait3A_61 = tpu.memref_slice %arg7[%dma_wait3A_59, %dma_wait3A_60] : memref<100x100xi32, #tpu.memory_space<vmem>> -> memref<1x100xi32, #tpu.memory_space<vmem>>
    %dma_wait3A_62 = tpu.memref_squeeze %dma_wait3A_61 : memref<1x100xi32, #tpu.memory_space<vmem>> -> memref<100xi32, #tpu.memory_space<vmem>>
    %dma_wait3A_63 = arith.constant 0 : i32
    %dma_wait3A_64 = arith.constant 0 : i32
    %dma_wait3A_65 = tpu.memref_slice %arg18[%dma_wait3A_63, %dma_wait3A_64] : memref<10240x64xf32, #tpu.memory_space<vmem_shared>> -> memref<10240x64xf32, #tpu.memory_space<vmem_shared>>
    tpu.wait_indirect_dma semaphore(%arg31 : memref<!tpu.dma_semaphore, #tpu.memory_space<semaphore_mem>>) src(%arg10 : memref<100x64xf32, #tpu.memory_space<vmem>>) dst(%dma_wait3A_65 : memref<10240x64xf32, #tpu.memory_space<vmem_shared>>)
    %dma_wait3A_66 = arith.constant 0 : i32
    %dma_wait3A_67 = arith.constant 0 : i32
    %dma_wait3A_68 = tpu.memref_slice %arg7[%dma_wait3A_66, %dma_wait3A_67] : memref<100x100xi32, #tpu.memory_space<vmem>> -> memref<1x100xi32, #tpu.memory_space<vmem>>
    %dma_wait3A_69 = tpu.memref_squeeze %dma_wait3A_68 : memref<1x100xi32, #tpu.memory_space<vmem>> -> memref<100xi32, #tpu.memory_space<vmem>>
    %dma_wait3A_70 = arith.constant 0 : i32
    %dma_wait3A_71 = arith.constant 0 : i32
    %dma_wait3A_72 = tpu.memref_slice %arg18[%dma_wait3A_70, %dma_wait3A_71] : memref<10240x64xf32, #tpu.memory_space<vmem_shared>> -> memref<10240x64xf32, #tpu.memory_space<vmem_shared>>
    tpu.wait_indirect_dma semaphore(%arg32 : memref<!tpu.dma_semaphore, #tpu.memory_space<semaphore_mem>>) src(%arg11 : memref<100x64xf32, #tpu.memory_space<vmem>>) dst(%dma_wait3A_72 : memref<10240x64xf32, #tpu.memory_space<vmem_shared>>)
    %dma_wait3A_73 = arith.constant 0 : i32
    %dma_wait3A_74 = arith.constant 0 : i32
    %dma_wait3A_75 = tpu.memref_slice %arg7[%dma_wait3A_73, %dma_wait3A_74] : memref<100x100xi32, #tpu.memory_space<vmem>> -> memref<1x100xi32, #tpu.memory_space<vmem>>
    %dma_wait3A_76 = tpu.memref_squeeze %dma_wait3A_75 : memref<1x100xi32, #tpu.memory_space<vmem>> -> memref<100xi32, #tpu.memory_space<vmem>>
    %dma_wait3A_77 = arith.constant 0 : i32
    %dma_wait3A_78 = arith.constant 0 : i32
    %dma_wait3A_79 = tpu.memref_slice %arg18[%dma_wait3A_77, %dma_wait3A_78] : memref<10240x64xf32, #tpu.memory_space<vmem_shared>> -> memref<10240x64xf32, #tpu.memory_space<vmem_shared>>
    tpu.wait_indirect_dma semaphore(%arg33 : memref<!tpu.dma_semaphore, #tpu.memory_space<semaphore_mem>>) src(%arg12 : memref<100x64xf32, #tpu.memory_space<vmem>>) dst(%dma_wait3A_79 : memref<10240x64xf32, #tpu.memory_space<vmem_shared>>)
    %dma_wait3A_80 = arith.constant 0 : i32
    %dma_wait3A_81 = arith.constant 0 : i32
    %dma_wait3A_82 = tpu.memref_slice %arg7[%dma_wait3A_80, %dma_wait3A_81] : memref<100x100xi32, #tpu.memory_space<vmem>> -> memref<1x100xi32, #tpu.memory_space<vmem>>
    %dma_wait3A_83 = tpu.memref_squeeze %dma_wait3A_82 : memref<1x100xi32, #tpu.memory_space<vmem>> -> memref<100xi32, #tpu.memory_space<vmem>>
    %dma_wait3A_84 = arith.constant 0 : i32
    %dma_wait3A_85 = arith.constant 0 : i32
    %dma_wait3A_86 = tpu.memref_slice %arg18[%dma_wait3A_84, %dma_wait3A_85] : memref<10240x64xf32, #tpu.memory_space<vmem_shared>> -> memref<10240x64xf32, #tpu.memory_space<vmem_shared>>
    tpu.wait_indirect_dma semaphore(%arg34 : memref<!tpu.dma_semaphore, #tpu.memory_space<semaphore_mem>>) src(%arg13 : memref<100x64xf32, #tpu.memory_space<vmem>>) dst(%dma_wait3A_86 : memref<10240x64xf32, #tpu.memory_space<vmem_shared>>)
    %dma_wait3A_87 = arith.constant 0 : i32
    %dma_wait3A_88 = arith.constant 0 : i32
    %dma_wait3A_89 = tpu.memref_slice %arg7[%dma_wait3A_87, %dma_wait3A_88] : memref<100x100xi32, #tpu.memory_space<vmem>> -> memref<1x100xi32, #tpu.memory_space<vmem>>
    %dma_wait3A_90 = tpu.memref_squeeze %dma_wait3A_89 : memref<1x100xi32, #tpu.memory_space<vmem>> -> memref<100xi32, #tpu.memory_space<vmem>>
    %dma_wait3A_91 = arith.constant 0 : i32
    %dma_wait3A_92 = arith.constant 0 : i32
    %dma_wait3A_93 = tpu.memref_slice %arg18[%dma_wait3A_91, %dma_wait3A_92] : memref<10240x64xf32, #tpu.memory_space<vmem_shared>> -> memref<10240x64xf32, #tpu.memory_space<vmem_shared>>
    tpu.wait_indirect_dma semaphore(%arg35 : memref<!tpu.dma_semaphore, #tpu.memory_space<semaphore_mem>>) src(%arg14 : memref<100x64xf32, #tpu.memory_space<vmem>>) dst(%dma_wait3A_93 : memref<10240x64xf32, #tpu.memory_space<vmem_shared>>)
    %dma_wait3A_94 = arith.constant 0 : i32
    %dma_wait3A_95 = arith.constant 0 : i32
    %dma_wait3A_96 = tpu.memref_slice %arg7[%dma_wait3A_94, %dma_wait3A_95] : memref<100x100xi32, #tpu.memory_space<vmem>> -> memref<1x100xi32, #tpu.memory_space<vmem>>
    %dma_wait3A_97 = tpu.memref_squeeze %dma_wait3A_96 : memref<1x100xi32, #tpu.memory_space<vmem>> -> memref<100xi32, #tpu.memory_space<vmem>>
    %dma_wait3A_98 = arith.constant 0 : i32
    %dma_wait3A_99 = arith.constant 0 : i32
    %dma_wait3A_100 = tpu.memref_slice %arg18[%dma_wait3A_98, %dma_wait3A_99] : memref<10240x64xf32, #tpu.memory_space<vmem_shared>> -> memref<10240x64xf32, #tpu.memory_space<vmem_shared>>
    tpu.wait_indirect_dma semaphore(%arg36 : memref<!tpu.dma_semaphore, #tpu.memory_space<semaphore_mem>>) src(%arg15 : memref<100x64xf32, #tpu.memory_space<vmem>>) dst(%dma_wait3A_100 : memref<10240x64xf32, #tpu.memory_space<vmem_shared>>)
    %dma_wait3A_101 = arith.constant 0 : i32
    %dma_wait3A_102 = arith.constant 0 : i32
    %dma_wait3A_103 = tpu.memref_slice %arg7[%dma_wait3A_101, %dma_wait3A_102] : memref<100x100xi32, #tpu.memory_space<vmem>> -> memref<1x100xi32, #tpu.memory_space<vmem>>
    %dma_wait3A_104 = tpu.memref_squeeze %dma_wait3A_103 : memref<1x100xi32, #tpu.memory_space<vmem>> -> memref<100xi32, #tpu.memory_space<vmem>>
    %dma_wait3A_105 = arith.constant 0 : i32
    %dma_wait3A_106 = arith.constant 0 : i32
    %dma_wait3A_107 = tpu.memref_slice %arg18[%dma_wait3A_105, %dma_wait3A_106] : memref<10240x64xf32, #tpu.memory_space<vmem_shared>> -> memref<10240x64xf32, #tpu.memory_space<vmem_shared>>
    tpu.wait_indirect_dma semaphore(%arg37 : memref<!tpu.dma_semaphore, #tpu.memory_space<semaphore_mem>>) src(%arg16 : memref<100x64xf32, #tpu.memory_space<vmem>>) dst(%dma_wait3A_107 : memref<10240x64xf32, #tpu.memory_space<vmem_shared>>)
    %dma_wait3A_108 = arith.constant 0 : i32
    %dma_wait3A_109 = arith.constant 0 : i32
    %dma_wait3A_110 = tpu.memref_slice %arg7[%dma_wait3A_108, %dma_wait3A_109] : memref<100x100xi32, #tpu.memory_space<vmem>> -> memref<1x100xi32, #tpu.memory_space<vmem>>
    %dma_wait3A_111 = tpu.memref_squeeze %dma_wait3A_110 : memref<1x100xi32, #tpu.memory_space<vmem>> -> memref<100xi32, #tpu.memory_space<vmem>>
    %dma_wait3A_112 = arith.constant 0 : i32
    %dma_wait3A_113 = arith.constant 0 : i32
    %dma_wait3A_114 = tpu.memref_slice %arg18[%dma_wait3A_112, %dma_wait3A_113] : memref<10240x64xf32, #tpu.memory_space<vmem_shared>> -> memref<10240x64xf32, #tpu.memory_space<vmem_shared>>
    tpu.wait_indirect_dma semaphore(%arg38 : memref<!tpu.dma_semaphore, #tpu.memory_space<semaphore_mem>>) src(%arg17 : memref<100x64xf32, #tpu.memory_space<vmem>>) dst(%dma_wait3A_114 : memref<10240x64xf32, #tpu.memory_space<vmem_shared>>)
    %barrier3A_115 = arith.constant 0 : index
    tpu.barrier barrier_id(%barrier3A_115)
    %mul3A_116 = arith.constant 640 : i32
    %mul3A_117 = arith.muli %arg1, %mul3A_116 : i32
    %mul3A_118 = arith.constant 10240 : i32
    %mul3A_119 = arith.muli %arg0, %mul3A_118 : i32
    %mul3A_120 = arith.constant 640 : i32
    %mul3A_121 = arith.muli %arg1, %mul3A_120 : i32
    %add3A_122 = arith.addi %mul3A_119, %mul3A_121 : i32
    "tpu.region"() ({
      %run_scoped3A_123 = tpu.sem_alloc : memref<!tpu.dma_semaphore, #tpu.memory_space<semaphore_mem>>
      %dma_start3A_124 = arith.constant 0 : i32
      %dma_start3A_125 = tpu.memref_slice %arg5[%add3A_122, %dma_start3A_124] : memref<20480x64xf32, #tpu.memory_space<hbm>> -> memref<640x64xf32, #tpu.memory_space<hbm>>
      %dma_start3A_126 = arith.constant 0 : i32
      %dma_start3A_127 = tpu.memref_slice %arg18[%mul3A_117, %dma_start3A_126] : memref<10240x64xf32, #tpu.memory_space<vmem_shared>> -> memref<640x64xf32, #tpu.memory_space<vmem_shared>>
      tpu.enqueue_dma source(%dma_start3A_127 : memref<640x64xf32, #tpu.memory_space<vmem_shared>>) target(%dma_start3A_125 : memref<640x64xf32, #tpu.memory_space<hbm>>) target_semaphore(%run_scoped3A_123 : memref<!tpu.dma_semaphore, #tpu.memory_space<semaphore_mem>>)
      %dma_wait3A_128 = arith.constant 0 : i32
      %dma_wait3A_129 = tpu.memref_slice %arg5[%add3A_122, %dma_wait3A_128] : memref<20480x64xf32, #tpu.memory_space<hbm>> -> memref<640x64xf32, #tpu.memory_space<hbm>>
      %dma_wait3A_130 = arith.constant 0 : i32
      %dma_wait3A_131 = tpu.memref_slice %arg18[%mul3A_117, %dma_wait3A_130] : memref<10240x64xf32, #tpu.memory_space<vmem_shared>> -> memref<640x64xf32, #tpu.memory_space<vmem_shared>>
      tpu.wait_dma2 semaphore(%run_scoped3A_123 : memref<!tpu.dma_semaphore, #tpu.memory_space<semaphore_mem>>) src(%dma_wait3A_131 : memref<640x64xf32, #tpu.memory_space<vmem_shared>>) dst(%dma_wait3A_129 : memref<640x64xf32, #tpu.memory_space<hbm>>)
      tpu.yield
    }) : () -> ()
    return
  }
}

module attributes {stable_mosaic.version = 14 : i64} {
  func.func @_mm1_body(%arg0: memref<10000x128xf32, #tpu.memory_space<vmem>>, %arg1: memref<128x64xf32, #tpu.memory_space<vmem>>, %arg2: memref<10000x64xf32, #tpu.memory_space<vmem>>) attributes {dimension_semantics = [], scalar_prefetch = 0 : i64, scratch_operands = 0 : i64, tpu.core_type = #tpu.core_type<tc>} {
    %get3A = arith.constant 0 : index
    %get3A_0 = arith.constant 0 : index
    %get3A_1 = vector.load %arg0[%get3A, %get3A_0] : memref<10000x128xf32, #tpu.memory_space<vmem>>, vector<10000x128xf32>
    %get3A_2 = arith.constant 0 : index
    %get3A_3 = arith.constant 0 : index
    %get3A_4 = vector.load %arg1[%get3A_2, %get3A_3] : memref<128x64xf32, #tpu.memory_space<vmem>>, vector<128x64xf32>
    %dot_general3A = arith.constant dense<0.000000e+00> : vector<10000x64xf32>
    %dot_general3A_5 = tpu.matmul %get3A_1, %get3A_4, %dot_general3A {dimension_numbers = #tpu.dot_dimension_numbers<[1], [0], [0], [1], [0, 0, 1, 1], [], []>, transpose_lhs_hint = false} : vector<10000x128xf32>, vector<128x64xf32>, vector<10000x64xf32> -> vector<10000x64xf32>
    %swap3A = arith.constant 0 : index
    %swap3A_6 = arith.constant 0 : index
    %swap3A_7 = vector.load %arg2[%swap3A, %swap3A_6] : memref<10000x64xf32, #tpu.memory_space<vmem>>, vector<10000x64xf32>
    tpu.vector_store %arg2[%swap3A, %swap3A_6], %dot_general3A_5 {strides = array<i32>} : memref<10000x64xf32, #tpu.memory_space<vmem>>, vector<10000x64xf32>,
    return
  }
}

module attributes {stable_mosaic.version = 14 : i64} {
  func.func @_u1_body(%arg0: memref<10000x64xf32, #tpu.memory_space<vmem>>, %arg1: memref<20480x16xf32, #tpu.memory_space<vmem>>, %arg2: memref<10240x64xf32, #tpu.memory_space<vmem>>) attributes {dimension_semantics = [], scalar_prefetch = 0 : i64, scratch_operands = 0 : i64, tpu.core_type = #tpu.core_type<tc>} {
    %get3A = arith.constant 0 : index
    %get3A_0 = arith.constant 0 : index
    %get3A_1 = vector.load %arg1[%get3A, %get3A_0] : memref<20480x16xf32, #tpu.memory_space<vmem>>, vector<10000x1xf32>
    %get3A_2 = arith.constant 10240 : index
    %get3A_3 = arith.constant 0 : index
    %get3A_4 = vector.load %arg1[%get3A_2, %get3A_3] : memref<20480x16xf32, #tpu.memory_space<vmem>>, vector<10000x1xf32>
    %add3A = arith.addf %get3A_1, %get3A_4 : vector<10000x1xf32>
    %add3A_5 = arith.constant 1.000000e+00 : f32
    %add3A_6 = vector.broadcast %add3A_5 : f32 to vector<10000x1xf32>
    %add3A_7 = arith.addf %add3A, %add3A_6 : vector<10000x1xf32>
    %rsqrt3A = math.rsqrt %add3A_7 : vector<10000x1xf32>
    %get3A_8 = arith.constant 0 : index
    %get3A_9 = arith.constant 0 : index
    %get3A_10 = vector.load %arg0[%get3A_8, %get3A_9] : memref<10000x64xf32, #tpu.memory_space<vmem>>, vector<10000x64xf32>
    %mul3A = vector.broadcast %rsqrt3A : vector<10000x1xf32> to vector<10000x64xf32>
    %mul3A_11 = arith.mulf %mul3A, %get3A_10 : vector<10000x64xf32>
    %swap3A = arith.constant 0 : index
    %swap3A_12 = arith.constant 0 : index
    %swap3A_13 = vector.load %arg2[%swap3A, %swap3A_12] : memref<10240x64xf32, #tpu.memory_space<vmem>>, vector<10000x64xf32>
    tpu.vector_store %arg2[%swap3A, %swap3A_12], %mul3A_11 {strides = array<i32>} : memref<10240x64xf32, #tpu.memory_space<vmem>>, vector<10000x64xf32>,
    %broadcast_in_dim3A = arith.constant 0.000000e+00 : f32
    %broadcast_in_dim3A_14 = vector.broadcast %broadcast_in_dim3A : f32 to vector<240x64xf32>
    %swap3A_15 = arith.constant 10000 : index
    %swap3A_16 = arith.constant 0 : index
    %swap3A_17 = vector.load %arg2[%swap3A_15, %swap3A_16] : memref<10240x64xf32, #tpu.memory_space<vmem>>, vector<240x64xf32>
    tpu.vector_store %arg2[%swap3A_15, %swap3A_16], %broadcast_in_dim3A_14 {strides = array<i32>} : memref<10240x64xf32, #tpu.memory_space<vmem>>, vector<240x64xf32>,
    return
  }
}

module attributes {stable_mosaic.version = 14 : i64} {
  func.func @_u2_body(%arg0: memref<20480x64xf32, #tpu.memory_space<vmem>>, %arg1: memref<20480x16xf32, #tpu.memory_space<vmem>>, %arg2: memref<1x64xf32, #tpu.memory_space<vmem>>, %arg3: memref<64x16xf32, #tpu.memory_space<vmem>>, %arg4: memref<10240x16xf32, #tpu.memory_space<vmem>>) attributes {dimension_semantics = [], scalar_prefetch = 0 : i64, scratch_operands = 0 : i64, tpu.core_type = #tpu.core_type<tc>} {
    %get3A = arith.constant 0 : index
    %get3A_0 = arith.constant 0 : index
    %get3A_1 = vector.load %arg1[%get3A, %get3A_0] : memref<20480x16xf32, #tpu.memory_space<vmem>>, vector<10000x1xf32>
    %get3A_2 = arith.constant 10240 : index
    %get3A_3 = arith.constant 0 : index
    %get3A_4 = vector.load %arg1[%get3A_2, %get3A_3] : memref<20480x16xf32, #tpu.memory_space<vmem>>, vector<10000x1xf32>
    %add3A = arith.addf %get3A_1, %get3A_4 : vector<10000x1xf32>
    %add3A_5 = arith.constant 1.000000e+00 : f32
    %add3A_6 = vector.broadcast %add3A_5 : f32 to vector<10000x1xf32>
    %add3A_7 = arith.addf %add3A, %add3A_6 : vector<10000x1xf32>
    %rsqrt3A = math.rsqrt %add3A_7 : vector<10000x1xf32>
    %get3A_8 = arith.constant 0 : index
    %get3A_9 = arith.constant 0 : index
    %get3A_10 = vector.load %arg0[%get3A_8, %get3A_9] : memref<20480x64xf32, #tpu.memory_space<vmem>>, vector<10000x64xf32>
    %get3A_11 = arith.constant 10240 : index
    %get3A_12 = arith.constant 0 : index
    %get3A_13 = vector.load %arg0[%get3A_11, %get3A_12] : memref<20480x64xf32, #tpu.memory_space<vmem>>, vector<10000x64xf32>
    %add3A_14 = arith.addf %get3A_10, %get3A_13 : vector<10000x64xf32>
    %mul3A = vector.broadcast %rsqrt3A : vector<10000x1xf32> to vector<10000x64xf32>
    %mul3A_15 = arith.mulf %mul3A, %add3A_14 : vector<10000x64xf32>
    %get3A_16 = arith.constant 0 : index
    %get3A_17 = arith.constant 0 : index
    %get3A_18 = vector.load %arg2[%get3A_16, %get3A_17] : memref<1x64xf32, #tpu.memory_space<vmem>>, vector<1x64xf32>
    %add3A_19 = vector.broadcast %get3A_18 : vector<1x64xf32> to vector<10000x64xf32>
    %add3A_20 = arith.addf %mul3A_15, %add3A_19 : vector<10000x64xf32>
    %max3A = arith.constant 0.000000e+00 : f32
    %max3A_21 = vector.broadcast %max3A : f32 to vector<10000x64xf32>
    %max3A_22 = arith.maximumf %add3A_20, %max3A_21 : vector<10000x64xf32>
    %get3A_23 = arith.constant 0 : index
    %get3A_24 = arith.constant 0 : index
    %get3A_25 = vector.load %arg3[%get3A_23, %get3A_24] : memref<64x16xf32, #tpu.memory_space<vmem>>, vector<64x16xf32>
    %dot_general3A = arith.constant dense<0.000000e+00> : vector<10000x16xf32>
    %dot_general3A_26 = tpu.matmul %max3A_22, %get3A_25, %dot_general3A {dimension_numbers = #tpu.dot_dimension_numbers<[1], [0], [0], [1], [0, 0, 1, 1], [], []>, transpose_lhs_hint = false} : vector<10000x64xf32>, vector<64x16xf32>, vector<10000x16xf32> -> vector<10000x16xf32>
    %mul3A_27 = vector.broadcast %rsqrt3A : vector<10000x1xf32> to vector<10000x16xf32>
    %mul3A_28 = arith.mulf %mul3A_27, %dot_general3A_26 : vector<10000x16xf32>
    %swap3A = arith.constant 0 : index
    %swap3A_29 = arith.constant 0 : index
    %swap3A_30 = vector.load %arg4[%swap3A, %swap3A_29] : memref<10240x16xf32, #tpu.memory_space<vmem>>, vector<10000x16xf32>
    tpu.vector_store %arg4[%swap3A, %swap3A_29], %mul3A_28 {strides = array<i32>} : memref<10240x16xf32, #tpu.memory_space<vmem>>, vector<10000x16xf32>,
    %broadcast_in_dim3A = arith.constant 0.000000e+00 : f32
    %broadcast_in_dim3A_31 = vector.broadcast %broadcast_in_dim3A : f32 to vector<240x16xf32>
    %swap3A_32 = arith.constant 10000 : index
    %swap3A_33 = arith.constant 0 : index
    %swap3A_34 = vector.load %arg4[%swap3A_32, %swap3A_33] : memref<10240x16xf32, #tpu.memory_space<vmem>>, vector<240x16xf32>
    tpu.vector_store %arg4[%swap3A_32, %swap3A_33], %broadcast_in_dim3A_31 {strides = array<i32>} : memref<10240x16xf32, #tpu.memory_space<vmem>>, vector<240x16xf32>,
    return
  }
}

module attributes {stable_mosaic.version = 14 : i64} {
  func.func @_out_body(%arg0: memref<20480x16xf32, #tpu.memory_space<vmem>>, %arg1: memref<20480x16xf32, #tpu.memory_space<vmem>>, %arg2: memref<1x16xf32, #tpu.memory_space<vmem>>, %arg3: memref<10000x16xf32, #tpu.memory_space<vmem>>) attributes {dimension_semantics = [], scalar_prefetch = 0 : i64, scratch_operands = 0 : i64, tpu.core_type = #tpu.core_type<tc>} {
    %get3A = arith.constant 0 : index
    %get3A_0 = arith.constant 0 : index
    %get3A_1 = vector.load %arg0[%get3A, %get3A_0] : memref<20480x16xf32, #tpu.memory_space<vmem>>, vector<10000x16xf32>
    %get3A_2 = arith.constant 10240 : index
    %get3A_3 = arith.constant 0 : index
    %get3A_4 = vector.load %arg0[%get3A_2, %get3A_3] : memref<20480x16xf32, #tpu.memory_space<vmem>>, vector<10000x16xf32>
    %add3A = arith.addf %get3A_1, %get3A_4 : vector<10000x16xf32>
    %get3A_5 = arith.constant 0 : index
    %get3A_6 = arith.constant 0 : index
    %get3A_7 = vector.load %arg1[%get3A_5, %get3A_6] : memref<20480x16xf32, #tpu.memory_space<vmem>>, vector<10000x1xf32>
    %get3A_8 = arith.constant 10240 : index
    %get3A_9 = arith.constant 0 : index
    %get3A_10 = vector.load %arg1[%get3A_8, %get3A_9] : memref<20480x16xf32, #tpu.memory_space<vmem>>, vector<10000x1xf32>
    %add3A_11 = arith.addf %get3A_7, %get3A_10 : vector<10000x1xf32>
    %add3A_12 = arith.constant 1.000000e+00 : f32
    %add3A_13 = vector.broadcast %add3A_12 : f32 to vector<10000x1xf32>
    %add3A_14 = arith.addf %add3A_11, %add3A_13 : vector<10000x1xf32>
    %rsqrt3A = math.rsqrt %add3A_14 : vector<10000x1xf32>
    %mul3A = vector.broadcast %rsqrt3A : vector<10000x1xf32> to vector<10000x16xf32>
    %mul3A_15 = arith.mulf %mul3A, %add3A : vector<10000x16xf32>
    %get3A_16 = arith.constant 0 : index
    %get3A_17 = arith.constant 0 : index
    %get3A_18 = vector.load %arg2[%get3A_16, %get3A_17] : memref<1x16xf32, #tpu.memory_space<vmem>>, vector<1x16xf32>
    %add3A_19 = vector.broadcast %get3A_18 : vector<1x16xf32> to vector<10000x16xf32>
    %add3A_20 = arith.addf %mul3A_15, %add3A_19 : vector<10000x16xf32>
    %swap3A = arith.constant 0 : index
    %swap3A_21 = arith.constant 0 : index
    %swap3A_22 = vector.load %arg3[%swap3A, %swap3A_21] : memref<10000x16xf32, #tpu.memory_space<vmem>>, vector<10000x16xf32>
    tpu.vector_store %arg3[%swap3A, %swap3A_21], %add3A_20 {strides = array<i32>} : memref<10000x16xf32, #tpu.memory_space<vmem>>, vector<10000x16xf32>,
    return
  }
}

</mosaic_0001>

<sc_bundles>
// kernel: kernel.12.cloned.1.call-start
scs
__scs_entry_jumppad:
0x0: {  	(pc) =	sbr.rel $0x88, $3  }
0x1: {  	(tag) =	ssettag $0x0;
	lr =	simm.s32 $0x1  }
0x2: {  	[smem:$0x3F9B] =	sst lr;
	_ =	strace $0xD0000000  }
0x3: {  	_ = 	snop  }
0x4: {  	_ = 	snop  }
0x5: {  	_ = 	snop  }
0x6: {  	_ = 	snop  }
0x7: {  	_ = 	snop  }
__scs_overlays_trampoline_lowered:
0x8: {  	[smem:$0x3FAA] =	sst s0  }
0x9: {  	[smem:$0x3FAB] =	sst s1  }
0xa: {  	[smem:$0x3FAC] =	sst s2  }
0xb: {  	[smem:$0x3FAD] =	sst s3  }
0xc: {  	[smem:$0x3FAE] =	sst s4  }
0xd: {  	[smem:$0x3FAF] =	sst s5  }
0xe: {  	[smem:$0x3FB0] =	sst s6  }
0xf: {  	[smem:$0x3FB1] =	sst s7  }
0x10: {  	[smem:$0x3FB2] =	sst s8  }
0x11: {  	[smem:$0x3FB3] =	sst s9;
	s0 =	simm.s32 @!p0 $0x0  }
0x12: {  	s1 =	sld [smem:$0x3F99];
	s0 =	simm.s32 @p0 $0x1  }
0x13: {  	[smem:$0x3FB4] =	sst s0;
	s0 =	simm.s32 @!p1 $0x0  }
0x14: {  	s2 =	sld [smem:$0x3F98];
	s0 =	simm.s32 @p1 $0x1  }
0x15: {  	[smem:$0x3FB5] =	sst s0;
	s0 =	simm.s32 @!p2 $0x0  }
0x16: {  	s3 =	sld [smem:$0x3FDB];
	s0 =	simm.s32 @p2 $0x1  }
0x17: {  	s4 =	simm.s32 $0x1BF5;
	[smem:$0x3FB7] =	sst s0  }
0x18: {  	s0 =	sld [smem:$0x3F9A];
	_ =	swait.ge [sflag:s4], $0x0  }
0x19: {  	s7 =	sld [smem:$0x3F9B]  }
0x1a: {  	s8 =	sadd.s32 $0xFFFFE003, lr  }
0x1b: {  	s9 =	sadd.s32 $0xFFFFFEF7, lr;
	s5 =	simm.s32 $0xFFFFFFFF;
	p2 =	slt.u32 s8, $0xFFFFF086  }
0x1c: {  	p1 =	slt.u32 s9, $0xF7A;
	s5 =	simm.s32 @!p2 $0x0  }
0x1d: {  	s5 =	simm.s32 @p1 $0x1;
	p0 =	seq.s32 s7, s2  }
0x1e: {  	s7 =	smul.u32 @!p0 $0xF7A, s2;
	p2 =	seq.s32 @!p0 s5, $0x0  }
0x1f: {  	s9 =	smul.u32 $0xF7A, s1;
	s8 =	simm.s32 @!p0 $0x1BF5;
	p2 =	por !p2, p0  }
0x20: {  	[sflag:s8] =	ssyncset.s32 @!p0 $0xFFFFF086;
	s6 =	sadd.s32 @!p0 s3, s7;
	s7 =	simm.s32 @!p0 $0x108  }
0x21: {  	s3 =	sadd.s32 s3, s9;
	s6 =	sadd.s32 @!p0 $0x88, s6;
	s7 =	simm.s32 @p2 $0x1082  }
0x22: {  	[simem:s7], [sflag:s8] =	dma.local @!p0 [hbm:s6], $0xF7A  }
0x23: {  	s9 =	sor.u32 $0xD0000000, s2;
	s6 =	simm.s32 $0x108;
	_ =	swait.ge @!p0 [sflag:s8], $0x0  }
0x24: {  	s3 =	sadd.s32 $0x88, s3;
	s6 =	simm.s32 @!p1 $0x1082;
	[sflag:s4] =	ssyncset.s32 $0xFFFFF086  }
0x25: {  	[simem:s6], [sflag:s4] =	dma.local [hbm:s3], $0xF7A  }
0x26: {  	[smem:$0x3F9B] =	sst s1;
	(tag) =	ssettag s2;
	_ =	strace s9  }
0x27: {  	s1 =	sld [smem:$0x3FAB]  }
0x28: {  	s2 =	sld [smem:$0x3FAC]  }
0x29: {  	s4 =	sld [smem:$0x3FAE]  }
0x2a: {  	p0 =	seq.s32 s5, $0x0;
	s5 =	sld [smem:$0x3FAF]  }
0x2b: {  	s6 =	sld [smem:$0x3FB0]  }
0x2c: {  	s7 =	sld [smem:$0x3FB1]  }
0x2d: {  	s3 =	simm.s32 $0x108;
	s8 =	sld [smem:$0x3FB2]  }
0x2e: {  	s3 =	simm.s32 @!p0 $0x1082;
	s9 =	sld [smem:$0x3FB3]  }
0x2f: {  	lr =	sadd.s32 s0, s3;
	s0 =	sld [smem:$0x3FAA]  }
0x30: {  	s3 =	sld [smem:$0x3FAD]  }
0x31: {  	[smem:$0x3FB6] =	sst s10  }
0x32: {  	s10 =	sld [smem:$0x3FB4];
	_ =	sdelay $0x3  }
0x33: {  	p0 =	seq.s32 s10, $0x1;
	s10 =	sld [smem:$0x3FB6];
	_ =	sdelay $0x3  }
0x34: {  	[smem:$0x3FB6] =	sst s10  }
0x35: {  	s10 =	sld [smem:$0x3FB5];
	_ =	sdelay $0x3  }
0x36: {  	p1 =	seq.s32 s10, $0x1;
	s10 =	sld [smem:$0x3FB6];
	_ =	sdelay $0x3  }
0x37: {  	[smem:$0x3FB6] =	sst s10  }
0x38: {  	s10 =	sld [smem:$0x3FB7]  }
0x39: {  	_ = 	snop;
	(pc) =	sbr.ind lr, $3  }
0x3a: {  	_ = 	snop  }
0x3b: {  	_ = 	snop  }
0x3c: {  	p2 =	seq.s32 s10, $0x1;
	s10 =	sld [smem:$0x3FB6]  }
0x3d: {  	_ =	shalt  }
0x3e: {  	_ =	shalt  }
0x3f: {  	_ =	shalt  }
0x40: {  	_ =	shalt  }
0x41: {  	_ =	shalt  }
0x42: {  	_ =	shalt  }
0x43: {  	_ =	shalt  }
0x44: {  	_ =	shalt  }
0x45: {  	_ =	shalt  }
0x46: {  	_ =	shalt  }
0x47: {  	_ =	shalt  }
0x48: {  	_ =	shalt  }
0x49: {  	_ =	shalt  }
0x4a: {  	_ =	shalt  }
0x4b: {  	_ =	shalt  }
0x4c: {  	_ =	shalt  }
0x4d: {  	_ =	shalt  }
0x4e: {  	_ =	shalt  }
0x4f: {  	_ =	shalt  }
0x50: {  	_ =	shalt  }
0x51: {  	_ =	shalt  }
0x52: {  	_ =	shalt  }
0x53: {  	_ =	shalt  }
0x54: {  	_ =	shalt  }
0x55: {  	_ =	shalt  }
0x56: {  	_ =	shalt  }
0x57: {  	_ =	shalt  }
0x58: {  	_ =	shalt  }
0x59: {  	_ =	shalt  }
0x5a: {  	_ =	shalt  }
0x5b: {  	_ =	shalt  }
0x5c: {  	_ =	shalt  }
0x5d: {  	_ =	shalt  }
0x5e: {  	_ =	shalt  }
0x5f: {  	_ =	shalt  }
0x60: {  	_ =	shalt  }
0x61: {  	_ =	shalt  }
0x62: {  	_ =	shalt  }
0x63: {  	_ =	shalt  }
0x64: {  	_ =	shalt  }
0x65: {  	_ =	shalt  }
0x66: {  	_ =	shalt  }
0x67: {  	_ =	shalt  }
0x68: {  	_ =	shalt  }
0x69: {  	_ =	shalt  }
0x6a: {  	_ =	shalt  }
0x6b: {  	_ =	shalt  }
0x6c: {  	_ =	shalt  }
0x6d: {  	_ =	shalt  }
0x6e: {  	_ =	shalt  }
0x6f: {  	_ =	shalt  }
0x70: {  	_ =	shalt  }
0x71: {  	_ =	shalt  }
0x72: {  	_ =	shalt  }
0x73: {  	_ =	shalt  }
0x74: {  	_ =	shalt  }
0x75: {  	_ =	shalt  }
0x76: {  	_ =	shalt  }
0x77: {  	_ =	shalt  }
0x78: {  	_ =	shalt  }
0x79: {  	_ =	shalt  }
0x7a: {  	_ =	shalt  }
0x7b: {  	_ =	shalt  }
0x7c: {  	_ =	shalt  }
0x7d: {  	_ =	shalt  }
0x7e: {  	_ =	shalt  }
0x7f: {  	_ =	shalt  }
0x80: {  	_ =	shalt  }
0x81: {  	_ =	shalt  }
0x82: {  	_ =	shalt  }
0x83: {  	_ =	shalt  }
0x84: {  	_ =	shalt  }
0x85: {  	_ =	shalt  }
0x86: {  	_ =	shalt  }
0x87: {  	_ =	shalt  }
.Lfunc_end0:
.L_simem_size_0:
called_computation.1_lowered:
.L_overlay_start_0:
0x88: {  	s2 =	sld [smem:$0x3FD9]  }
0x89: {  	s3 =	sld [smem:$0x3FFE];
	_ =	sdelay $0x1  }
0x8a: {  	s1 =	srdreg.scid  }
0x8b: {  	s0 =	sand.u32 $0x1, s1  }
0x8c: {  	s16 =	sshll.u32 s0, $0xA;
	s2 =	sadd.s32 s3, s2  }
0x8d: {  	s2 =	sadd.s32 s2, s16  }
0x8e: {  	[smem:$0x3FC2] =	sst s2  }
0x8f: {  	_ = 	snop  }
0x90: {  	(tm) =	ssettm $0x1  }
0x91: {  	s17 =	sld [smem:$0x3FFB];
	_ =	sdelay $0x3  }
0x92: {  	_ =	strace s17  }
0x93: {  	s2 =	sld [smem:$0x3FFC];
	_ =	sdelay $0x3  }
0x94: {  	_ =	strace s2  }
0x95: {  	s2 =	sld [smem:$0x3FFD];
	_ =	sdelay $0x3  }
0x96: {  	_ =	strace s2  }
0x97: {  	_ =	strace $0x8FFFFFFF  }
0x98: {  	s18 =	sld [smem:$0x3FDB];
	_ =	sdelay $0x1  }
0x99: {  	s19 =	simm.s32 $_scs_section_size  }
0x9a: {  	s4 =	simm.s32 $_size__tile_overlayer_lowered;
	s5 =	simm.s32 $_tile_overlayer_lowered  }
0x9b: {  	s22 =	simm.s32 $0x1BFF;
	s21 =	sshll.u32 s5, $0x1;
	s2 =	sadd.s32 s19, s18  }
0x9c: {  	s6 =	simm.s32 $0x0;
	s20 =	sshll.u32 s4, $0x1;
	s4 =	sadd.s32 s21, s2  }
0x9d: {  	[timem:s6], [sflag:s22] =	dma.local [hbm:s4], s20  }
0x9e: {  	_ =	swait.ge [sflag:s22], s20  }
0x9f: {  	s3 =	ssub.s32 $0x0, s20;
	[sflag:s22] =	ssyncset.done $0x0  }
0xa0: {  	[sflag:s22] =	ssyncadd.s32 s3;
	_ =	sdelay $0x1  }
0xa1: {  	s23 =	simm.s32 $0x1B8B  }
0xa2: {  	_ =	swait.ge [sflag:s23], $0x1  }
0xa3: {  	[sflag:s23] =	ssyncset.done $0x0  }
0xa4: {  	s25 =	simm.s32 $0x1B8E;
	s24 =	sld [smem:$0x3FFE];
	[sflag:s23] =	ssyncadd.s32 $0xFFFFFFFF  }
0xa5: {  	s26 =	simm.s32 $execute0_lowered;
	[smem:$0x3FD2] =	sst s25  }
0xa6: {  	s4 =	sshll.u32 s26, $0x1;
	_ =	strace $0x80000049;
	[dreg:$0x1] =	wrdreg $0xFFFFFFFF  }
0xa7: {  	s28 =	simm.s32 $_size_execute0_lowered;
	s2 =	sadd.s32 s2, s4;
	[dreg:$0x0] =	wrdreg $0x0  }
0xa8: {  	s4 =	sshll.u32 s28, $0x1;
	[dreg:$0x2] =	wrdreg s2  }
0xa9: {  	[dreg:$0x3] =	wrdreg s4  }
0xaa: {  	[dreg:$0x4] =	wrdreg $0xC0  }
0xab: {  	_ =	task [dreg:s6], $0x5FFFF  }
0xac: {  	[dreg:$0x1] =	wrdreg $0xFFFFFFFF  }
0xad: {  	[dreg:$0x0] =	wrdreg $0x60  }
0xae: {  	[dreg:$0x2] =	wrdreg s24  }
0xaf: {  	[dreg:$0x3] =	wrdreg $0x14B400  }
0xb0: {  	[dreg:$0x4] =	wrdreg $0x9  }
0xb1: {  	_ =	task.clear_ibuf [dreg:s6], $0x5FFFF;
	_ =	strace $0x90000049  }
0xb2: {  	s29 =	simm.s32 $0x9;
	_ =	strace $0x8000004B  }
0xb3: {  	_ =	swait.ge [sflag:s29], $0x1  }
0xb4: {  	[sflag:s29] =	ssyncadd.s32 $0xFFFFFFFF  }
0xb5: {  	_ =	strace $0x9000004B  }
0xb6: {  	_ =	sfence  }
0xb7: {  	s30 =	sld [smem:$0x0];
	_ =	sdelay $0x2  }
0xb8: {  	s31 =	sshll.u32 s1, $0xD;
	s1 =	sshrl.u32 s1, $0x2  }
0xb9: {  	s3 =	sand.u32 $0x4000, s31;
	s1 =	sadd.s32 s1, s30  }
0xba: {  	s0 =	sor.u32 s3, s0;
	s1 =	sshll.u32 s1, $0x11  }
0xbb: {  	s0 =	sor.u32 s1, s0  }
0xbc: {  	s0 =	sadd.s32 $0x8F2B, s0  }
0xbd: {  	[sflag:s0] =	ssyncadd.remote.s32 $0x1  }
0xbe: {  	_ =	sfence.sel $0xFFFF  }
0xbf: {  	[dreg:$0x0] =	wrdreg $0xFFFFFFFF;
	(pc) =	sbr.abs _section_cstart, $3  }
0xc0: {  	[dreg:$0x1] =	wrdreg $0xFFFFFFFF  }
0xc1: {  	_ =	task.clear_ibuf [dreg:s6], $0x2FFFF;
	_ =	strace $0x9FFFFFFF  }
0xc2: {  	(tm) =	ssettm $0x7FFFFFFF  }
0xc3: {  	_ =	shalt  }
tec
execute0_lowered:
.L_overlay_start_1:
0x0: {  	(tag) =	ssettag $0x1  }
0x1: {  	s0 =	rddreg [dreg:$0x0];
	s1 =	srdreg.scid  }
0x2: {  	s10 =	stileid.u32;
	s2 =	rddreg [dreg:$0x1]  }
0x3: {  	s4 =	simm.s32 $0x0;
	s14 =	simm.s32 $0x64;
	s23 =	simm.s32 $0xB540  }
0x4: {  	s28 =	simm.s32 $0x2;
	s29 =	simm.s32 $0xE740;
	s30 =	simm.s32 $0x3  }
0x5: {  	s31 =	simm.s32 $0x10040;
	s13 =	simm.s32 $0x5;
	s1 =	sand.u32 $0x1, s1  }
0x6: {  	s3 =	sshll.u32 s10, $0x1;
	[smem:$0x7FF] =	sst s4;
	s6 =	smul.u32 $0x1400, s10  }
0x7: {  	s4 =	sadd.s32 $0x6B400, s0;
	s7 =	sadd.s32 $0x7F400, s0;
	s9 =	smul.u32 $0xA000, s10  }
0x8: {  	s17 =	smul.u32 $0x28000, s10;
	s26 =	sshll.u32 s10, $0x6;
	s3 =	sor.u32 s1, s3  }
0x9: {  	_ =	strace $0x8000004A;
	s5 =	smul.u32 $0x14000, s1;
	s8 =	ssub.s32 $0x2, s1  }
0xa: {  	p0 =	seq.s32 s1, $0x0;
	s3 =	smul.u32 $0x28A0, s3;
	s15 =	sshrl.u32 s8, $0x1  }
0xb: {  	s18 =	sadd.s32 s9, s2;
	s19 =	sshrl.u32 s9, $0x3;
	s21 =	sshrl.u32 s17, $0x2  }
0xc: {  	s7 =	smov.u32 @p0 s4;
	s17 =	simm.s32 $0x6A40;
	s9 =	simm.s32 $0xF  }
0xd: {  	s5 =	sadd.s32 s6, s5;
	s16 =	ssub.s32 s8, s15;
	s22 =	sadd.s32 s21, s2  }
0xe: {  	s25 =	sadd.s32 s7, s19;
	s1 =	sshrl.u32 s18, $0x3;
	s8 =	simm.s32 $0x15  }
0xf: {  	s15 =	simm.s32 $0x5140;
	s19 =	simm.s32 $0x8340;
	s21 =	simm.s32 $0x9C40  }
0x10: {  	s18 =	simm.s32 $0x6;
	s7 =	simm.s32 $0x0;
	[dreg:$0x7] =	wrdreg s25  }
0x11: {  	s3 =	sshrl.u32 s3, $0x3;
	s24 =	smax.u32 s16, $0x1;
	[dreg:$0x9] =	wrdreg s1  }
0x12: {  	s1 =	simm.s32 $0x4;
	s16 =	simm.s32 $0x13240;
	s3 =	sadd.s32 s3, s0  }
0x13: {  	s0 =	sadd.s32 s5, s0;
	[dreg:$0x6] =	wrdreg s24;
	s5 =	sor.u32 $0x1C15, s26  }
.Ltmp0:
0x14: {  	s20 =	sadd.s32 $0x1E00, s3;
	[dreg:$0x8] =	wrdreg s5;
	(pc) =	sbr.rel .LBB2_1-.Ltmp0, $4  }
0x15: {  	s24 =	simm.s32 $0x1;
	s3 =	sadd.s32 $0xC080, s3;
	[dreg:$0x3] =	wrdreg s20  }
0x16: {  	s26 =	simm.s32 $0xCE40;
	s0 =	sadd.s32 $0x93400, s0;
	[dreg:$0x4] =	wrdreg s3  }
0x17: {  	[dreg:$0x5] =	wrdreg s0;
	s0 =	sshrl.u32 s22, $0x3;
	s20 =	simm.s32 $0x8  }
0x18: {  	s22 =	simm.s32 $0xA;
	[dreg:$0xa] =	wrdreg s0;
	s0 =	simm.s32 $0x11940  }
.LBB2_4:
0x19: {  	s3 =	simm.s32 $0xB  }
0x1a: {  	_ =	swait.ge [sflag:s3], $0x1900  }
0x1b: {  	[sflag:s3] =	ssyncset.done $0x0  }
0x1c: {  	s11 =	simm.s32 $0xC;
	[sflag:s3] =	ssyncadd.s32 $0xFFFFE700  }
0x1d: {  	_ =	swait.ge [sflag:s11], $0x1900  }
0x1e: {  	[sflag:s11] =	ssyncset.done $0x0  }
0x1f: {  	s12 =	simm.s32 $0xD;
	[sflag:s11] =	ssyncadd.s32 $0xFFFFE700  }
0x20: {  	_ =	swait.ge [sflag:s12], $0x1900  }
0x21: {  	[sflag:s12] =	ssyncset.done $0x0  }
0x22: {  	s25 =	simm.s32 $0xE;
	[sflag:s12] =	ssyncadd.s32 $0xFFFFE700  }
0x23: {  	_ =	swait.ge [sflag:s25], $0x1900  }
0x24: {  	[sflag:s25] =	ssyncset.done $0x0  }
0x25: {  	[sflag:s25] =	ssyncadd.s32 $0xFFFFE700  }
0x26: {  	_ =	swait.ge [sflag:s9], $0x1900  }
0x27: {  	[sflag:s9] =	ssyncset.done $0x0  }
0x28: {  	s5 =	simm.s32 $0x10;
	[sflag:s9] =	ssyncadd.s32 $0xFFFFE700  }
0x29: {  	_ =	swait.ge [sflag:s5], $0x1900  }
0x2a: {  	[sflag:s5] =	ssyncset.done $0x0  }
0x2b: {  	s6 =	simm.s32 $0x11;
	[sflag:s5] =	ssyncadd.s32 $0xFFFFE700  }
0x2c: {  	_ =	swait.ge [sflag:s6], $0x1900  }
0x2d: {  	[sflag:s6] =	ssyncset.done $0x0  }
0x2e: {  	s8 =	simm.s32 $0x12;
	[sflag:s6] =	ssyncadd.s32 $0xFFFFE700  }
0x2f: {  	_ =	swait.ge [sflag:s8], $0x1900  }
0x30: {  	[sflag:s8] =	ssyncset.done $0x0  }
0x31: {  	s10 =	simm.s32 $0x13;
	[sflag:s8] =	ssyncadd.s32 $0xFFFFE700  }
0x32: {  	_ =	swait.ge [sflag:s10], $0x1900  }
0x33: {  	[sflag:s10] =	ssyncset.done $0x0  }
0x34: {  	s11 =	simm.s32 $0x14;
	[sflag:s10] =	ssyncadd.s32 $0xFFFFE700  }
0x35: {  	_ =	swait.ge [sflag:s11], $0x1900  }
0x36: {  	[sflag:s11] =	ssyncset.done $0x0  }
0x37: {  	[sflag:s11] =	ssyncadd.s32 $0xFFFFE700  }
0x38: {  	[bflag:$0x0] =	sbarrier.arrive $0xFFFF  }
0x39: {  	s12 =	rddreg [dreg:$0x5]  }
0x3a: {  	s5 =	rddreg [dreg:$0x8]  }
0x3b: {  	s8 =	simm.s32 $0x15;
	s6 =	rddreg [dreg:$0xa]  }
0x3c: {  	[hbm:s12], [sflag:s5] =	dma.local [spmem:s6], $0x1400  }
0x3d: {  	_ =	swait.ge [sflag:s8], $0x1400  }
0x3e: {  	s7 =	sadd.s32 $0x1, s7;
	s25 =	rddreg [dreg:$0x6]  }
0x3f: {  	p0 =	sne.s32 s7, s25  }
.Ltmp1:
0x40: {  	_ = 	snop;
	(pc) =	sbr.rel @!p0 .LBB2_5-.Ltmp1, $3  }
0x41: {  	_ =	sdelay $0x1  }
0x42: {  	[sflag:s8] =	ssyncset.done $0x0  }
0x43: {  	[sflag:s8] =	ssyncadd.s32 $0xFFFFEC00  }
.LBB2_1:
0x44: {  	s3 =	rddreg [dreg:$0x7]  }
0x45: {  	s6 =	rddreg [dreg:$0x9]  }
0x46: {  	[spmem:s6], [sflag:s5] =	dma.local [hbm:s3], $0x1400  }
0x47: {  	_ =	swait.ge [sflag:s8], $0x1400  }
0x48: {  	[sflag:s8] =	ssyncset.done $0x0  }
0x49: {  	[sflag:s8] =	ssyncadd.s32 $0xFFFFEC00  }
0x4a: {  	[bflag:$0x0] =	sbarrier.arrive $0xFFFF  }
0x4b: {  	s10 =	simm.s32 $0x0;
	s11 =	rddreg [dreg:$0x3]  }
0x4c: {  	[tilespmem:s10], [sflag:$0x15] =	stream.linear.gather [hbm4b:s11+s10], $0x28A0, $0x38;
	[tilespmem:$0x1EB40] =	vst v63  }
0x4d: {  	_ =	swait.ge [sflag:s8], $0x28A0  }
0x4e: {  	[sflag:s8] =	ssyncset.done $0x0  }
0x4f: {  	s25 =	simm.s32 $0x28A0;
	s12 =	rddreg [dreg:$0x4];
	[sflag:s8] =	ssyncadd.s32 $0xFFFFD760  }
0x50: {  	[tilespmem:s25], [sflag:$0x15] =	stream.linear.gather [hbm4b:s12+s10], $0x28A0, $0x38;
	[tilespmem:$0x1EB40] =	vst v63  }
0x51: {  	_ =	swait.ge [sflag:s8], $0x28A0  }
0x52: {  	[sflag:s8] =	ssyncset.done $0x0  }
0x53: {  	[sflag:s8] =	ssyncadd.s32 $0xFFFFD760  }
0x54: {  	[tilespmem:s15], [sflag:$0x1] =	stream.indirect.gather [hbm4b:s4+s14], $0x40, s10, s14, $0xb8;
	[tilespmem:$0x1EB40] =	vst v63  }
0x55: {  	s10 =	simm.s32 $0x68  }
0x56: {  	[tilespmem:s17], [sflag:$0x2] =	stream.indirect.gather [hbm4b:s4+s14], $0x40, s10, s14, $0xb8;
	[tilespmem:$0x1EB40] =	vst v63  }
0x57: {  	s11 =	simm.s32 $0xD0  }
0x58: {  	[tilespmem:s19], [sflag:$0x3] =	stream.indirect.gather [hbm4b:s4+s14], $0x40, s11, s14, $0xb8;
	[tilespmem:$0x1EB40] =	vst v63  }
0x59: {  	s12 =	simm.s32 $0x138  }
0x5a: {  	[tilespmem:s21], [sflag:$0x4] =	stream.indirect.gather [hbm4b:s4+s14], $0x40, s12, s14, $0xb8;
	[tilespmem:$0x1EB40] =	vst v63  }
0x5b: {  	s25 =	simm.s32 $0x1A0;
	s8 =	simm.s32 $0x0  }
0x5c: {  	[tilespmem:s23], [sflag:$0x5] =	stream.indirect.gather [hbm4b:s4+s14], $0x40, s25, s14, $0xb8;
	[tilespmem:$0x1EB40] =	vst v63  }
.LBB2_2:
0x5d: {  	_ =	swait.ge [sflag:s24], $0x1900  }
0x5e: {  	s11 =	sshra.s32 s8, $0x2;
	[sflag:s24] =	ssyncset.done $0x0  }
0x5f: {  	p0 =	seq.s32 s8, $0x0;
	s25 =	sadd.s32 $0x28A0, s11;
	[sflag:s24] =	ssyncadd.s32 $0xFFFFE700  }
0x60: {  	[spmem:s2] =	stream.indirect.scatter.add.f32 [tilespmem:s15], [sflag:$0xB], $0x40, s25, s14, $0xb8;
	[tilespmem:$0x1EB40] =	vst v63  }
0x61: {  	s25 =	simm.s32 @!p0 $0x10  }
0x62: {  	_ =	swait.ge @!p0 [sflag:s25], $0x1900  }
0x63: {  	[sflag:s25] =	ssyncset.done @!p0 $0x0  }
0x64: {  	s12 =	sadd.s32 $0x208, s11;
	[sflag:s25] =	ssyncadd.s32 @!p0 $0xFFFFE700  }
0x65: {  	[tilespmem:s26], [sflag:$0x6] =	stream.indirect.gather [hbm4b:s4+s14], $0x40, s12, s14, $0xb8;
	[tilespmem:$0x1EB40] =	vst v63  }
0x66: {  	_ =	swait.ge [sflag:s28], $0x1900  }
0x67: {  	[sflag:s28] =	ssyncset.done $0x0  }
0x68: {  	s3 =	sadd.s32 $0x2908, s11;
	s25 =	simm.s32 @!p0 $0x11;
	[sflag:s28] =	ssyncadd.s32 $0xFFFFE700  }
0x69: {  	[spmem:s2] =	stream.indirect.scatter.add.f32 [tilespmem:s17], [sflag:$0xC], $0x40, s3, s14, $0xb8;
	[tilespmem:$0x1EB40] =	vst v63  }
0x6a: {  	_ =	swait.ge @!p0 [sflag:s25], $0x1900  }
0x6b: {  	[sflag:s25] =	ssyncset.done @!p0 $0x0  }
0x6c: {  	s5 =	sadd.s32 $0x270, s11;
	[sflag:s25] =	ssyncadd.s32 @!p0 $0xFFFFE700  }
0x6d: {  	[tilespmem:s29], [sflag:$0x7] =	stream.indirect.gather [hbm4b:s4+s14], $0x40, s5, s14, $0xb8;
	[tilespmem:$0x1EB40] =	vst v63  }
0x6e: {  	_ =	swait.ge [sflag:s30], $0x1900  }
0x6f: {  	[sflag:s30] =	ssyncset.done $0x0  }
0x70: {  	s6 =	sadd.s32 $0x2970, s11;
	s25 =	simm.s32 @!p0 $0x12;
	[sflag:s30] =	ssyncadd.s32 $0xFFFFE700  }
0x71: {  	[spmem:s2] =	stream.indirect.scatter.add.f32 [tilespmem:s19], [sflag:$0xD], $0x40, s6, s14, $0xb8;
	[tilespmem:$0x1EB40] =	vst v63  }
0x72: {  	_ =	swait.ge @!p0 [sflag:s25], $0x1900  }
0x73: {  	[sflag:s25] =	ssyncset.done @!p0 $0x0  }
0x74: {  	s10 =	sadd.s32 $0x2D8, s11;
	[sflag:s25] =	ssyncadd.s32 @!p0 $0xFFFFE700  }
0x75: {  	[tilespmem:s31], [sflag:$0x8] =	stream.indirect.gather [hbm4b:s4+s14], $0x40, s10, s14, $0xb8;
	[tilespmem:$0x1EB40] =	vst v63  }
0x76: {  	_ =	swait.ge [sflag:s1], $0x1900  }
0x77: {  	[sflag:s1] =	ssyncset.done $0x0  }
0x78: {  	s12 =	sadd.s32 $0x29D8, s11;
	s25 =	simm.s32 @!p0 $0x13;
	[sflag:s1] =	ssyncadd.s32 $0xFFFFE700  }
0x79: {  	[spmem:s2] =	stream.indirect.scatter.add.f32 [tilespmem:s21], [sflag:$0xE], $0x40, s12, s14, $0xb8;
	[tilespmem:$0x1EB40] =	vst v63  }
0x7a: {  	_ =	swait.ge @!p0 [sflag:s25], $0x1900  }
0x7b: {  	[sflag:s25] =	ssyncset.done @!p0 $0x0  }
0x7c: {  	s3 =	sadd.s32 $0x340, s11;
	[sflag:s25] =	ssyncadd.s32 @!p0 $0xFFFFE700  }
0x7d: {  	[tilespmem:s0], [sflag:$0x9] =	stream.indirect.gather [hbm4b:s4+s14], $0x40, s3, s14, $0xb8;
	[tilespmem:$0x1EB40] =	vst v63  }
0x7e: {  	_ =	swait.ge [sflag:s13], $0x1900  }
0x7f: {  	[sflag:s13] =	ssyncset.done $0x0  }
0x80: {  	s5 =	sadd.s32 $0x2A40, s11;
	s25 =	simm.s32 @!p0 $0x14;
	[sflag:s13] =	ssyncadd.s32 $0xFFFFE700  }
0x81: {  	[spmem:s2] =	stream.indirect.scatter.add.f32 [tilespmem:s23], [sflag:$0xF], $0x40, s5, s14, $0xb8;
	[tilespmem:$0x1EB40] =	vst v63  }
0x82: {  	_ =	swait.ge @!p0 [sflag:s25], $0x1900  }
0x83: {  	[sflag:s25] =	ssyncset.done @!p0 $0x0  }
0x84: {  	s6 =	sadd.s32 $0x3A8, s11;
	[sflag:s25] =	ssyncadd.s32 @!p0 $0xFFFFE700  }
0x85: {  	[tilespmem:s16], [sflag:$0xA] =	stream.indirect.gather [hbm4b:s4+s14], $0x40, s6, s14, $0xb8;
	[tilespmem:$0x1EB40] =	vst v63  }
0x86: {  	_ =	swait.ge [sflag:s18], $0x1900  }
0x87: {  	p0 =	seq.s32 s8, $0x9240;
	[sflag:s18] =	ssyncset.done $0x0  }
0x88: {  	s10 =	sadd.s32 $0x2AA8, s11;
	s25 =	simm.s32 @p0 $0x7;
	[sflag:s18] =	ssyncadd.s32 $0xFFFFE700  }
0x89: {  	[spmem:s2] =	stream.indirect.scatter.add.f32 [tilespmem:s26], [sflag:$0x10], $0x40, s10, s14, $0xb8;
	[tilespmem:$0x1EB40] =	vst v63  }
0x8a: {  	_ =	swait.ge @p0 [sflag:s25], $0x1900  }
0x8b: {  	[sflag:s25] =	ssyncset.done @p0 $0x0  }
0x8c: {  	[sflag:s25] =	ssyncadd.s32 @p0 $0xFFFFE700;
	s25 =	sshra.s32 @p0 s8, $0x2  }
0x8d: {  	s5 =	simm.s32 @p0 $0x64;
	s6 =	simm.s32 @p0 $0xE740;
	s3 =	sadd.s32 @p0 $0x2B10, s25  }
0x8e: {  	[spmem:s2] =	stream.indirect.scatter.add.f32 @p0 [tilespmem:s6], [sflag:$0x11], $0x40, s3, s5, $0xb8;
	[tilespmem:$0x1EB40] =	vst v63  }
0x8f: {  	s3 =	simm.s32 @!p0 $0xB  }
0x90: {  	_ =	swait.ge @!p0 [sflag:s3], $0x1900  }
0x91: {  	[sflag:s3] =	ssyncset.done @!p0 $0x0  }
0x92: {  	[sflag:s3] =	ssyncadd.s32 @!p0 $0xFFFFE700;
	s3 =	sshra.s32 @!p0 s8, $0x2  }
0x93: {  	s12 =	simm.s32 @!p0 $0x5140;
	s10 =	simm.s32 @!p0 $0x64;
	s6 =	sadd.s32 @!p0 $0x410, s3  }
0x94: {  	[tilespmem:s12], [sflag:$0x1] =	stream.indirect.gather @!p0 [hbm4b:s4+s10], $0x40, s6, s10, $0xb8;
	[tilespmem:$0x1EB40] =	vst v63  }
0x95: {  	s6 =	simm.s32 @!p0 $0x7  }
0x96: {  	_ =	swait.ge @!p0 [sflag:s6], $0x1900  }
0x97: {  	[sflag:s6] =	ssyncset.done @!p0 $0x0  }
0x98: {  	s12 =	simm.s32 @!p0 $0xE740;
	[sflag:s6] =	ssyncadd.s32 @!p0 $0xFFFFE700;
	s6 =	sadd.s32 @!p0 $0x2B10, s3  }
0x99: {  	[spmem:s2] =	stream.indirect.scatter.add.f32 @!p0 [tilespmem:s12], [sflag:$0x11], $0x40, s6, s10, $0xb8;
	[tilespmem:$0x1EB40] =	vst v63  }
0x9a: {  	s6 =	simm.s32 @!p0 $0xC  }
0x9b: {  	_ =	swait.ge @!p0 [sflag:s6], $0x1900  }
0x9c: {  	[sflag:s6] =	ssyncset.done @!p0 $0x0  }
0x9d: {  	s12 =	simm.s32 @!p0 $0x6A40;
	[sflag:s6] =	ssyncadd.s32 @!p0 $0xFFFFE700;
	s6 =	sadd.s32 @!p0 $0x478, s3  }
0x9e: {  	[tilespmem:s12], [sflag:$0x2] =	stream.indirect.gather @!p0 [hbm4b:s4+s10], $0x40, s6, s10, $0xb8;
	[tilespmem:$0x1EB40] =	vst v63  }
0x9f: {  	_ =	swait.ge [sflag:s20], $0x1900  }
0xa0: {  	[sflag:s20] =	ssyncset.done $0x0  }
0xa1: {  	s12 =	sadd.s32 $0x2B78, s11;
	s6 =	simm.s32 @p0 $0x9;
	[sflag:s20] =	ssyncadd.s32 $0xFFFFE700  }
0xa2: {  	[spmem:s2] =	stream.indirect.scatter.add.f32 [tilespmem:s31], [sflag:$0x12], $0x40, s12, s14, $0xb8;
	[tilespmem:$0x1EB40] =	vst v63  }
0xa3: {  	_ =	swait.ge @p0 [sflag:s6], $0x1900  }
0xa4: {  	[sflag:s6] =	ssyncset.done @p0 $0x0  }
0xa5: {  	s12 =	simm.s32 @p0 $0x11940;
	[sflag:s6] =	ssyncadd.s32 @p0 $0xFFFFE700;
	s6 =	sadd.s32 @p0 $0x2BE0, s25  }
0xa6: {  	[spmem:s2] =	stream.indirect.scatter.add.f32 @p0 [tilespmem:s12], [sflag:$0x13], $0x40, s6, s5, $0xb8;
	[tilespmem:$0x1EB40] =	vst v63  }
0xa7: {  	s5 =	simm.s32 @!p0 $0xD  }
0xa8: {  	_ =	swait.ge @!p0 [sflag:s5], $0x1900  }
0xa9: {  	[sflag:s5] =	ssyncset.done @!p0 $0x0  }
0xaa: {  	s6 =	simm.s32 @!p0 $0x8340;
	[sflag:s5] =	ssyncadd.s32 @!p0 $0xFFFFE700;
	s5 =	sadd.s32 @!p0 $0x4E0, s3  }
0xab: {  	[tilespmem:s6], [sflag:$0x3] =	stream.indirect.gather @!p0 [hbm4b:s4+s10], $0x40, s5, s10, $0xb8;
	[tilespmem:$0x1EB40] =	vst v63  }
0xac: {  	s5 =	simm.s32 @!p0 $0x9  }
0xad: {  	_ =	swait.ge @!p0 [sflag:s5], $0x1900  }
0xae: {  	[sflag:s5] =	ssyncset.done @!p0 $0x0  }
0xaf: {  	s6 =	simm.s32 @!p0 $0x11940;
	[sflag:s5] =	ssyncadd.s32 @!p0 $0xFFFFE700;
	s5 =	sadd.s32 @!p0 $0x2BE0, s3  }
0xb0: {  	[spmem:s2] =	stream.indirect.scatter.add.f32 @!p0 [tilespmem:s6], [sflag:$0x13], $0x40, s5, s10, $0xb8;
	[tilespmem:$0x1EB40] =	vst v63  }
0xb1: {  	s5 =	simm.s32 @!p0 $0xE  }
0xb2: {  	_ =	swait.ge @!p0 [sflag:s5], $0x1900  }
0xb3: {  	[sflag:s5] =	ssyncset.done @!p0 $0x0  }
0xb4: {  	s3 =	sadd.s32 @!p0 $0x548, s3;
	[sflag:s5] =	ssyncadd.s32 @!p0 $0xFFFFE700;
	s5 =	simm.s32 @!p0 $0x9C40  }
0xb5: {  	[tilespmem:s5], [sflag:$0x4] =	stream.indirect.gather @!p0 [hbm4b:s4+s10], $0x40, s3, s10, $0xb8;
	[tilespmem:$0x1EB40] =	vst v63  }
.Ltmp2:
0xb6: {  	_ = 	snop;
	(pc) =	sbr.rel @p0 .LBB2_4-.Ltmp2, $4  }
0xb7: {  	_ =	swait.ge [sflag:s22], $0x1900  }
0xb8: {  	[sflag:s22] =	ssyncset.done $0x0  }
0xb9: {  	s25 =	sadd.s32 $0x2C48, s11;
	[sflag:s22] =	ssyncadd.s32 $0xFFFFE700  }
0xba: {  	[spmem:s2] =	stream.indirect.scatter.add.f32 [tilespmem:s16], [sflag:$0x14], $0x40, s25, s14, $0xb8;
	[tilespmem:$0x1EB40] =	vst v63  }
.Ltmp3:
0xbb: {  	(pc) =	sbr.rel .LBB2_2-.Ltmp3, $4  }
0xbc: {  	_ =	swait.ge [sflag:s9], $0x1900  }
0xbd: {  	[sflag:s9] =	ssyncset.done $0x0  }
0xbe: {  	s3 =	sadd.s32 $0x5B0, s11;
	s8 =	sadd.s32 $0x1040, s8;
	[sflag:s9] =	ssyncadd.s32 $0xFFFFE700  }
0xbf: {  	[tilespmem:s23], [sflag:$0x5] =	stream.indirect.gather [hbm4b:s4+s14], $0x40, s3, s14, $0xb8;
	[tilespmem:$0x1EB40] =	vst v63  }
.LBB2_5:
0xc0: {  	_ =	sfence.sel $0x180000  }
0xc1: {  	[bflag:$0x0] =	sbarrier.arrive $0xFFFF  }
0xc2: {  	_ =	strace $0x9000004A  }
0xc3: {  	s0 =	stileid.u32;
	[bflag:$0x2] =	sbarrier.arrive $0xFFFF  }
0xc4: {  	p0 =	sne.s32 s0, $0x0;
	s0 =	rddreg [dreg:$0x2]  }
0xc5: {  	s0 =	sadd.s32 @!p0 $0x100000, s0  }
0xc6: {  	[sflag:s0] =	ssyncadd.tile.s32 @!p0 $0x1;
	_ =	shalt  }
.Lfunc_end2:
_tile_overlayer_lowered:
.L_overlay_start_2:
0xc7: {  	(tag) =	ssettag $0x2  }
0xc8: {  	s0 =	rddreg [dreg:$0x0];
	s2 =	stileid.u32  }
0xc9: {  	s1 =	rddreg [dreg:$0x1];
	p0 =	sne.s32 s2, $0x0  }
0xca: {  	s3 =	rddreg [dreg:$0x2];
	[bflag:$0x3] =	sbarrier.arrive $0xFFFF;
	s2 =	simm.s32 @!p0 $0x1C15  }
0xcb: {  	[timem:s3], [sflag:s2] =	dma.local @!p0 [hbm:s0], s1  }
0xcc: {  	s0 =	simm.s32 @!p0 $0x15  }
0xcd: {  	_ =	swait.ge @!p0 [sflag:s0], s1  }
0xce: {  	s1 =	ssub.s32 @!p0 $0x0, s1;
	[sflag:s0] =	ssyncset.done @!p0 $0x0  }
0xcf: {  	[sflag:s0] =	ssyncadd.s32 @!p0 s1  }
0xd0: {  	[bflag:$0x3] =	sbarrier.arrive $0xFFFF  }
0xd1: {  	_ =	shalt  }

// kernel: kernel.15.cloned.1.call-start
scs
__scs_entry_jumppad:
0x0: {  	(pc) =	sbr.rel $0x88, $3  }
0x1: {  	(tag) =	ssettag $0x0;
	lr =	simm.s32 $0x1  }
0x2: {  	[smem:$0x3F9B] =	sst lr;
	_ =	strace $0xD0000000  }
0x3: {  	_ = 	snop  }
0x4: {  	_ = 	snop  }
0x5: {  	_ = 	snop  }
0x6: {  	_ = 	snop  }
0x7: {  	_ = 	snop  }
__scs_overlays_trampoline_lowered:
0x8: {  	[smem:$0x3FAA] =	sst s0  }
0x9: {  	[smem:$0x3FAB] =	sst s1  }
0xa: {  	[smem:$0x3FAC] =	sst s2  }
0xb: {  	[smem:$0x3FAD] =	sst s3  }
0xc: {  	[smem:$0x3FAE] =	sst s4  }
0xd: {  	[smem:$0x3FAF] =	sst s5  }
0xe: {  	[smem:$0x3FB0] =	sst s6  }
0xf: {  	[smem:$0x3FB1] =	sst s7  }
0x10: {  	[smem:$0x3FB2] =	sst s8  }
0x11: {  	[smem:$0x3FB3] =	sst s9;
	s0 =	simm.s32 @!p0 $0x0  }
0x12: {  	s1 =	sld [smem:$0x3F99];
	s0 =	simm.s32 @p0 $0x1  }
0x13: {  	[smem:$0x3FB4] =	sst s0;
	s0 =	simm.s32 @!p1 $0x0  }
0x14: {  	s2 =	sld [smem:$0x3F98];
	s0 =	simm.s32 @p1 $0x1  }
0x15: {  	[smem:$0x3FB5] =	sst s0;
	s0 =	simm.s32 @!p2 $0x0  }
0x16: {  	s3 =	sld [smem:$0x3FDB];
	s0 =	simm.s32 @p2 $0x1  }
0x17: {  	s4 =	simm.s32 $0x1BF5;
	[smem:$0x3FB7] =	sst s0  }
0x18: {  	s0 =	sld [smem:$0x3F9A];
	_ =	swait.ge [sflag:s4], $0x0  }
0x19: {  	s7 =	sld [smem:$0x3F9B]  }
0x1a: {  	s8 =	sadd.s32 $0xFFFFE003, lr  }
0x1b: {  	s9 =	sadd.s32 $0xFFFFFEF7, lr;
	s5 =	simm.s32 $0xFFFFFFFF;
	p2 =	slt.u32 s8, $0xFFFFF086  }
0x1c: {  	p1 =	slt.u32 s9, $0xF7A;
	s5 =	simm.s32 @!p2 $0x0  }
0x1d: {  	s5 =	simm.s32 @p1 $0x1;
	p0 =	seq.s32 s7, s2  }
0x1e: {  	s7 =	smul.u32 @!p0 $0xF7A, s2;
	p2 =	seq.s32 @!p0 s5, $0x0  }
0x1f: {  	s9 =	smul.u32 $0xF7A, s1;
	s8 =	simm.s32 @!p0 $0x1BF5;
	p2 =	por !p2, p0  }
0x20: {  	[sflag:s8] =	ssyncset.s32 @!p0 $0xFFFFF086;
	s6 =	sadd.s32 @!p0 s3, s7;
	s7 =	simm.s32 @!p0 $0x108  }
0x21: {  	s3 =	sadd.s32 s3, s9;
	s6 =	sadd.s32 @!p0 $0x88, s6;
	s7 =	simm.s32 @p2 $0x1082  }
0x22: {  	[simem:s7], [sflag:s8] =	dma.local @!p0 [hbm:s6], $0xF7A  }
0x23: {  	s9 =	sor.u32 $0xD0000000, s2;
	s6 =	simm.s32 $0x108;
	_ =	swait.ge @!p0 [sflag:s8], $0x0  }
0x24: {  	s3 =	sadd.s32 $0x88, s3;
	s6 =	simm.s32 @!p1 $0x1082;
	[sflag:s4] =	ssyncset.s32 $0xFFFFF086  }
0x25: {  	[simem:s6], [sflag:s4] =	dma.local [hbm:s3], $0xF7A  }
0x26: {  	[smem:$0x3F9B] =	sst s1;
	(tag) =	ssettag s2;
	_ =	strace s9  }
0x27: {  	s1 =	sld [smem:$0x3FAB]  }
0x28: {  	s2 =	sld [smem:$0x3FAC]  }
0x29: {  	s4 =	sld [smem:$0x3FAE]  }
0x2a: {  	p0 =	seq.s32 s5, $0x0;
	s5 =	sld [smem:$0x3FAF]  }
0x2b: {  	s6 =	sld [smem:$0x3FB0]  }
0x2c: {  	s7 =	sld [smem:$0x3FB1]  }
0x2d: {  	s3 =	simm.s32 $0x108;
	s8 =	sld [smem:$0x3FB2]  }
0x2e: {  	s3 =	simm.s32 @!p0 $0x1082;
	s9 =	sld [smem:$0x3FB3]  }
0x2f: {  	lr =	sadd.s32 s0, s3;
	s0 =	sld [smem:$0x3FAA]  }
0x30: {  	s3 =	sld [smem:$0x3FAD]  }
0x31: {  	[smem:$0x3FB6] =	sst s10  }
0x32: {  	s10 =	sld [smem:$0x3FB4];
	_ =	sdelay $0x3  }
0x33: {  	p0 =	seq.s32 s10, $0x1;
	s10 =	sld [smem:$0x3FB6];
	_ =	sdelay $0x3  }
0x34: {  	[smem:$0x3FB6] =	sst s10  }
0x35: {  	s10 =	sld [smem:$0x3FB5];
	_ =	sdelay $0x3  }
0x36: {  	p1 =	seq.s32 s10, $0x1;
	s10 =	sld [smem:$0x3FB6];
	_ =	sdelay $0x3  }
0x37: {  	[smem:$0x3FB6] =	sst s10  }
0x38: {  	s10 =	sld [smem:$0x3FB7]  }
0x39: {  	_ = 	snop;
	(pc) =	sbr.ind lr, $3  }
0x3a: {  	_ = 	snop  }
0x3b: {  	_ = 	snop  }
0x3c: {  	p2 =	seq.s32 s10, $0x1;
	s10 =	sld [smem:$0x3FB6]  }
0x3d: {  	_ =	shalt  }
0x3e: {  	_ =	shalt  }
0x3f: {  	_ =	shalt  }
0x40: {  	_ =	shalt  }
0x41: {  	_ =	shalt  }
0x42: {  	_ =	shalt  }
0x43: {  	_ =	shalt  }
0x44: {  	_ =	shalt  }
0x45: {  	_ =	shalt  }
0x46: {  	_ =	shalt  }
0x47: {  	_ =	shalt  }
0x48: {  	_ =	shalt  }
0x49: {  	_ =	shalt  }
0x4a: {  	_ =	shalt  }
0x4b: {  	_ =	shalt  }
0x4c: {  	_ =	shalt  }
0x4d: {  	_ =	shalt  }
0x4e: {  	_ =	shalt  }
0x4f: {  	_ =	shalt  }
0x50: {  	_ =	shalt  }
0x51: {  	_ =	shalt  }
0x52: {  	_ =	shalt  }
0x53: {  	_ =	shalt  }
0x54: {  	_ =	shalt  }
0x55: {  	_ =	shalt  }
0x56: {  	_ =	shalt  }
0x57: {  	_ =	shalt  }
0x58: {  	_ =	shalt  }
0x59: {  	_ =	shalt  }
0x5a: {  	_ =	shalt  }
0x5b: {  	_ =	shalt  }
0x5c: {  	_ =	shalt  }
0x5d: {  	_ =	shalt  }
0x5e: {  	_ =	shalt  }
0x5f: {  	_ =	shalt  }
0x60: {  	_ =	shalt  }
0x61: {  	_ =	shalt  }
0x62: {  	_ =	shalt  }
0x63: {  	_ =	shalt  }
0x64: {  	_ =	shalt  }
0x65: {  	_ =	shalt  }
0x66: {  	_ =	shalt  }
0x67: {  	_ =	shalt  }
0x68: {  	_ =	shalt  }
0x69: {  	_ =	shalt  }
0x6a: {  	_ =	shalt  }
0x6b: {  	_ =	shalt  }
0x6c: {  	_ =	shalt  }
0x6d: {  	_ =	shalt  }
0x6e: {  	_ =	shalt  }
0x6f: {  	_ =	shalt  }
0x70: {  	_ =	shalt  }
0x71: {  	_ =	shalt  }
0x72: {  	_ =	shalt  }
0x73: {  	_ =	shalt  }
0x74: {  	_ =	shalt  }
0x75: {  	_ =	shalt  }
0x76: {  	_ =	shalt  }
0x77: {  	_ =	shalt  }
0x78: {  	_ =	shalt  }
0x79: {  	_ =	shalt  }
0x7a: {  	_ =	shalt  }
0x7b: {  	_ =	shalt  }
0x7c: {  	_ =	shalt  }
0x7d: {  	_ =	shalt  }
0x7e: {  	_ =	shalt  }
0x7f: {  	_ =	shalt  }
0x80: {  	_ =	shalt  }
0x81: {  	_ =	shalt  }
0x82: {  	_ =	shalt  }
0x83: {  	_ =	shalt  }
0x84: {  	_ =	shalt  }
0x85: {  	_ =	shalt  }
0x86: {  	_ =	shalt  }
0x87: {  	_ =	shalt  }
.Lfunc_end0:
.L_simem_size_0:
called_computation.2_lowered:
.L_overlay_start_0:
0x88: {  	s2 =	sld [smem:$0x3FD9]  }
0x89: {  	s3 =	sld [smem:$0x3FFE];
	_ =	sdelay $0x1  }
0x8a: {  	s1 =	srdreg.scid  }
0x8b: {  	s0 =	sand.u32 $0x1, s1  }
0x8c: {  	s16 =	sshll.u32 s0, $0xA;
	s2 =	sadd.s32 s3, s2  }
0x8d: {  	s2 =	sadd.s32 s2, s16  }
0x8e: {  	[smem:$0x3FC2] =	sst s2  }
0x8f: {  	_ = 	snop  }
0x90: {  	(tm) =	ssettm $0x1  }
0x91: {  	s17 =	sld [smem:$0x3FFB];
	_ =	sdelay $0x3  }
0x92: {  	_ =	strace s17  }
0x93: {  	s2 =	sld [smem:$0x3FFC];
	_ =	sdelay $0x3  }
0x94: {  	_ =	strace s2  }
0x95: {  	s2 =	sld [smem:$0x3FFD];
	_ =	sdelay $0x3  }
0x96: {  	_ =	strace s2  }
0x97: {  	_ =	strace $0x8FFFFFFF  }
0x98: {  	s18 =	sld [smem:$0x3FDB];
	_ =	sdelay $0x1  }
0x99: {  	s19 =	simm.s32 $_scs_section_size  }
0x9a: {  	s4 =	simm.s32 $_size__tile_overlayer_lowered;
	s5 =	simm.s32 $_tile_overlayer_lowered  }
0x9b: {  	s22 =	simm.s32 $0x1BFF;
	s21 =	sshll.u32 s5, $0x1;
	s2 =	sadd.s32 s19, s18  }
0x9c: {  	s6 =	simm.s32 $0x0;
	s20 =	sshll.u32 s4, $0x1;
	s4 =	sadd.s32 s21, s2  }
0x9d: {  	[timem:s6], [sflag:s22] =	dma.local [hbm:s4], s20  }
0x9e: {  	_ =	swait.ge [sflag:s22], s20  }
0x9f: {  	s3 =	ssub.s32 $0x0, s20;
	[sflag:s22] =	ssyncset.done $0x0  }
0xa0: {  	[sflag:s22] =	ssyncadd.s32 s3;
	_ =	sdelay $0x1  }
0xa1: {  	s23 =	simm.s32 $0x1B8B  }
0xa2: {  	_ =	swait.ge [sflag:s23], $0x1  }
0xa3: {  	[sflag:s23] =	ssyncset.done $0x0  }
0xa4: {  	s25 =	simm.s32 $0x1B8E;
	s24 =	sld [smem:$0x3FFE];
	[sflag:s23] =	ssyncadd.s32 $0xFFFFFFFF  }
0xa5: {  	s26 =	simm.s32 $execute0_lowered;
	[smem:$0x3FD2] =	sst s25  }
0xa6: {  	s4 =	sshll.u32 s26, $0x1;
	_ =	strace $0x8000004C;
	[dreg:$0x1] =	wrdreg $0xFFFFFFFF  }
0xa7: {  	s28 =	simm.s32 $_size_execute0_lowered;
	s2 =	sadd.s32 s2, s4;
	[dreg:$0x0] =	wrdreg $0x0  }
0xa8: {  	s4 =	sshll.u32 s28, $0x1;
	[dreg:$0x2] =	wrdreg s2  }
0xa9: {  	[dreg:$0x3] =	wrdreg s4  }
0xaa: {  	[dreg:$0x4] =	wrdreg $0xC0  }
0xab: {  	_ =	task [dreg:s6], $0x5FFFF  }
0xac: {  	[dreg:$0x1] =	wrdreg $0xFFFFFFFF  }
0xad: {  	[dreg:$0x0] =	wrdreg $0x60  }
0xae: {  	[dreg:$0x2] =	wrdreg s24  }
0xaf: {  	[dreg:$0x3] =	wrdreg $0x8FC00  }
0xb0: {  	[dreg:$0x4] =	wrdreg $0x9  }
0xb1: {  	_ =	task.clear_ibuf [dreg:s6], $0x5FFFF;
	_ =	strace $0x9000004C  }
0xb2: {  	s29 =	simm.s32 $0x9;
	_ =	strace $0x8000004E  }
0xb3: {  	_ =	swait.ge [sflag:s29], $0x1  }
0xb4: {  	[sflag:s29] =	ssyncadd.s32 $0xFFFFFFFF  }
0xb5: {  	_ =	strace $0x9000004E  }
0xb6: {  	_ =	sfence  }
0xb7: {  	s30 =	sld [smem:$0x0];
	_ =	sdelay $0x2  }
0xb8: {  	s31 =	sshll.u32 s1, $0xD;
	s1 =	sshrl.u32 s1, $0x2  }
0xb9: {  	s3 =	sand.u32 $0x4000, s31;
	s1 =	sadd.s32 s1, s30  }
0xba: {  	s0 =	sor.u32 s3, s0;
	s1 =	sshll.u32 s1, $0x11  }
0xbb: {  	s0 =	sor.u32 s1, s0  }
0xbc: {  	s0 =	sadd.s32 $0x8F2B, s0  }
0xbd: {  	[sflag:s0] =	ssyncadd.remote.s32 $0x1  }
0xbe: {  	_ =	sfence.sel $0xFFFF  }
0xbf: {  	[dreg:$0x0] =	wrdreg $0xFFFFFFFF;
	(pc) =	sbr.abs _section_cstart, $3  }
0xc0: {  	[dreg:$0x1] =	wrdreg $0xFFFFFFFF  }
0xc1: {  	_ =	task.clear_ibuf [dreg:s6], $0x2FFFF;
	_ =	strace $0x9FFFFFFF  }
0xc2: {  	(tm) =	ssettm $0x7FFFFFFF  }
0xc3: {  	_ =	shalt  }
tec
execute0_lowered:
.L_overlay_start_1:
0x0: {  	(tag) =	ssettag $0x1  }
0x1: {  	s0 =	rddreg [dreg:$0x0];
	s1 =	srdreg.scid  }
0x2: {  	s10 =	stileid.u32;
	s2 =	rddreg [dreg:$0x1]  }
0x3: {  	s4 =	simm.s32 $0x0;
	s14 =	simm.s32 $0x64;
	s23 =	simm.s32 $0x6A40  }
0x4: {  	s28 =	simm.s32 $0x2;
	s29 =	simm.s32 $0x76C0;
	s30 =	simm.s32 $0x3  }
0x5: {  	s31 =	simm.s32 $0x7D00;
	s13 =	simm.s32 $0x5;
	s1 =	sand.u32 $0x1, s1  }
0x6: {  	s3 =	sshll.u32 s10, $0x1;
	[smem:$0x7FF] =	sst s4;
	s6 =	smul.u32 $0x500, s10  }
0x7: {  	s4 =	sadd.s32 $0x6B400, s0;
	s7 =	sadd.s32 $0x16400, s0;
	s9 =	smul.u32 $0x2800, s10  }
0x8: {  	s17 =	smul.u32 $0xA000, s10;
	s26 =	sshll.u32 s10, $0x6;
	s3 =	sor.u32 s1, s3  }
0x9: {  	_ =	strace $0x8000004D;
	s5 =	smul.u32 $0x5000, s1;
	s8 =	ssub.s32 $0x2, s1  }
0xa: {  	p0 =	seq.s32 s1, $0x0;
	s3 =	smul.u32 $0x28A0, s3;
	s15 =	sshrl.u32 s8, $0x1  }
0xb: {  	s18 =	sadd.s32 s9, s2;
	s19 =	sshrl.u32 s9, $0x3;
	s21 =	sshrl.u32 s17, $0x2  }
0xc: {  	s7 =	smov.u32 @p0 s4;
	s17 =	simm.s32 $0x5780;
	s9 =	simm.s32 $0xF  }
0xd: {  	s5 =	sadd.s32 s6, s5;
	s16 =	ssub.s32 s8, s15;
	s22 =	sadd.s32 s21, s2  }
0xe: {  	s25 =	sadd.s32 s7, s19;
	s1 =	sshrl.u32 s18, $0x3;
	s8 =	simm.s32 $0x15  }
0xf: {  	s15 =	simm.s32 $0x5140;
	s19 =	simm.s32 $0x5DC0;
	s21 =	simm.s32 $0x6400  }
0x10: {  	s18 =	simm.s32 $0x6;
	s7 =	simm.s32 $0x0;
	[dreg:$0x7] =	wrdreg s25  }
0x11: {  	s3 =	sshrl.u32 s3, $0x3;
	s24 =	smax.u32 s16, $0x1;
	[dreg:$0x9] =	wrdreg s1  }
0x12: {  	s1 =	simm.s32 $0x4;
	s16 =	simm.s32 $0x8980;
	s3 =	sadd.s32 s3, s0  }
0x13: {  	s0 =	sadd.s32 s5, s0;
	[dreg:$0x6] =	wrdreg s24;
	s5 =	sor.u32 $0x1C15, s26  }
.Ltmp0:
0x14: {  	s20 =	sadd.s32 $0x1E00, s3;
	[dreg:$0x8] =	wrdreg s5;
	(pc) =	sbr.rel .LBB2_1-.Ltmp0, $4  }
0x15: {  	s24 =	simm.s32 $0x1;
	s3 =	sadd.s32 $0xC080, s3;
	[dreg:$0x3] =	wrdreg s20  }
0x16: {  	s26 =	simm.s32 $0x7080;
	s0 =	sadd.s32 $0x70400, s0;
	[dreg:$0x4] =	wrdreg s3  }
0x17: {  	[dreg:$0x5] =	wrdreg s0;
	s0 =	sshrl.u32 s22, $0x3;
	s20 =	simm.s32 $0x8  }
0x18: {  	s22 =	simm.s32 $0xA;
	[dreg:$0xa] =	wrdreg s0;
	s0 =	simm.s32 $0x8340  }
.LBB2_4:
0x19: {  	s3 =	simm.s32 $0xB  }
0x1a: {  	_ =	swait.ge [sflag:s3], $0x640  }
0x1b: {  	[sflag:s3] =	ssyncset.done $0x0  }
0x1c: {  	s11 =	simm.s32 $0xC;
	[sflag:s3] =	ssyncadd.s32 $0xFFFFF9C0  }
0x1d: {  	_ =	swait.ge [sflag:s11], $0x640  }
0x1e: {  	[sflag:s11] =	ssyncset.done $0x0  }
0x1f: {  	s12 =	simm.s32 $0xD;
	[sflag:s11] =	ssyncadd.s32 $0xFFFFF9C0  }
0x20: {  	_ =	swait.ge [sflag:s12], $0x640  }
0x21: {  	[sflag:s12] =	ssyncset.done $0x0  }
0x22: {  	s25 =	simm.s32 $0xE;
	[sflag:s12] =	ssyncadd.s32 $0xFFFFF9C0  }
0x23: {  	_ =	swait.ge [sflag:s25], $0x640  }
0x24: {  	[sflag:s25] =	ssyncset.done $0x0  }
0x25: {  	[sflag:s25] =	ssyncadd.s32 $0xFFFFF9C0  }
0x26: {  	_ =	swait.ge [sflag:s9], $0x640  }
0x27: {  	[sflag:s9] =	ssyncset.done $0x0  }
0x28: {  	s5 =	simm.s32 $0x10;
	[sflag:s9] =	ssyncadd.s32 $0xFFFFF9C0  }
0x29: {  	_ =	swait.ge [sflag:s5], $0x640  }
0x2a: {  	[sflag:s5] =	ssyncset.done $0x0  }
0x2b: {  	s6 =	simm.s32 $0x11;
	[sflag:s5] =	ssyncadd.s32 $0xFFFFF9C0  }
0x2c: {  	_ =	swait.ge [sflag:s6], $0x640  }
0x2d: {  	[sflag:s6] =	ssyncset.done $0x0  }
0x2e: {  	s8 =	simm.s32 $0x12;
	[sflag:s6] =	ssyncadd.s32 $0xFFFFF9C0  }
0x2f: {  	_ =	swait.ge [sflag:s8], $0x640  }
0x30: {  	[sflag:s8] =	ssyncset.done $0x0  }
0x31: {  	s10 =	simm.s32 $0x13;
	[sflag:s8] =	ssyncadd.s32 $0xFFFFF9C0  }
0x32: {  	_ =	swait.ge [sflag:s10], $0x640  }
0x33: {  	[sflag:s10] =	ssyncset.done $0x0  }
0x34: {  	s11 =	simm.s32 $0x14;
	[sflag:s10] =	ssyncadd.s32 $0xFFFFF9C0  }
0x35: {  	_ =	swait.ge [sflag:s11], $0x640  }
0x36: {  	[sflag:s11] =	ssyncset.done $0x0  }
0x37: {  	[sflag:s11] =	ssyncadd.s32 $0xFFFFF9C0  }
0x38: {  	[bflag:$0x0] =	sbarrier.arrive $0xFFFF  }
0x39: {  	s12 =	rddreg [dreg:$0x5]  }
0x3a: {  	s5 =	rddreg [dreg:$0x8]  }
0x3b: {  	s8 =	simm.s32 $0x15;
	s6 =	rddreg [dreg:$0xa]  }
0x3c: {  	[hbm:s12], [sflag:s5] =	dma.local [spmem:s6], $0x500  }
0x3d: {  	_ =	swait.ge [sflag:s8], $0x500  }
0x3e: {  	s7 =	sadd.s32 $0x1, s7;
	s25 =	rddreg [dreg:$0x6]  }
0x3f: {  	p0 =	sne.s32 s7, s25  }
.Ltmp1:
0x40: {  	_ = 	snop;
	(pc) =	sbr.rel @!p0 .LBB2_5-.Ltmp1, $3  }
0x41: {  	_ =	sdelay $0x1  }
0x42: {  	[sflag:s8] =	ssyncset.done $0x0  }
0x43: {  	[sflag:s8] =	ssyncadd.s32 $0xFFFFFB00  }
.LBB2_1:
0x44: {  	s3 =	rddreg [dreg:$0x7]  }
0x45: {  	s6 =	rddreg [dreg:$0x9]  }
0x46: {  	[spmem:s6], [sflag:s5] =	dma.local [hbm:s3], $0x500  }
0x47: {  	_ =	swait.ge [sflag:s8], $0x500  }
0x48: {  	[sflag:s8] =	ssyncset.done $0x0  }
0x49: {  	[sflag:s8] =	ssyncadd.s32 $0xFFFFFB00  }
0x4a: {  	[bflag:$0x0] =	sbarrier.arrive $0xFFFF  }
0x4b: {  	s10 =	simm.s32 $0x0;
	s11 =	rddreg [dreg:$0x3]  }
0x4c: {  	[tilespmem:s10], [sflag:$0x15] =	stream.linear.gather [hbm4b:s11+s10], $0x28A0, $0x38;
	[tilespmem:$0xB7C0] =	vst v63  }
0x4d: {  	_ =	swait.ge [sflag:s8], $0x28A0  }
0x4e: {  	[sflag:s8] =	ssyncset.done $0x0  }
0x4f: {  	s25 =	simm.s32 $0x28A0;
	s12 =	rddreg [dreg:$0x4];
	[sflag:s8] =	ssyncadd.s32 $0xFFFFD760  }
0x50: {  	[tilespmem:s25], [sflag:$0x15] =	stream.linear.gather [hbm4b:s12+s10], $0x28A0, $0x38;
	[tilespmem:$0xB7C0] =	vst v63  }
0x51: {  	_ =	swait.ge [sflag:s8], $0x28A0  }
0x52: {  	[sflag:s8] =	ssyncset.done $0x0  }
0x53: {  	[sflag:s8] =	ssyncadd.s32 $0xFFFFD760  }
0x54: {  	[tilespmem:s15], [sflag:$0x1] =	stream.indirect.gather [hbm4b:s4+s14], $0x10, s10, s14, $0xb8;
	[tilespmem:$0xB7C0] =	vst v63  }
0x55: {  	s10 =	simm.s32 $0x68  }
0x56: {  	[tilespmem:s17], [sflag:$0x2] =	stream.indirect.gather [hbm4b:s4+s14], $0x10, s10, s14, $0xb8;
	[tilespmem:$0xB7C0] =	vst v63  }
0x57: {  	s11 =	simm.s32 $0xD0  }
0x58: {  	[tilespmem:s19], [sflag:$0x3] =	stream.indirect.gather [hbm4b:s4+s14], $0x10, s11, s14, $0xb8;
	[tilespmem:$0xB7C0] =	vst v63  }
0x59: {  	s12 =	simm.s32 $0x138  }
0x5a: {  	[tilespmem:s21], [sflag:$0x4] =	stream.indirect.gather [hbm4b:s4+s14], $0x10, s12, s14, $0xb8;
	[tilespmem:$0xB7C0] =	vst v63  }
0x5b: {  	s25 =	simm.s32 $0x1A0;
	s8 =	simm.s32 $0x0  }
0x5c: {  	[tilespmem:s23], [sflag:$0x5] =	stream.indirect.gather [hbm4b:s4+s14], $0x10, s25, s14, $0xb8;
	[tilespmem:$0xB7C0] =	vst v63  }
.LBB2_2:
0x5d: {  	_ =	swait.ge [sflag:s24], $0x640  }
0x5e: {  	s11 =	sshra.s32 s8, $0x2;
	[sflag:s24] =	ssyncset.done $0x0  }
0x5f: {  	p0 =	seq.s32 s8, $0x0;
	s25 =	sadd.s32 $0x28A0, s11;
	[sflag:s24] =	ssyncadd.s32 $0xFFFFF9C0  }
0x60: {  	[spmem:s2] =	stream.indirect.scatter.add.f32 [tilespmem:s15], [sflag:$0xB], $0x10, s25, s14, $0xb8;
	[tilespmem:$0xB7C0] =	vst v63  }
0x61: {  	s25 =	simm.s32 @!p0 $0x10  }
0x62: {  	_ =	swait.ge @!p0 [sflag:s25], $0x640  }
0x63: {  	[sflag:s25] =	ssyncset.done @!p0 $0x0  }
0x64: {  	s12 =	sadd.s32 $0x208, s11;
	[sflag:s25] =	ssyncadd.s32 @!p0 $0xFFFFF9C0  }
0x65: {  	[tilespmem:s26], [sflag:$0x6] =	stream.indirect.gather [hbm4b:s4+s14], $0x10, s12, s14, $0xb8;
	[tilespmem:$0xB7C0] =	vst v63  }
0x66: {  	_ =	swait.ge [sflag:s28], $0x640  }
0x67: {  	[sflag:s28] =	ssyncset.done $0x0  }
0x68: {  	s3 =	sadd.s32 $0x2908, s11;
	s25 =	simm.s32 @!p0 $0x11;
	[sflag:s28] =	ssyncadd.s32 $0xFFFFF9C0  }
0x69: {  	[spmem:s2] =	stream.indirect.scatter.add.f32 [tilespmem:s17], [sflag:$0xC], $0x10, s3, s14, $0xb8;
	[tilespmem:$0xB7C0] =	vst v63  }
0x6a: {  	_ =	swait.ge @!p0 [sflag:s25], $0x640  }
0x6b: {  	[sflag:s25] =	ssyncset.done @!p0 $0x0  }
0x6c: {  	s5 =	sadd.s32 $0x270, s11;
	[sflag:s25] =	ssyncadd.s32 @!p0 $0xFFFFF9C0  }
0x6d: {  	[tilespmem:s29], [sflag:$0x7] =	stream.indirect.gather [hbm4b:s4+s14], $0x10, s5, s14, $0xb8;
	[tilespmem:$0xB7C0] =	vst v63  }
0x6e: {  	_ =	swait.ge [sflag:s30], $0x640  }
0x6f: {  	[sflag:s30] =	ssyncset.done $0x0  }
0x70: {  	s6 =	sadd.s32 $0x2970, s11;
	s25 =	simm.s32 @!p0 $0x12;
	[sflag:s30] =	ssyncadd.s32 $0xFFFFF9C0  }
0x71: {  	[spmem:s2] =	stream.indirect.scatter.add.f32 [tilespmem:s19], [sflag:$0xD], $0x10, s6, s14, $0xb8;
	[tilespmem:$0xB7C0] =	vst v63  }
0x72: {  	_ =	swait.ge @!p0 [sflag:s25], $0x640  }
0x73: {  	[sflag:s25] =	ssyncset.done @!p0 $0x0  }
0x74: {  	s10 =	sadd.s32 $0x2D8, s11;
	[sflag:s25] =	ssyncadd.s32 @!p0 $0xFFFFF9C0  }
0x75: {  	[tilespmem:s31], [sflag:$0x8] =	stream.indirect.gather [hbm4b:s4+s14], $0x10, s10, s14, $0xb8;
	[tilespmem:$0xB7C0] =	vst v63  }
0x76: {  	_ =	swait.ge [sflag:s1], $0x640  }
0x77: {  	[sflag:s1] =	ssyncset.done $0x0  }
0x78: {  	s12 =	sadd.s32 $0x29D8, s11;
	s25 =	simm.s32 @!p0 $0x13;
	[sflag:s1] =	ssyncadd.s32 $0xFFFFF9C0  }
0x79: {  	[spmem:s2] =	stream.indirect.scatter.add.f32 [tilespmem:s21], [sflag:$0xE], $0x10, s12, s14, $0xb8;
	[tilespmem:$0xB7C0] =	vst v63  }
0x7a: {  	_ =	swait.ge @!p0 [sflag:s25], $0x640  }
0x7b: {  	[sflag:s25] =	ssyncset.done @!p0 $0x0  }
0x7c: {  	s3 =	sadd.s32 $0x340, s11;
	[sflag:s25] =	ssyncadd.s32 @!p0 $0xFFFFF9C0  }
0x7d: {  	[tilespmem:s0], [sflag:$0x9] =	stream.indirect.gather [hbm4b:s4+s14], $0x10, s3, s14, $0xb8;
	[tilespmem:$0xB7C0] =	vst v63  }
0x7e: {  	_ =	swait.ge [sflag:s13], $0x640  }
0x7f: {  	[sflag:s13] =	ssyncset.done $0x0  }
0x80: {  	s5 =	sadd.s32 $0x2A40, s11;
	s25 =	simm.s32 @!p0 $0x14;
	[sflag:s13] =	ssyncadd.s32 $0xFFFFF9C0  }
0x81: {  	[spmem:s2] =	stream.indirect.scatter.add.f32 [tilespmem:s23], [sflag:$0xF], $0x10, s5, s14, $0xb8;
	[tilespmem:$0xB7C0] =	vst v63  }
0x82: {  	_ =	swait.ge @!p0 [sflag:s25], $0x640  }
0x83: {  	[sflag:s25] =	ssyncset.done @!p0 $0x0  }
0x84: {  	s6 =	sadd.s32 $0x3A8, s11;
	[sflag:s25] =	ssyncadd.s32 @!p0 $0xFFFFF9C0  }
0x85: {  	[tilespmem:s16], [sflag:$0xA] =	stream.indirect.gather [hbm4b:s4+s14], $0x10, s6, s14, $0xb8;
	[tilespmem:$0xB7C0] =	vst v63  }
0x86: {  	_ =	swait.ge [sflag:s18], $0x640  }
0x87: {  	p0 =	seq.s32 s8, $0x9240;
	[sflag:s18] =	ssyncset.done $0x0  }
0x88: {  	s10 =	sadd.s32 $0x2AA8, s11;
	s25 =	simm.s32 @p0 $0x7;
	[sflag:s18] =	ssyncadd.s32 $0xFFFFF9C0  }
0x89: {  	[spmem:s2] =	stream.indirect.scatter.add.f32 [tilespmem:s26], [sflag:$0x10], $0x10, s10, s14, $0xb8;
	[tilespmem:$0xB7C0] =	vst v63  }
0x8a: {  	_ =	swait.ge @p0 [sflag:s25], $0x640  }
0x8b: {  	[sflag:s25] =	ssyncset.done @p0 $0x0  }
0x8c: {  	[sflag:s25] =	ssyncadd.s32 @p0 $0xFFFFF9C0;
	s25 =	sshra.s32 @p0 s8, $0x2  }
0x8d: {  	s5 =	simm.s32 @p0 $0x64;
	s6 =	simm.s32 @p0 $0x76C0;
	s3 =	sadd.s32 @p0 $0x2B10, s25  }
0x8e: {  	[spmem:s2] =	stream.indirect.scatter.add.f32 @p0 [tilespmem:s6], [sflag:$0x11], $0x10, s3, s5, $0xb8;
	[tilespmem:$0xB7C0] =	vst v63  }
0x8f: {  	s3 =	simm.s32 @!p0 $0xB  }
0x90: {  	_ =	swait.ge @!p0 [sflag:s3], $0x640  }
0x91: {  	[sflag:s3] =	ssyncset.done @!p0 $0x0  }
0x92: {  	[sflag:s3] =	ssyncadd.s32 @!p0 $0xFFFFF9C0;
	s3 =	sshra.s32 @!p0 s8, $0x2  }
0x93: {  	s12 =	simm.s32 @!p0 $0x5140;
	s10 =	simm.s32 @!p0 $0x64;
	s6 =	sadd.s32 @!p0 $0x410, s3  }
0x94: {  	[tilespmem:s12], [sflag:$0x1] =	stream.indirect.gather @!p0 [hbm4b:s4+s10], $0x10, s6, s10, $0xb8;
	[tilespmem:$0xB7C0] =	vst v63  }
0x95: {  	s6 =	simm.s32 @!p0 $0x7  }
0x96: {  	_ =	swait.ge @!p0 [sflag:s6], $0x640  }
0x97: {  	[sflag:s6] =	ssyncset.done @!p0 $0x0  }
0x98: {  	s12 =	simm.s32 @!p0 $0x76C0;
	[sflag:s6] =	ssyncadd.s32 @!p0 $0xFFFFF9C0;
	s6 =	sadd.s32 @!p0 $0x2B10, s3  }
0x99: {  	[spmem:s2] =	stream.indirect.scatter.add.f32 @!p0 [tilespmem:s12], [sflag:$0x11], $0x10, s6, s10, $0xb8;
	[tilespmem:$0xB7C0] =	vst v63  }
0x9a: {  	s6 =	simm.s32 @!p0 $0xC  }
0x9b: {  	_ =	swait.ge @!p0 [sflag:s6], $0x640  }
0x9c: {  	[sflag:s6] =	ssyncset.done @!p0 $0x0  }
0x9d: {  	s12 =	simm.s32 @!p0 $0x5780;
	[sflag:s6] =	ssyncadd.s32 @!p0 $0xFFFFF9C0;
	s6 =	sadd.s32 @!p0 $0x478, s3  }
0x9e: {  	[tilespmem:s12], [sflag:$0x2] =	stream.indirect.gather @!p0 [hbm4b:s4+s10], $0x10, s6, s10, $0xb8;
	[tilespmem:$0xB7C0] =	vst v63  }
0x9f: {  	_ =	swait.ge [sflag:s20], $0x640  }
0xa0: {  	[sflag:s20] =	ssyncset.done $0x0  }
0xa1: {  	s12 =	sadd.s32 $0x2B78, s11;
	s6 =	simm.s32 @p0 $0x9;
	[sflag:s20] =	ssyncadd.s32 $0xFFFFF9C0  }
0xa2: {  	[spmem:s2] =	stream.indirect.scatter.add.f32 [tilespmem:s31], [sflag:$0x12], $0x10, s12, s14, $0xb8;
	[tilespmem:$0xB7C0] =	vst v63  }
0xa3: {  	_ =	swait.ge @p0 [sflag:s6], $0x640  }
0xa4: {  	[sflag:s6] =	ssyncset.done @p0 $0x0  }
0xa5: {  	s12 =	simm.s32 @p0 $0x8340;
	[sflag:s6] =	ssyncadd.s32 @p0 $0xFFFFF9C0;
	s6 =	sadd.s32 @p0 $0x2BE0, s25  }
0xa6: {  	[spmem:s2] =	stream.indirect.scatter.add.f32 @p0 [tilespmem:s12], [sflag:$0x13], $0x10, s6, s5, $0xb8;
	[tilespmem:$0xB7C0] =	vst v63  }
0xa7: {  	s5 =	simm.s32 @!p0 $0xD  }
0xa8: {  	_ =	swait.ge @!p0 [sflag:s5], $0x640  }
0xa9: {  	[sflag:s5] =	ssyncset.done @!p0 $0x0  }
0xaa: {  	s6 =	simm.s32 @!p0 $0x5DC0;
	[sflag:s5] =	ssyncadd.s32 @!p0 $0xFFFFF9C0;
	s5 =	sadd.s32 @!p0 $0x4E0, s3  }
0xab: {  	[tilespmem:s6], [sflag:$0x3] =	stream.indirect.gather @!p0 [hbm4b:s4+s10], $0x10, s5, s10, $0xb8;
	[tilespmem:$0xB7C0] =	vst v63  }
0xac: {  	s5 =	simm.s32 @!p0 $0x9  }
0xad: {  	_ =	swait.ge @!p0 [sflag:s5], $0x640  }
0xae: {  	[sflag:s5] =	ssyncset.done @!p0 $0x0  }
0xaf: {  	s6 =	simm.s32 @!p0 $0x8340;
	[sflag:s5] =	ssyncadd.s32 @!p0 $0xFFFFF9C0;
	s5 =	sadd.s32 @!p0 $0x2BE0, s3  }
0xb0: {  	[spmem:s2] =	stream.indirect.scatter.add.f32 @!p0 [tilespmem:s6], [sflag:$0x13], $0x10, s5, s10, $0xb8;
	[tilespmem:$0xB7C0] =	vst v63  }
0xb1: {  	s5 =	simm.s32 @!p0 $0xE  }
0xb2: {  	_ =	swait.ge @!p0 [sflag:s5], $0x640  }
0xb3: {  	[sflag:s5] =	ssyncset.done @!p0 $0x0  }
0xb4: {  	s3 =	sadd.s32 @!p0 $0x548, s3;
	[sflag:s5] =	ssyncadd.s32 @!p0 $0xFFFFF9C0;
	s5 =	simm.s32 @!p0 $0x6400  }
0xb5: {  	[tilespmem:s5], [sflag:$0x4] =	stream.indirect.gather @!p0 [hbm4b:s4+s10], $0x10, s3, s10, $0xb8;
	[tilespmem:$0xB7C0] =	vst v63  }
.Ltmp2:
0xb6: {  	_ = 	snop;
	(pc) =	sbr.rel @p0 .LBB2_4-.Ltmp2, $4  }
0xb7: {  	_ =	swait.ge [sflag:s22], $0x640  }
0xb8: {  	[sflag:s22] =	ssyncset.done $0x0  }
0xb9: {  	s25 =	sadd.s32 $0x2C48, s11;
	[sflag:s22] =	ssyncadd.s32 $0xFFFFF9C0  }
0xba: {  	[spmem:s2] =	stream.indirect.scatter.add.f32 [tilespmem:s16], [sflag:$0x14], $0x10, s25, s14, $0xb8;
	[tilespmem:$0xB7C0] =	vst v63  }
.Ltmp3:
0xbb: {  	(pc) =	sbr.rel .LBB2_2-.Ltmp3, $4  }
0xbc: {  	_ =	swait.ge [sflag:s9], $0x640  }
0xbd: {  	[sflag:s9] =	ssyncset.done $0x0  }
0xbe: {  	s3 =	sadd.s32 $0x5B0, s11;
	s8 =	sadd.s32 $0x1040, s8;
	[sflag:s9] =	ssyncadd.s32 $0xFFFFF9C0  }
0xbf: {  	[tilespmem:s23], [sflag:$0x5] =	stream.indirect.gather [hbm4b:s4+s14], $0x10, s3, s14, $0xb8;
	[tilespmem:$0xB7C0] =	vst v63  }
.LBB2_5:
0xc0: {  	_ =	sfence.sel $0x180000  }
0xc1: {  	[bflag:$0x0] =	sbarrier.arrive $0xFFFF  }
0xc2: {  	_ =	strace $0x9000004D  }
0xc3: {  	s0 =	stileid.u32;
	[bflag:$0x2] =	sbarrier.arrive $0xFFFF  }
0xc4: {  	p0 =	sne.s32 s0, $0x0;
	s0 =	rddreg [dreg:$0x2]  }
0xc5: {  	s0 =	sadd.s32 @!p0 $0x100000, s0  }
0xc6: {  	[sflag:s0] =	ssyncadd.tile.s32 @!p0 $0x1;
	_ =	shalt  }
.Lfunc_end2:
_tile_overlayer_lowered:
.L_overlay_start_2:
0xc7: {  	(tag) =	ssettag $0x2  }
0xc8: {  	s0 =	rddreg [dreg:$0x0];
	s2 =	stileid.u32  }
0xc9: {  	s1 =	rddreg [dreg:$0x1];
	p0 =	sne.s32 s2, $0x0  }
0xca: {  	s3 =	rddreg [dreg:$0x2];
	[bflag:$0x3] =	sbarrier.arrive $0xFFFF;
	s2 =	simm.s32 @!p0 $0x1C15  }
0xcb: {  	[timem:s3], [sflag:s2] =	dma.local @!p0 [hbm:s0], s1  }
0xcc: {  	s0 =	simm.s32 @!p0 $0x15  }
0xcd: {  	_ =	swait.ge @!p0 [sflag:s0], s1  }
0xce: {  	s1 =	ssub.s32 @!p0 $0x0, s1;
	[sflag:s0] =	ssyncset.done @!p0 $0x0  }
0xcf: {  	[sflag:s0] =	ssyncadd.s32 @!p0 s1  }
0xd0: {  	[bflag:$0x3] =	sbarrier.arrive $0xFFFF  }
0xd1: {  	_ =	shalt  }

// kernel: kernel.9.cloned.1.call-start
scs
__scs_entry_jumppad:
0x0: {  	(pc) =	sbr.rel $0x88, $3  }
0x1: {  	(tag) =	ssettag $0x0;
	lr =	simm.s32 $0x1  }
0x2: {  	[smem:$0x3F9B] =	sst lr;
	_ =	strace $0xD0000000  }
0x3: {  	_ = 	snop  }
0x4: {  	_ = 	snop  }
0x5: {  	_ = 	snop  }
0x6: {  	_ = 	snop  }
0x7: {  	_ = 	snop  }
__scs_overlays_trampoline_lowered:
0x8: {  	[smem:$0x3FAA] =	sst s0  }
0x9: {  	[smem:$0x3FAB] =	sst s1  }
0xa: {  	[smem:$0x3FAC] =	sst s2  }
0xb: {  	[smem:$0x3FAD] =	sst s3  }
0xc: {  	[smem:$0x3FAE] =	sst s4  }
0xd: {  	[smem:$0x3FAF] =	sst s5  }
0xe: {  	[smem:$0x3FB0] =	sst s6  }
0xf: {  	[smem:$0x3FB1] =	sst s7  }
0x10: {  	[smem:$0x3FB2] =	sst s8  }
0x11: {  	[smem:$0x3FB3] =	sst s9;
	s0 =	simm.s32 @!p0 $0x0  }
0x12: {  	s1 =	sld [smem:$0x3F99];
	s0 =	simm.s32 @p0 $0x1  }
0x13: {  	[smem:$0x3FB4] =	sst s0;
	s0 =	simm.s32 @!p1 $0x0  }
0x14: {  	s2 =	sld [smem:$0x3F98];
	s0 =	simm.s32 @p1 $0x1  }
0x15: {  	[smem:$0x3FB5] =	sst s0;
	s0 =	simm.s32 @!p2 $0x0  }
0x16: {  	s3 =	sld [smem:$0x3FDB];
	s0 =	simm.s32 @p2 $0x1  }
0x17: {  	s4 =	simm.s32 $0x1BF5;
	[smem:$0x3FB7] =	sst s0  }
0x18: {  	s0 =	sld [smem:$0x3F9A];
	_ =	swait.ge [sflag:s4], $0x0  }
0x19: {  	s7 =	sld [smem:$0x3F9B]  }
0x1a: {  	s8 =	sadd.s32 $0xFFFFE003, lr  }
0x1b: {  	s9 =	sadd.s32 $0xFFFFFEF7, lr;
	s5 =	simm.s32 $0xFFFFFFFF;
	p2 =	slt.u32 s8, $0xFFFFF086  }
0x1c: {  	p1 =	slt.u32 s9, $0xF7A;
	s5 =	simm.s32 @!p2 $0x0  }
0x1d: {  	s5 =	simm.s32 @p1 $0x1;
	p0 =	seq.s32 s7, s2  }
0x1e: {  	s7 =	smul.u32 @!p0 $0xF7A, s2;
	p2 =	seq.s32 @!p0 s5, $0x0  }
0x1f: {  	s9 =	smul.u32 $0xF7A, s1;
	s8 =	simm.s32 @!p0 $0x1BF5;
	p2 =	por !p2, p0  }
0x20: {  	[sflag:s8] =	ssyncset.s32 @!p0 $0xFFFFF086;
	s6 =	sadd.s32 @!p0 s3, s7;
	s7 =	simm.s32 @!p0 $0x108  }
0x21: {  	s3 =	sadd.s32 s3, s9;
	s6 =	sadd.s32 @!p0 $0x88, s6;
	s7 =	simm.s32 @p2 $0x1082  }
0x22: {  	[simem:s7], [sflag:s8] =	dma.local @!p0 [hbm:s6], $0xF7A  }
0x23: {  	s9 =	sor.u32 $0xD0000000, s2;
	s6 =	simm.s32 $0x108;
	_ =	swait.ge @!p0 [sflag:s8], $0x0  }
0x24: {  	s3 =	sadd.s32 $0x88, s3;
	s6 =	simm.s32 @!p1 $0x1082;
	[sflag:s4] =	ssyncset.s32 $0xFFFFF086  }
0x25: {  	[simem:s6], [sflag:s4] =	dma.local [hbm:s3], $0xF7A  }
0x26: {  	[smem:$0x3F9B] =	sst s1;
	(tag) =	ssettag s2;
	_ =	strace s9  }
0x27: {  	s1 =	sld [smem:$0x3FAB]  }
0x28: {  	s2 =	sld [smem:$0x3FAC]  }
0x29: {  	s4 =	sld [smem:$0x3FAE]  }
0x2a: {  	p0 =	seq.s32 s5, $0x0;
	s5 =	sld [smem:$0x3FAF]  }
0x2b: {  	s6 =	sld [smem:$0x3FB0]  }
0x2c: {  	s7 =	sld [smem:$0x3FB1]  }
0x2d: {  	s3 =	simm.s32 $0x108;
	s8 =	sld [smem:$0x3FB2]  }
0x2e: {  	s3 =	simm.s32 @!p0 $0x1082;
	s9 =	sld [smem:$0x3FB3]  }
0x2f: {  	lr =	sadd.s32 s0, s3;
	s0 =	sld [smem:$0x3FAA]  }
0x30: {  	s3 =	sld [smem:$0x3FAD]  }
0x31: {  	[smem:$0x3FB6] =	sst s10  }
0x32: {  	s10 =	sld [smem:$0x3FB4];
	_ =	sdelay $0x3  }
0x33: {  	p0 =	seq.s32 s10, $0x1;
	s10 =	sld [smem:$0x3FB6];
	_ =	sdelay $0x3  }
0x34: {  	[smem:$0x3FB6] =	sst s10  }
0x35: {  	s10 =	sld [smem:$0x3FB5];
	_ =	sdelay $0x3  }
0x36: {  	p1 =	seq.s32 s10, $0x1;
	s10 =	sld [smem:$0x3FB6];
	_ =	sdelay $0x3  }
0x37: {  	[smem:$0x3FB6] =	sst s10  }
0x38: {  	s10 =	sld [smem:$0x3FB7]  }
0x39: {  	_ = 	snop;
	(pc) =	sbr.ind lr, $3  }
0x3a: {  	_ = 	snop  }
0x3b: {  	_ = 	snop  }
0x3c: {  	p2 =	seq.s32 s10, $0x1;
	s10 =	sld [smem:$0x3FB6]  }
0x3d: {  	_ =	shalt  }
0x3e: {  	_ =	shalt  }
0x3f: {  	_ =	shalt  }
0x40: {  	_ =	shalt  }
0x41: {  	_ =	shalt  }
0x42: {  	_ =	shalt  }
0x43: {  	_ =	shalt  }
0x44: {  	_ =	shalt  }
0x45: {  	_ =	shalt  }
0x46: {  	_ =	shalt  }
0x47: {  	_ =	shalt  }
0x48: {  	_ =	shalt  }
0x49: {  	_ =	shalt  }
0x4a: {  	_ =	shalt  }
0x4b: {  	_ =	shalt  }
0x4c: {  	_ =	shalt  }
0x4d: {  	_ =	shalt  }
0x4e: {  	_ =	shalt  }
0x4f: {  	_ =	shalt  }
0x50: {  	_ =	shalt  }
0x51: {  	_ =	shalt  }
0x52: {  	_ =	shalt  }
0x53: {  	_ =	shalt  }
0x54: {  	_ =	shalt  }
0x55: {  	_ =	shalt  }
0x56: {  	_ =	shalt  }
0x57: {  	_ =	shalt  }
0x58: {  	_ =	shalt  }
0x59: {  	_ =	shalt  }
0x5a: {  	_ =	shalt  }
0x5b: {  	_ =	shalt  }
0x5c: {  	_ =	shalt  }
0x5d: {  	_ =	shalt  }
0x5e: {  	_ =	shalt  }
0x5f: {  	_ =	shalt  }
0x60: {  	_ =	shalt  }
0x61: {  	_ =	shalt  }
0x62: {  	_ =	shalt  }
0x63: {  	_ =	shalt  }
0x64: {  	_ =	shalt  }
0x65: {  	_ =	shalt  }
0x66: {  	_ =	shalt  }
0x67: {  	_ =	shalt  }
0x68: {  	_ =	shalt  }
0x69: {  	_ =	shalt  }
0x6a: {  	_ =	shalt  }
0x6b: {  	_ =	shalt  }
0x6c: {  	_ =	shalt  }
0x6d: {  	_ =	shalt  }
0x6e: {  	_ =	shalt  }
0x6f: {  	_ =	shalt  }
0x70: {  	_ =	shalt  }
0x71: {  	_ =	shalt  }
0x72: {  	_ =	shalt  }
0x73: {  	_ =	shalt  }
0x74: {  	_ =	shalt  }
0x75: {  	_ =	shalt  }
0x76: {  	_ =	shalt  }
0x77: {  	_ =	shalt  }
0x78: {  	_ =	shalt  }
0x79: {  	_ =	shalt  }
0x7a: {  	_ =	shalt  }
0x7b: {  	_ =	shalt  }
0x7c: {  	_ =	shalt  }
0x7d: {  	_ =	shalt  }
0x7e: {  	_ =	shalt  }
0x7f: {  	_ =	shalt  }
0x80: {  	_ =	shalt  }
0x81: {  	_ =	shalt  }
0x82: {  	_ =	shalt  }
0x83: {  	_ =	shalt  }
0x84: {  	_ =	shalt  }
0x85: {  	_ =	shalt  }
0x86: {  	_ =	shalt  }
0x87: {  	_ =	shalt  }
.Lfunc_end0:
.L_simem_size_0:
called_computation_lowered:
.L_overlay_start_0:
0x88: {  	s2 =	sld [smem:$0x3FD9]  }
0x89: {  	s3 =	sld [smem:$0x3FFE];
	_ =	sdelay $0x1  }
0x8a: {  	s1 =	srdreg.scid  }
0x8b: {  	s0 =	sand.u32 $0x1, s1  }
0x8c: {  	s16 =	sshll.u32 s0, $0xA;
	s2 =	sadd.s32 s3, s2  }
0x8d: {  	s2 =	sadd.s32 s2, s16  }
0x8e: {  	[smem:$0x3FC2] =	sst s2  }
0x8f: {  	_ = 	snop  }
0x90: {  	(tm) =	ssettm $0x1  }
0x91: {  	s17 =	sld [smem:$0x3FFB];
	_ =	sdelay $0x3  }
0x92: {  	_ =	strace s17  }
0x93: {  	s2 =	sld [smem:$0x3FFC];
	_ =	sdelay $0x3  }
0x94: {  	_ =	strace s2  }
0x95: {  	s2 =	sld [smem:$0x3FFD];
	_ =	sdelay $0x3  }
0x96: {  	_ =	strace s2  }
0x97: {  	_ =	strace $0x8FFFFFFF  }
0x98: {  	s18 =	sld [smem:$0x3FDB];
	_ =	sdelay $0x1  }
0x99: {  	s19 =	simm.s32 $_scs_section_size  }
0x9a: {  	s4 =	simm.s32 $_size__tile_overlayer_lowered;
	s5 =	simm.s32 $_tile_overlayer_lowered  }
0x9b: {  	s22 =	simm.s32 $0x1BFF;
	s21 =	sshll.u32 s5, $0x1;
	s2 =	sadd.s32 s19, s18  }
0x9c: {  	s6 =	simm.s32 $0x0;
	s20 =	sshll.u32 s4, $0x1;
	s4 =	sadd.s32 s21, s2  }
0x9d: {  	[timem:s6], [sflag:s22] =	dma.local [hbm:s4], s20  }
0x9e: {  	_ =	swait.ge [sflag:s22], s20  }
0x9f: {  	s3 =	ssub.s32 $0x0, s20;
	[sflag:s22] =	ssyncset.done $0x0  }
0xa0: {  	[sflag:s22] =	ssyncadd.s32 s3;
	_ =	sdelay $0x1  }
0xa1: {  	s23 =	simm.s32 $0x1B8B  }
0xa2: {  	_ =	swait.ge [sflag:s23], $0x1  }
0xa3: {  	[sflag:s23] =	ssyncset.done $0x0  }
0xa4: {  	s25 =	simm.s32 $0x1B8E;
	s24 =	sld [smem:$0x3FFE];
	[sflag:s23] =	ssyncadd.s32 $0xFFFFFFFF  }
0xa5: {  	s26 =	simm.s32 $execute0_lowered;
	[smem:$0x3FD2] =	sst s25  }
0xa6: {  	s4 =	sshll.u32 s26, $0x1;
	_ =	strace $0x80000046;
	[dreg:$0x1] =	wrdreg $0xFFFFFFFF  }
0xa7: {  	s28 =	simm.s32 $_size_execute0_lowered;
	s2 =	sadd.s32 s2, s4;
	[dreg:$0x0] =	wrdreg $0x0  }
0xa8: {  	s4 =	sshll.u32 s28, $0x1;
	[dreg:$0x2] =	wrdreg s2  }
0xa9: {  	[dreg:$0x3] =	wrdreg s4  }
0xaa: {  	[dreg:$0x4] =	wrdreg $0xC0  }
0xab: {  	_ =	task [dreg:s6], $0x5FFFF  }
0xac: {  	[dreg:$0x1] =	wrdreg $0xFFFFFFFF  }
0xad: {  	[dreg:$0x0] =	wrdreg $0x60  }
0xae: {  	[dreg:$0x2] =	wrdreg s24  }
0xaf: {  	[dreg:$0x3] =	wrdreg $0x2EE00  }
0xb0: {  	[dreg:$0x4] =	wrdreg $0x9  }
0xb1: {  	_ =	task.clear_ibuf [dreg:s6], $0x5FFFF;
	_ =	strace $0x90000046  }
0xb2: {  	s29 =	simm.s32 $0x9;
	_ =	strace $0x80000048  }
0xb3: {  	_ =	swait.ge [sflag:s29], $0x1  }
0xb4: {  	[sflag:s29] =	ssyncadd.s32 $0xFFFFFFFF  }
0xb5: {  	_ =	strace $0x90000048  }
0xb6: {  	_ =	sfence  }
0xb7: {  	s30 =	sld [smem:$0x0];
	_ =	sdelay $0x2  }
0xb8: {  	s31 =	sshll.u32 s1, $0xD;
	s1 =	sshrl.u32 s1, $0x2  }
0xb9: {  	s3 =	sand.u32 $0x4000, s31;
	s1 =	sadd.s32 s1, s30  }
0xba: {  	s0 =	sor.u32 s3, s0;
	s1 =	sshll.u32 s1, $0x11  }
0xbb: {  	s0 =	sor.u32 s1, s0  }
0xbc: {  	s0 =	sadd.s32 $0x8F2B, s0  }
0xbd: {  	[sflag:s0] =	ssyncadd.remote.s32 $0x1  }
0xbe: {  	_ =	sfence.sel $0xFFFF  }
0xbf: {  	[dreg:$0x0] =	wrdreg $0xFFFFFFFF;
	(pc) =	sbr.abs _section_cstart, $3  }
0xc0: {  	[dreg:$0x1] =	wrdreg $0xFFFFFFFF  }
0xc1: {  	_ =	task.clear_ibuf [dreg:s6], $0x2FFFF;
	_ =	strace $0x9FFFFFFF  }
0xc2: {  	(tm) =	ssettm $0x7FFFFFFF  }
0xc3: {  	_ =	shalt  }
tec
execute0_lowered:
.L_overlay_start_1:
0x0: {  	(tag) =	ssettag $0x1  }
0x1: {  	s4 =	rddreg [dreg:$0x0]  }
0x2: {  	s2 =	rddreg [dreg:$0x1]  }
0x3: {  	s0 =	rddreg [dreg:$0x2];
	s3 =	simm.s32 $0x0;
	s1 =	stileid.u32  }
0x4: {  	s6 =	srdreg.scid;
	s12 =	simm.s32 $0x28A0;
	s5 =	smul.u32 $0x2800, s1  }
0x5: {  	[smem:$0x7FF] =	sst s3;
	s6 =	sand.u32 $0x1, s6;
	s7 =	smul.u32 $0x500, s1  }
0x6: {  	s8 =	sshll.u32 s1, $0x1;
	s31 =	sshll.u32 s1, $0x6;
	_ =	strace $0x80000047  }
0x7: {  	s9 =	smul.u32 $0x5000, s6;
	s8 =	sor.u32 s6, s8;
	s6 =	ssub.s32 $0x2, s6  }
0x8: {  	s10 =	sshrl.u32 s5, $0x3;
	s8 =	smul.u32 $0x28A0, s8;
	s29 =	sshrl.u32 s6, $0x1  }
0x9: {  	s11 =	sadd.s32 s5, s2;
	s5 =	sor.u32 $0x1C01, s31;
	s7 =	sadd.s32 s7, s9  }
0xa: {  	s10 =	sadd.s32 s10, s4;
	s9 =	ssub.s32 s6, s29;
	s7 =	sadd.s32 s7, s4  }
0xb: {  	s30 =	sshrl.u32 s8, $0x3;
	s8 =	smax.u32 s9, $0x1;
	s9 =	sshrl.u32 s11, $0x3  }
0xc: {  	s11 =	simm.s32 $0x64;
	s6 =	sadd.s32 s4, s30;
	s4 =	sadd.s32 $0x16400, s10  }
0xd: {  	v0 =	vimm.f32 $1.000000000e+00;
	s7 =	sadd.s32 $0x1B400, s7;
	s10 =	simm.s32 $0x1;
	s6 =	sadd.s32 $0xC080, s6  }
.LBB2_1:
0xe: {  	s13 =	simm.s32 $0x40;
	s14 =	simm.s32 $0x0  }
.LBB2_2:
0xf: {  	p0 =	sne.s32 s13, $0x18C0;
	[tilespmem:s14+$0x28A0] =	vst v0;
	s14 =	smov.u32 s13;
	s13 =	sadd.s32 $0x40, s13  }
.Ltmp0:
0x10: {  	(pc) =	sbr.rel @p0 .LBB2_2-.Ltmp0, $2  }
0x11: {  	_ =	sdelay $0x2  }
0x12: {  	s14 =	sshra.s32 s14, $0x2  }
0x13: {  	[tilespmem:s14+$0x28A0] =	vst v0  }
0x14: {  	[spmem:s9], [sflag:s5] =	dma.local [hbm:s4], $0x500  }
0x15: {  	_ =	swait.ge [sflag:s10], $0x500  }
0x16: {  	[sflag:s10] =	ssyncset.done $0x0  }
0x17: {  	[sflag:s10] =	ssyncadd.s32 $0xFFFFFB00  }
0x18: {  	s13 =	simm.s32 $0x0;
	[bflag:$0x0] =	sbarrier.arrive $0xFFFF  }
0x19: {  	[tilespmem:s13], [sflag:$0x1] =	stream.linear.gather [hbm4b:s6+s13], $0x28A0, $0x38;
	[tilespmem:$0x56E0] =	vst v63  }
0x1a: {  	_ =	swait.ge [sflag:s10], $0x28A0  }
0x1b: {  	[sflag:s10] =	ssyncset.done $0x0  }
0x1c: {  	s31 =	simm.s32 $0x0;
	[sflag:s10] =	ssyncadd.s32 $0xFFFFD760  }
0x1d: {  	[spmem:s2] =	stream.indirect.scatter.add.f32 [tilespmem:s12], [sflag:$0x1], $0x10, s31, s11, $0xb8;
	[tilespmem:$0x56E0] =	vst v63  }
0x1e: {  	_ =	swait.ge [sflag:s10], $0x640  }
0x1f: {  	s13 =	simm.s32 $0x1A0;
	[sflag:s10] =	ssyncset.done $0x0  }
.LBB2_4:
0x20: {  	s14 =	sshra.s32 s13, $0x2;
	[sflag:s10] =	ssyncadd.s32 $0xFFFFF9C0;
	p0 =	sne.s32 s13, $0xA0E0  }
0x21: {  	[spmem:s2] =	stream.indirect.scatter.add.f32 [tilespmem:s12], [sflag:$0x1], $0x10, s14, s11, $0xb8;
	[tilespmem:$0x56E0] =	vst v63  }
.Ltmp1:
0x22: {  	_ = 	snop;
	(pc) =	sbr.rel @p0 .LBB2_4-.Ltmp1, $4  }
0x23: {  	_ = 	snop  }
0x24: {  	s13 =	sadd.s32 $0x1A0, s13  }
0x25: {  	_ =	swait.ge [sflag:s10], $0x640  }
0x26: {  	[sflag:s10] =	ssyncset.done $0x0  }
0x27: {  	s3 =	sadd.s32 $0x1, s3  }
0x28: {  	[sflag:s10] =	ssyncadd.s32 $0xFFFFF9C0;
	p0 =	sne.s32 s3, s8  }
.Ltmp2:
0x29: {  	[bflag:$0x0] =	sbarrier.arrive $0xFFFF;
	(pc) =	sbr.rel @p0 .LBB2_1-.Ltmp2, $4  }
0x2a: {  	[hbm:s7], [sflag:s5] =	dma.local [spmem:s9], $0x500  }
0x2b: {  	_ =	swait.ge [sflag:s10], $0x500  }
0x2c: {  	[sflag:s10] =	ssyncset.done $0x0  }
0x2d: {  	[sflag:s10] =	ssyncadd.s32 $0xFFFFFB00  }
0x2e: {  	_ =	sfence.sel $0x180000  }
0x2f: {  	[bflag:$0x0] =	sbarrier.arrive $0xFFFF  }
0x30: {  	p0 =	sne.s32 s1, $0x0;
	_ =	strace $0x90000047  }
0x31: {  	s0 =	sadd.s32 @!p0 $0x100000, s0;
	[bflag:$0x2] =	sbarrier.arrive $0xFFFF  }
0x32: {  	[sflag:s0] =	ssyncadd.tile.s32 @!p0 $0x1;
	_ =	shalt  }
.Lfunc_end2:
_tile_overlayer_lowered:
.L_overlay_start_2:
0x33: {  	(tag) =	ssettag $0x2  }
0x34: {  	s0 =	rddreg [dreg:$0x0];
	s2 =	stileid.u32  }
0x35: {  	s1 =	rddreg [dreg:$0x1];
	p0 =	sne.s32 s2, $0x0  }
0x36: {  	s3 =	rddreg [dreg:$0x2];
	[bflag:$0x3] =	sbarrier.arrive $0xFFFF;
	s2 =	simm.s32 @!p0 $0x1C01  }
0x37: {  	[timem:s3], [sflag:s2] =	dma.local @!p0 [hbm:s0], s1  }
0x38: {  	s0 =	simm.s32 @!p0 $0x1  }
0x39: {  	_ =	swait.ge @!p0 [sflag:s0], s1  }
0x3a: {  	s1 =	ssub.s32 @!p0 $0x0, s1;
	[sflag:s0] =	ssyncset.done @!p0 $0x0  }
0x3b: {  	[sflag:s0] =	ssyncadd.s32 @!p0 s1  }
0x3c: {  	[bflag:$0x3] =	sbarrier.arrive $0xFFFF  }
0x3d: {  	_ =	shalt  }

</sc_bundles>
